<compile_context>
chip_gen: v7x
topology: tpu7x:2x2x1
jax: 0.10.2.dev20260603
libtpu: 0.0.44.dev20260713+nightly
codegen_flags: <defaults>
</compile_context>

<pallas_src>
import functools

import jax
import jax.numpy as jnp
from jax import lax
from jax.experimental import pallas as pl
from jax.experimental.pallas import tpu as pltpu
from jax.experimental.pallas import tpu_sc as plsc

NC = 2
NS = 16
CH = 128


def _lrelu(v):
    return jnp.where(v >= 0, v, v * 0.01)


def _mesh():
    return plsc.VectorSubcoreMesh(core_axis_name="c", subcore_axis_name="s",
                                  num_cores=NC, num_subcores=NS)


KB = 40


@functools.lru_cache(maxsize=None)
def _make_sc_deg(n_pad, kch):
    rows = n_pad // NS

    @functools.partial(
        pl.kernel,
        out_type=jax.ShapeDtypeStruct((NC, n_pad, 128), jnp.float32),
        mesh=_mesh(),
        scratch_types=[
            pltpu.VMEM((kch, CH), jnp.int32),
            pltpu.VMEM((CH, 128), jnp.float32),
            pltpu.VMEM_SHARED((n_pad, 128), jnp.float32),
            pltpu.SemaphoreType.DMA,
        ],
    )
    def sc_deg(dst_hbm, ones_hbm, zeros_hbm, out_hbm, dst_v, ones_v, deg_sh,
               sem):
        c = lax.axis_index("c")
        s = lax.axis_index("s")
        wid = c * NS + s
        r0 = s * rows
        pltpu.sync_copy(zeros_hbm, deg_sh.at[pl.ds(r0, rows)])
        pltpu.sync_copy(dst_hbm.at[pl.ds(wid * kch, kch)], dst_v)
        pltpu.sync_copy(ones_hbm, ones_v)
        plsc.subcore_barrier()

        def body(g, carry):
            for jj in range(8):
                pltpu.async_copy(ones_v, deg_sh.at[dst_v.at[g * 8 + jj]], sem,
                                 add=True)
            for jj in range(8):
                pltpu.make_async_copy(ones_v, deg_sh.at[dst_v.at[g * 8 + jj]],
                                      sem).wait()
            return carry

        lax.fori_loop(0, kch // 8, body, 0)
        plsc.subcore_barrier()
        pltpu.sync_copy(deg_sh.at[pl.ds(r0, rows)],
                        out_hbm.at[c, pl.ds(r0, rows)])

    return sc_deg


@functools.lru_cache(maxsize=None)
def _make_sc_agg(n_pad, kch0, kch1, d):
    rows = n_pad // NS

    @functools.partial(
        pl.kernel,
        out_type=jax.ShapeDtypeStruct((NC, n_pad, d), jnp.float32),
        mesh=_mesh(),
        scratch_types=[
            pltpu.VMEM((KB, CH), jnp.int32),
            pltpu.VMEM((KB, CH), jnp.int32),
            pltpu.VMEM((CH, d), jnp.float32),
            pltpu.VMEM((CH, d), jnp.float32),
            pltpu.VMEM_SHARED((n_pad, d), jnp.float32),
            pltpu.SemaphoreType.DMA,
            pltpu.SemaphoreType.DMA,
        ],
    )
    def sc_agg(xs_hbm, src_hbm, dst_hbm, zeros_hbm, out_hbm,
               src_v, dst_v, bufa, bufb, agg_sh, sema, semb):
        c = lax.axis_index("c")
        s = lax.axis_index("s")
        r0 = s * rows
        kc = jnp.where(c == 0, kch0, kch1)
        cbase = jnp.where(c == 0, s * kch0, NS * kch0 + s * kch1)
        pltpu.sync_copy(zeros_hbm, agg_sh.at[pl.ds(r0, rows)])
        plsc.subcore_barrier()

        def outer(b, carry):
            pltpu.sync_copy(src_hbm.at[pl.ds(cbase + b * KB, KB)], src_v)
            pltpu.sync_copy(dst_hbm.at[pl.ds(cbase + b * KB, KB)], dst_v)
            pltpu.async_copy(xs_hbm.at[src_v.at[0]], bufa, sema)
            pltpu.async_copy(xs_hbm.at[src_v.at[1]], bufb, semb)

            def body(jj, carry2):
                j0 = jj * 2
                j1 = j0 + 1
                pltpu.make_async_copy(xs_hbm.at[src_v.at[j0]], bufa, sema).wait()
                pltpu.sync_copy(bufa, agg_sh.at[dst_v.at[j0]], add=True)
                pltpu.async_copy(xs_hbm.at[src_v.at[j0 + 2]], bufa, sema)
                pltpu.make_async_copy(xs_hbm.at[src_v.at[j1]], bufb, semb).wait()
                pltpu.sync_copy(bufb, agg_sh.at[dst_v.at[j1]], add=True)
                pltpu.async_copy(xs_hbm.at[src_v.at[j1 + 2]], bufb, semb)
                return carry2

            lax.fori_loop(0, KB // 2 - 1, body, 0)
            pltpu.make_async_copy(xs_hbm.at[src_v.at[KB - 2]], bufa, sema).wait()
            pltpu.sync_copy(bufa, agg_sh.at[dst_v.at[KB - 2]], add=True)
            pltpu.make_async_copy(xs_hbm.at[src_v.at[KB - 1]], bufb, semb).wait()
            pltpu.sync_copy(bufb, agg_sh.at[dst_v.at[KB - 1]], add=True)
            return carry

        lax.fori_loop(0, kc // KB, outer, 0)
        plsc.subcore_barrier()
        pltpu.sync_copy(agg_sh.at[pl.ds(r0, rows)],
                        out_hbm.at[c, pl.ds(r0, rows)])

    return sc_agg


def _tc_norm(u_p, a_p, trans_w, trans_b2, n_users, n_real):
    n_pad, d = u_p.shape
    blk = 1024
    grid = (n_pad // blk,)

    def body(u_ref, a_ref, w_ref, b_ref, x_ref):
        i = pl.program_id(0)
        h = lax.dot_general(a_ref[...], w_ref[...], (((1,), (1,)), ((), ())),
                            preferred_element_type=jnp.float32)
        row = lax.broadcasted_iota(jnp.int32, (blk, 1), 0) + i * blk
        mask = (row >= n_users) & (row < n_real)
        xc = u_ref[...] + jnp.where(mask, h + b_ref[...], 0.0)
        nrm = jnp.sqrt(jnp.sum(xc * xc, axis=1, keepdims=True))
        x_ref[...] = xc / jnp.maximum(nrm, 1e-12)

    return pl.pallas_call(
        body,
        grid=grid,
        in_specs=[
            pl.BlockSpec((blk, d), lambda i: (i, 0)),
            pl.BlockSpec((blk, d), lambda i: (i, 0)),
            pl.BlockSpec((d, d), lambda i: (0, 0)),
            pl.BlockSpec((1, d), lambda i: (0, 0)),
        ],
        out_specs=pl.BlockSpec((blk, d), lambda i: (i, 0)),
        out_shape=jax.ShapeDtypeStruct((n_pad, d), jnp.float32),
    )(u_p, a_p, trans_w, trans_b2)


def _tc_scale(x, deg_parts):
    n_pad, d = x.shape
    blk = 1024
    grid = (n_pad // blk,)

    def body(x_ref, deg_ref, xs_ref, rd_ref):
        deg = jnp.sum(deg_ref[...], axis=(0, 2)) * (1.0 / 128.0)
        rdeg = lax.rsqrt(jnp.maximum(deg, 1.0))
        xs_ref[...] = x_ref[...] * rdeg[:, None]
        rd_ref[...] = jnp.broadcast_to(rdeg[:, None], (blk, d))

    return pl.pallas_call(
        body,
        grid=grid,
        in_specs=[
            pl.BlockSpec((blk, d), lambda i: (i, 0)),
            pl.BlockSpec((NC, blk, 128), lambda i: (0, i, 0)),
        ],
        out_specs=[
            pl.BlockSpec((blk, d), lambda i: (i, 0)),
            pl.BlockSpec((blk, d), lambda i: (i, 0)),
        ],
        out_shape=[
            jax.ShapeDtypeStruct((n_pad, d), jnp.float32),
            jax.ShapeDtypeStruct((n_pad, d), jnp.float32),
        ],
    )(x, deg_parts)


def _tc_layer(agg_parts, rdeg128, ne_p, w, dw, db2, ow, ob2, out_rows=None):
    _, n_pad, d = agg_parts.shape
    n_out = n_pad if out_rows is None else out_rows
    blk = 1024 if out_rows is None else out_rows // 10
    grid = (n_out // blk,)

    def body(ap_ref, rd_ref, ne_ref, w_ref, dw_ref, db_ref, ow_ref, ob_ref,
             xn_ref, xs_ref):
        rdeg = rd_ref[...]
        a = jnp.sum(ap_ref[...], axis=0) * rdeg
        hh = _lrelu(lax.dot_general(a, w_ref[...], (((1,), (0,)), ((), ())),
                                    preferred_element_type=jnp.float32))
        u = _lrelu(lax.dot_general(hh, dw_ref[...], (((1,), (1,)), ((), ())),
                                   preferred_element_type=jnp.float32)
                   + db_ref[...] + ne_ref[...])
        xn = _lrelu(lax.dot_general(hh, ow_ref[...], (((1,), (1,)), ((), ())),
                                    preferred_element_type=jnp.float32)
                    + ob_ref[...] + u)
        xn_ref[...] = xn
        xs_ref[...] = xn * rdeg

    return pl.pallas_call(
        body,
        grid=grid,
        in_specs=[
            pl.BlockSpec((NC, blk, d), lambda i: (0, i, 0)),
            pl.BlockSpec((blk, d), lambda i: (i, 0)),
            pl.BlockSpec((blk, d), lambda i: (i, 0)),
            pl.BlockSpec((d, d), lambda i: (0, 0)),
            pl.BlockSpec((d, d), lambda i: (0, 0)),
            pl.BlockSpec((1, d), lambda i: (0, 0)),
            pl.BlockSpec((d, d), lambda i: (0, 0)),
            pl.BlockSpec((1, d), lambda i: (0, 0)),
        ],
        out_specs=[
            pl.BlockSpec((blk, d), lambda i: (i, 0)),
            pl.BlockSpec((blk, d), lambda i: (i, 0)),
        ],
        out_shape=[
            jax.ShapeDtypeStruct((n_out, d), jnp.float32),
            jax.ShapeDtypeStruct((n_out, d), jnp.float32),
        ],
    )(agg_parts, rdeg128, ne_p, w, dw, db2, ow, ob2)


def kernel(feat, node_emb, edge_index, user_feat_emb, trans_w, trans_b,
           ws, des_w, des_b, outs_w, outs_b):
    n_users, d = user_feat_emb.shape
    n_items = feat.shape[0]
    n = n_users + n_items
    e = edge_index.shape[1]
    nw = NC * NS

    kt = -(-(2 * (-(-e // (nw * CH)))) // (2 * KB)) * (2 * KB)
    kch0 = min(max(KB, int(round(kt * 0.5 / KB)) * KB), kt - KB)
    kch1 = kt - kch0
    kch = kt // 2
    e_pad = NS * kt * CH
    n_pad = -(-(n + 128) // 2560) * 2560

    src = edge_index[0].astype(jnp.int32)
    dst = edge_index[1].astype(jnp.int32)
    pad_e = e_pad - e
    pad_idx = n + (jnp.arange(pad_e, dtype=jnp.int32) % 128)
    srcp = jnp.concatenate([src, pad_idx]).reshape(e_pad // CH, CH)
    dstp = jnp.concatenate([dst, pad_idx]).reshape(e_pad // CH, CH)

    rows = n_pad // NS
    zeros_big = jnp.zeros((rows, d), jnp.float32)
    ones128 = jnp.ones((CH, d), jnp.float32)

    u_p = jnp.pad(user_feat_emb, ((0, n_pad - n_users), (0, 0)))
    a_p = jnp.pad(feat, ((n_users, n_pad - n), (0, 0)))
    ne_p = jnp.pad(node_emb, ((0, n_pad - n), (0, 0)))

    deg_parts = _make_sc_deg(n_pad, kch)(dstp, ones128, zeros_big)
    x0 = _tc_norm(u_p, a_p, trans_w, trans_b.reshape(1, d), n_users, n)
    xs, rdeg128 = _tc_scale(x0, deg_parts)

    sc_agg = _make_sc_agg(n_pad, kch0, kch1, d)
    last_rows = n if (n % 10 == 0 and (n // 10) % 8 == 0) else None
    xn = None
    for i in range(len(ws)):
        agg_parts = sc_agg(xs, srcp, dstp, zeros_big)
        last = i == len(ws) - 1
        xn, xs = _tc_layer(agg_parts, rdeg128, ne_p, ws[i], des_w[i],
                           des_b[i].reshape(1, d), outs_w[i],
                           outs_b[i].reshape(1, d),
                           out_rows=last_rows if last else None)
    return (xn[:n], user_feat_emb)

# --- scband reference (transcript-rebuilt; emitter-appended) ---
"""Pipeline reference for scband-gcn-23029614641915 (READ-ONLY COPY).

The authoritative reference and input builder live on the scoring server;
editing this copy changes nothing except your own understanding.
"""

import jax, jax.numpy as jnp
import numpy as np

NUM_USERS = 2000
NUM_ITEMS = 8000
N = NUM_USERS + NUM_ITEMS
E = 320000
DIM_FEAT = 128
HID = 128
EMB = 128
K = 3


def _xavier(key, shape):
    fan_in, fan_out = shape[1], shape[0]
    std = float(np.sqrt(2.0 / (fan_in + fan_out)))
    return jax.random.normal(key, shape, dtype=jnp.float32) * std


def setup_inputs(seed: int = 0) -> dict:
    key = jax.random.key(seed)
    ks = jax.random.split(key, 32)
    inp = {}
    inp['feat'] = jax.random.normal(ks[0], (NUM_ITEMS, DIM_FEAT), dtype=jnp.float32)
    inp['node_emb'] = jax.random.normal(ks[1], (N, EMB), dtype=jnp.float32)
    inp['edge_index'] = jax.random.randint(ks[2], (2, E), 0, N, dtype=jnp.int32)
    # learned parameters
    inp['user_feat_emb'] = _xavier(ks[3], (NUM_USERS, HID))
    inp['trans_w'] = _xavier(ks[4], (HID, DIM_FEAT))
    inp['trans_b'] = jnp.zeros((HID,), dtype=jnp.float32)
    inp['ws'] = [_xavier(ks[5 + i], (HID, HID)) for i in range(K)]
    inp['des_w'] = [_xavier(ks[10 + i], (EMB, HID)) for i in range(K)]
    inp['des_b'] = [jnp.zeros((EMB,), dtype=jnp.float32) for _ in range(K)]
    inp['outs_w'] = [_xavier(ks[15 + i], (EMB, HID)) for i in range(K)]
    inp['outs_b'] = [jnp.zeros((EMB,), dtype=jnp.float32) for _ in range(K)]
    return inp


def _gcn_prop(x, src, dst, w, n):
    # g.func(feat, W): symmetric-normalized adjacency aggregation followed by W
    deg = jnp.zeros((n,), x.dtype).at[dst].add(1.0)
    deg = jnp.maximum(deg, 1.0)
    coeff = jax.lax.rsqrt(deg[src] * deg[dst])
    msg = jnp.take(x, src, axis=0) * coeff[:, None]
    agg = jnp.zeros((n, x.shape[1]), x.dtype).at[dst].add(msg)
    return agg @ w


def reference(feat, node_emb, edge_index, user_feat_emb, trans_w, trans_b, ws, des_w, des_b, outs_w, outs_b):
    src = edge_index[0]
    dst = edge_index[1]
    lrelu = lambda v: jax.nn.leaky_relu(v, 0.01)
    h = feat @ trans_w.T + trans_b
    x = jnp.concatenate([user_feat_emb, h], axis=0)
    nrm = jnp.sqrt(jnp.sum(x * x, axis=1, keepdims=True))
    x = x / jnp.maximum(nrm, 1e-12)
    for i in range(K):
        hh = lrelu(_gcn_prop(x, src, dst, ws[i], N))
        u = lrelu(hh @ des_w[i].T + des_b[i] + node_emb)
        # concat=False branch: outs(h) + u
        x = lrelu(hh @ outs_w[i].T + outs_b[i] + u)
    return (x, user_feat_emb)

if __name__ == "__main__":
    import jax
    _d = setup_inputs()
    print(jax.jit(kernel)(*tuple(_d.values())))

</pallas_src>

<mosaic_0001>
#map = affine_map<(d0, d1) -> (0, 0)>
#map1 = affine_map<(d0, d1) -> (0, 0, 0)>
module attributes {stable_mosaic.version = 14 : i64} {
  func.func @sc_agg(%arg0: i32, %arg1: i32, %arg2: memref<10240x128xf32, #tpu.memory_space<hbm>>, %arg3: memref<2560x128xi32, #tpu.memory_space<hbm>>, %arg4: memref<2560x128xi32, #tpu.memory_space<hbm>>, %arg5: memref<640x128xf32, #tpu.memory_space<hbm>>, %arg6: memref<2x10240x128xf32, #tpu.memory_space<hbm>>, %arg7: memref<40x128xi32, #tpu.memory_space<vmem>>, %arg8: memref<40x128xi32, #tpu.memory_space<vmem>>, %arg9: memref<128x128xf32, #tpu.memory_space<vmem>>, %arg10: memref<128x128xf32, #tpu.memory_space<vmem>>, %arg11: memref<10240x128xf32, #tpu.memory_space<vmem_shared>>, %arg12: memref<!tpu.dma_semaphore, #tpu.memory_space<semaphore_mem>>, %arg13: memref<!tpu.dma_semaphore, #tpu.memory_space<semaphore_mem>>) attributes {dimension_semantics = [#tpu.dimension_semantics<core_parallel>, #tpu.dimension_semantics<subcore_parallel>], iteration_bounds = array<i64: 2, 16>, scalar_prefetch = 0 : i64, scratch_operands = 7 : i64, tpu.core_type = #tpu.core_type<sc_vector_subcore>, window_params = [{transform_indices = #map}, {transform_indices = #map}, {transform_indices = #map}, {transform_indices = #map}, {transform_indices = #map1}]} {
    %mul3A = arith.constant 640 : i32
    %mul3A_0 = arith.muli %arg1, %mul3A : i32
    %eq3A = arith.constant 0 : i32
    %eq3A_1 = arith.cmpi eq, %arg0, %eq3A : i32
    %jit3A = arith.constant 80 : i32
    %jit3A_2 = arith.constant 80 : i32
    %select_n3A = arith.select %eq3A_1, %jit3A, %jit3A_2 : i32
    %eq3A_3 = arith.constant 0 : i32
    %eq3A_4 = arith.cmpi eq, %arg0, %eq3A_3 : i32
    %mul3A_5 = arith.constant 80 : i32
    %mul3A_6 = arith.muli %arg1, %mul3A_5 : i32
    %mul3A_7 = arith.constant 80 : i32
    %mul3A_8 = arith.muli %arg1, %mul3A_7 : i32
    %add3A = arith.constant 1280 : i32
    %add3A_9 = arith.addi %add3A, %mul3A_8 : i32
    %select_n3A_10 = arith.select %eq3A_4, %mul3A_6, %add3A_9 : i32
    "tpu.region"() ({
      %run_scoped3A = tpu.sem_alloc : memref<!tpu.dma_semaphore, #tpu.memory_space<semaphore_mem>>
      %dma_start3A = arith.constant 0 : i32
      %dma_start3A_39 = tpu.memref_slice %arg11[%mul3A_0, %dma_start3A] : memref<10240x128xf32, #tpu.memory_space<vmem_shared>> -> memref<640x128xf32, #tpu.memory_space<vmem_shared>>
      tpu.enqueue_dma source(%arg5 : memref<640x128xf32, #tpu.memory_space<hbm>>) target(%dma_start3A_39 : memref<640x128xf32, #tpu.memory_space<vmem_shared>>) target_semaphore(%run_scoped3A : memref<!tpu.dma_semaphore, #tpu.memory_space<semaphore_mem>>)
      %dma_wait3A = arith.constant 0 : i32
      %dma_wait3A_40 = tpu.memref_slice %arg11[%mul3A_0, %dma_wait3A] : memref<10240x128xf32, #tpu.memory_space<vmem_shared>> -> memref<640x128xf32, #tpu.memory_space<vmem_shared>>
      tpu.wait_dma2 semaphore(%run_scoped3A : memref<!tpu.dma_semaphore, #tpu.memory_space<semaphore_mem>>) src(%arg5 : memref<640x128xf32, #tpu.memory_space<hbm>>) dst(%dma_wait3A_40 : memref<640x128xf32, #tpu.memory_space<vmem_shared>>)
      tpu.yield
    }) : () -> ()
    %barrier3A = arith.constant 0 : index
    tpu.barrier barrier_id(%barrier3A)
    %jit3A_11 = arith.constant 40 : i32
    %div3A = arith.divsi %select_n3A, %jit3A_11 : i32
    %sign3A = arith.constant 0 : i32
    %sign3A_12 = arith.cmpi sgt, %select_n3A, %sign3A : i32
    %sign3A_13 = arith.extui %sign3A_12 : i1 to i32
    %sign3A_14 = arith.constant 0 : i32
    %sign3A_15 = arith.cmpi slt, %select_n3A, %sign3A_14 : i32
    %sign3A_16 = arith.extui %sign3A_15 : i1 to i32
    %sign3A_17 = arith.subi %sign3A_13, %sign3A_16 : i32
    %sign3A_18 = arith.constant 0 : i32
    %sign3A_19 = arith.cmpi sgt, %jit3A_11, %sign3A_18 : i32
    %sign3A_20 = arith.extui %sign3A_19 : i1 to i32
    %sign3A_21 = arith.constant 0 : i32
    %sign3A_22 = arith.cmpi slt, %jit3A_11, %sign3A_21 : i32
    %sign3A_23 = arith.extui %sign3A_22 : i1 to i32
    %sign3A_24 = arith.subi %sign3A_20, %sign3A_23 : i32
    %ne3A = arith.cmpi ne, %sign3A_17, %sign3A_24 : i32
    %rem3A = arith.remsi %select_n3A, %jit3A_11 : i32
    %ne3A_25 = arith.constant 0 : i32
    %ne3A_26 = arith.cmpi ne, %rem3A, %ne3A_25 : i32
    %and3A = arith.andi %ne3A, %ne3A_26 : i1
    %sub3A = arith.constant 1 : i32
    %sub3A_27 = arith.subi %div3A, %sub3A : i32
    %select_n3A_28 = arith.select %and3A, %sub3A_27, %div3A : i32
    %while3A = arith.constant 0 : i32
    %while3A_29 = arith.constant 0 : i32
    %while3A_30 = arith.subi %select_n3A_28, %while3A_29 : i32
    %while3A_31 = arith.addi %while3A_29, %while3A_30 : i32
    %while3A_32 = arith.constant 1 : i32
    %while3A_33 = arith.divsi %while3A_30, %while3A_32 : i32
    %while3A_34 = arith.muli %while3A_33, %while3A_32 : i32
    %while3A_35 = arith.addi %while3A_29, %while3A_34 : i32
    %while3A_36 = arith.constant 1 : i32
    scf.for %while3A_39 = %while3A_29 to %while3A_35 step %while3A_36  : i32 {
      %mul3A_40 = arith.constant 40 : i32
      %mul3A_41 = arith.muli %while3A_39, %mul3A_40 : i32
      %add3A_42 = arith.addi %select_n3A_10, %mul3A_41 : i32
      "tpu.region"() ({
        %run_scoped3A_78 = tpu.sem_alloc : memref<!tpu.dma_semaphore, #tpu.memory_space<semaphore_mem>>
        %dma_start3A_79 = arith.constant 0 : i32
        %dma_start3A_80 = tpu.memref_slice %arg3[%add3A_42, %dma_start3A_79] : memref<2560x128xi32, #tpu.memory_space<hbm>> -> memref<40x128xi32, #tpu.memory_space<hbm>>
        %dma_start3A_81 = arith.constant 0 : i32
        %dma_start3A_82 = tpu.memref_slice %arg3[%add3A_42, %dma_start3A_81] : memref<2560x128xi32, #tpu.memory_space<hbm>> -> memref<40x128xi32, #tpu.memory_space<hbm>>
        tpu.enqueue_dma source(%dma_start3A_82 : memref<40x128xi32, #tpu.memory_space<hbm>>) target(%arg7 : memref<40x128xi32, #tpu.memory_space<vmem>>) target_semaphore(%run_scoped3A_78 : memref<!tpu.dma_semaphore, #tpu.memory_space<semaphore_mem>>)
        %dma_wait3A_83 = arith.constant 0 : i32
        %dma_wait3A_84 = tpu.memref_slice %arg3[%add3A_42, %dma_wait3A_83] : memref<2560x128xi32, #tpu.memory_space<hbm>> -> memref<40x128xi32, #tpu.memory_space<hbm>>
        %dma_wait3A_85 = arith.constant 0 : i32
        %dma_wait3A_86 = tpu.memref_slice %arg3[%add3A_42, %dma_wait3A_85] : memref<2560x128xi32, #tpu.memory_space<hbm>> -> memref<40x128xi32, #tpu.memory_space<hbm>>
        tpu.wait_dma2 semaphore(%run_scoped3A_78 : memref<!tpu.dma_semaphore, #tpu.memory_space<semaphore_mem>>) src(%dma_wait3A_86 : memref<40x128xi32, #tpu.memory_space<hbm>>) dst(%arg7 : memref<40x128xi32, #tpu.memory_space<vmem>>)
        tpu.yield
      }) : () -> ()
      %mul3A_43 = arith.constant 40 : i32
      %mul3A_44 = arith.muli %while3A_39, %mul3A_43 : i32
      %add3A_45 = arith.addi %select_n3A_10, %mul3A_44 : i32
      "tpu.region"() ({
        %run_scoped3A_78 = tpu.sem_alloc : memref<!tpu.dma_semaphore, #tpu.memory_space<semaphore_mem>>
        %dma_start3A_79 = arith.constant 0 : i32
        %dma_start3A_80 = tpu.memref_slice %arg4[%add3A_45, %dma_start3A_79] : memref<2560x128xi32, #tpu.memory_space<hbm>> -> memref<40x128xi32, #tpu.memory_space<hbm>>
        %dma_start3A_81 = arith.constant 0 : i32
        %dma_start3A_82 = tpu.memref_slice %arg4[%add3A_45, %dma_start3A_81] : memref<2560x128xi32, #tpu.memory_space<hbm>> -> memref<40x128xi32, #tpu.memory_space<hbm>>
        tpu.enqueue_dma source(%dma_start3A_82 : memref<40x128xi32, #tpu.memory_space<hbm>>) target(%arg8 : memref<40x128xi32, #tpu.memory_space<vmem>>) target_semaphore(%run_scoped3A_78 : memref<!tpu.dma_semaphore, #tpu.memory_space<semaphore_mem>>)
        %dma_wait3A_83 = arith.constant 0 : i32
        %dma_wait3A_84 = tpu.memref_slice %arg4[%add3A_45, %dma_wait3A_83] : memref<2560x128xi32, #tpu.memory_space<hbm>> -> memref<40x128xi32, #tpu.memory_space<hbm>>
        %dma_wait3A_85 = arith.constant 0 : i32
        %dma_wait3A_86 = tpu.memref_slice %arg4[%add3A_45, %dma_wait3A_85] : memref<2560x128xi32, #tpu.memory_space<hbm>> -> memref<40x128xi32, #tpu.memory_space<hbm>>
        tpu.wait_dma2 semaphore(%run_scoped3A_78 : memref<!tpu.dma_semaphore, #tpu.memory_space<semaphore_mem>>) src(%dma_wait3A_86 : memref<40x128xi32, #tpu.memory_space<hbm>>) dst(%arg8 : memref<40x128xi32, #tpu.memory_space<vmem>>)
        tpu.yield
      }) : () -> ()
      %dma_start3A = arith.constant 0 : i32
      %dma_start3A_46 = arith.constant 0 : i32
      %dma_start3A_47 = tpu.memref_slice %arg7[%dma_start3A, %dma_start3A_46] : memref<40x128xi32, #tpu.memory_space<vmem>> -> memref<1x128xi32, #tpu.memory_space<vmem>>
      %dma_start3A_48 = tpu.memref_squeeze %dma_start3A_47 : memref<1x128xi32, #tpu.memory_space<vmem>> -> memref<128xi32, #tpu.memory_space<vmem>>
      %dma_start3A_49 = arith.constant 0 : i32
      %dma_start3A_50 = arith.constant 0 : i32
      %dma_start3A_51 = tpu.memref_slice %arg2[%dma_start3A_49, %dma_start3A_50] : memref<10240x128xf32, #tpu.memory_space<hbm>> -> memref<10240x128xf32, #tpu.memory_space<hbm>>
      tpu.enqueue_indirect_dma source(%dma_start3A_51 : memref<10240x128xf32, #tpu.memory_space<hbm>>) target(%arg9 : memref<128x128xf32, #tpu.memory_space<vmem>>) offsets(%dma_start3A_48 : memref<128xi32, #tpu.memory_space<vmem>>) semaphore(%arg12 : memref<!tpu.dma_semaphore, #tpu.memory_space<semaphore_mem>>)
      %dma_start3A_52 = arith.constant 1 : i32
      %dma_start3A_53 = arith.constant 0 : i32
      %dma_start3A_54 = tpu.memref_slice %arg7[%dma_start3A_52, %dma_start3A_53] : memref<40x128xi32, #tpu.memory_space<vmem>> -> memref<1x128xi32, #tpu.memory_space<vmem>>
      %dma_start3A_55 = tpu.memref_squeeze %dma_start3A_54 : memref<1x128xi32, #tpu.memory_space<vmem>> -> memref<128xi32, #tpu.memory_space<vmem>>
      %dma_start3A_56 = arith.constant 0 : i32
      %dma_start3A_57 = arith.constant 0 : i32
      %dma_start3A_58 = tpu.memref_slice %arg2[%dma_start3A_56, %dma_start3A_57] : memref<10240x128xf32, #tpu.memory_space<hbm>> -> memref<10240x128xf32, #tpu.memory_space<hbm>>
      tpu.enqueue_indirect_dma source(%dma_start3A_58 : memref<10240x128xf32, #tpu.memory_space<hbm>>) target(%arg10 : memref<128x128xf32, #tpu.memory_space<vmem>>) offsets(%dma_start3A_55 : memref<128xi32, #tpu.memory_space<vmem>>) semaphore(%arg13 : memref<!tpu.dma_semaphore, #tpu.memory_space<semaphore_mem>>)
      %scan3A = arith.constant 0 : i32
      %scan3A_59 = arith.constant 0 : i32
      %scan3A_60 = arith.constant 19 : i32
      %scan3A_61 = arith.addi %scan3A_59, %scan3A_60 : i32
      %scan3A_62 = arith.constant 1 : i32
      scf.for %scan3A_78 = %scan3A_59 to %scan3A_61 step %scan3A_62  : i32 {
        %mul3A_79 = arith.constant 2 : i32
        %mul3A_80 = arith.muli %scan3A_78, %mul3A_79 : i32
        %add3A_81 = arith.constant 1 : i32
        %add3A_82 = arith.addi %mul3A_80, %add3A_81 : i32
        %dma_wait3A_83 = arith.constant 0 : i32
        %dma_wait3A_84 = tpu.memref_slice %arg7[%mul3A_80, %dma_wait3A_83] : memref<40x128xi32, #tpu.memory_space<vmem>> -> memref<1x128xi32, #tpu.memory_space<vmem>>
        %dma_wait3A_85 = tpu.memref_squeeze %dma_wait3A_84 : memref<1x128xi32, #tpu.memory_space<vmem>> -> memref<128xi32, #tpu.memory_space<vmem>>
        %dma_wait3A_86 = arith.constant 0 : i32
        %dma_wait3A_87 = arith.constant 0 : i32
        %dma_wait3A_88 = tpu.memref_slice %arg2[%dma_wait3A_86, %dma_wait3A_87] : memref<10240x128xf32, #tpu.memory_space<hbm>> -> memref<10240x128xf32, #tpu.memory_space<hbm>>
        tpu.wait_indirect_dma semaphore(%arg12 : memref<!tpu.dma_semaphore, #tpu.memory_space<semaphore_mem>>) src(%dma_wait3A_88 : memref<10240x128xf32, #tpu.memory_space<hbm>>) dst(%arg9 : memref<128x128xf32, #tpu.memory_space<vmem>>)
        "tpu.region"() ({
          %run_scoped3A_111 = tpu.sem_alloc : memref<!tpu.dma_semaphore, #tpu.memory_space<semaphore_mem>>
          %dma_start3A_112 = arith.constant 0 : i32
          %dma_start3A_113 = tpu.memref_slice %arg8[%mul3A_80, %dma_start3A_112] : memref<40x128xi32, #tpu.memory_space<vmem>> -> memref<1x128xi32, #tpu.memory_space<vmem>>
          %dma_start3A_114 = tpu.memref_squeeze %dma_start3A_113 : memref<1x128xi32, #tpu.memory_space<vmem>> -> memref<128xi32, #tpu.memory_space<vmem>>
          %dma_start3A_115 = arith.constant 0 : i32
          %dma_start3A_116 = arith.constant 0 : i32
          %dma_start3A_117 = tpu.memref_slice %arg11[%dma_start3A_115, %dma_start3A_116] : memref<10240x128xf32, #tpu.memory_space<vmem_shared>> -> memref<10240x128xf32, #tpu.memory_space<vmem_shared>>
          tpu.enqueue_indirect_dma source(%arg9 : memref<128x128xf32, #tpu.memory_space<vmem>>) target(%dma_start3A_117 : memref<10240x128xf32, #tpu.memory_space<vmem_shared>>) offsets(%dma_start3A_114 : memref<128xi32, #tpu.memory_space<vmem>>) semaphore(%run_scoped3A_111 : memref<!tpu.dma_semaphore, #tpu.memory_space<semaphore_mem>>) {add = true}
          %dma_wait3A_118 = arith.constant 0 : i32
          %dma_wait3A_119 = tpu.memref_slice %arg8[%mul3A_80, %dma_wait3A_118] : memref<40x128xi32, #tpu.memory_space<vmem>> -> memref<1x128xi32, #tpu.memory_space<vmem>>
          %dma_wait3A_120 = tpu.memref_squeeze %dma_wait3A_119 : memref<1x128xi32, #tpu.memory_space<vmem>> -> memref<128xi32, #tpu.memory_space<vmem>>
          %dma_wait3A_121 = arith.constant 0 : i32
          %dma_wait3A_122 = arith.constant 0 : i32
          %dma_wait3A_123 = tpu.memref_slice %arg11[%dma_wait3A_121, %dma_wait3A_122] : memref<10240x128xf32, #tpu.memory_space<vmem_shared>> -> memref<10240x128xf32, #tpu.memory_space<vmem_shared>>
          tpu.wait_indirect_dma semaphore(%run_scoped3A_111 : memref<!tpu.dma_semaphore, #tpu.memory_space<semaphore_mem>>) src(%arg9 : memref<128x128xf32, #tpu.memory_space<vmem>>) dst(%dma_wait3A_123 : memref<10240x128xf32, #tpu.memory_space<vmem_shared>>)
          tpu.yield
        }) : () -> ()
        %add3A_89 = arith.constant 2 : i32
        %add3A_90 = arith.addi %mul3A_80, %add3A_89 : i32
        %dma_start3A_91 = arith.constant 0 : i32
        %dma_start3A_92 = tpu.memref_slice %arg7[%add3A_90, %dma_start3A_91] : memref<40x128xi32, #tpu.memory_space<vmem>> -> memref<1x128xi32, #tpu.memory_space<vmem>>
        %dma_start3A_93 = tpu.memref_squeeze %dma_start3A_92 : memref<1x128xi32, #tpu.memory_space<vmem>> -> memref<128xi32, #tpu.memory_space<vmem>>
        %dma_start3A_94 = arith.constant 0 : i32
        %dma_start3A_95 = arith.constant 0 : i32
        %dma_start3A_96 = tpu.memref_slice %arg2[%dma_start3A_94, %dma_start3A_95] : memref<10240x128xf32, #tpu.memory_space<hbm>> -> memref<10240x128xf32, #tpu.memory_space<hbm>>
        tpu.enqueue_indirect_dma source(%dma_start3A_96 : memref<10240x128xf32, #tpu.memory_space<hbm>>) target(%arg9 : memref<128x128xf32, #tpu.memory_space<vmem>>) offsets(%dma_start3A_93 : memref<128xi32, #tpu.memory_space<vmem>>) semaphore(%arg12 : memref<!tpu.dma_semaphore, #tpu.memory_space<semaphore_mem>>)
        %dma_wait3A_97 = arith.constant 0 : i32
        %dma_wait3A_98 = tpu.memref_slice %arg7[%add3A_82, %dma_wait3A_97] : memref<40x128xi32, #tpu.memory_space<vmem>> -> memref<1x128xi32, #tpu.memory_space<vmem>>
        %dma_wait3A_99 = tpu.memref_squeeze %dma_wait3A_98 : memref<1x128xi32, #tpu.memory_space<vmem>> -> memref<128xi32, #tpu.memory_space<vmem>>
        %dma_wait3A_100 = arith.constant 0 : i32
        %dma_wait3A_101 = arith.constant 0 : i32
        %dma_wait3A_102 = tpu.memref_slice %arg2[%dma_wait3A_100, %dma_wait3A_101] : memref<10240x128xf32, #tpu.memory_space<hbm>> -> memref<10240x128xf32, #tpu.memory_space<hbm>>
        tpu.wait_indirect_dma semaphore(%arg13 : memref<!tpu.dma_semaphore, #tpu.memory_space<semaphore_mem>>) src(%dma_wait3A_102 : memref<10240x128xf32, #tpu.memory_space<hbm>>) dst(%arg10 : memref<128x128xf32, #tpu.memory_space<vmem>>)
        "tpu.region"() ({
          %run_scoped3A_111 = tpu.sem_alloc : memref<!tpu.dma_semaphore, #tpu.memory_space<semaphore_mem>>
          %dma_start3A_112 = arith.constant 0 : i32
          %dma_start3A_113 = tpu.memref_slice %arg8[%add3A_82, %dma_start3A_112] : memref<40x128xi32, #tpu.memory_space<vmem>> -> memref<1x128xi32, #tpu.memory_space<vmem>>
          %dma_start3A_114 = tpu.memref_squeeze %dma_start3A_113 : memref<1x128xi32, #tpu.memory_space<vmem>> -> memref<128xi32, #tpu.memory_space<vmem>>
          %dma_start3A_115 = arith.constant 0 : i32
          %dma_start3A_116 = arith.constant 0 : i32
          %dma_start3A_117 = tpu.memref_slice %arg11[%dma_start3A_115, %dma_start3A_116] : memref<10240x128xf32, #tpu.memory_space<vmem_shared>> -> memref<10240x128xf32, #tpu.memory_space<vmem_shared>>
          tpu.enqueue_indirect_dma source(%arg10 : memref<128x128xf32, #tpu.memory_space<vmem>>) target(%dma_start3A_117 : memref<10240x128xf32, #tpu.memory_space<vmem_shared>>) offsets(%dma_start3A_114 : memref<128xi32, #tpu.memory_space<vmem>>) semaphore(%run_scoped3A_111 : memref<!tpu.dma_semaphore, #tpu.memory_space<semaphore_mem>>) {add = true}
          %dma_wait3A_118 = arith.constant 0 : i32
          %dma_wait3A_119 = tpu.memref_slice %arg8[%add3A_82, %dma_wait3A_118] : memref<40x128xi32, #tpu.memory_space<vmem>> -> memref<1x128xi32, #tpu.memory_space<vmem>>
          %dma_wait3A_120 = tpu.memref_squeeze %dma_wait3A_119 : memref<1x128xi32, #tpu.memory_space<vmem>> -> memref<128xi32, #tpu.memory_space<vmem>>
          %dma_wait3A_121 = arith.constant 0 : i32
          %dma_wait3A_122 = arith.constant 0 : i32
          %dma_wait3A_123 = tpu.memref_slice %arg11[%dma_wait3A_121, %dma_wait3A_122] : memref<10240x128xf32, #tpu.memory_space<vmem_shared>> -> memref<10240x128xf32, #tpu.memory_space<vmem_shared>>
          tpu.wait_indirect_dma semaphore(%run_scoped3A_111 : memref<!tpu.dma_semaphore, #tpu.memory_space<semaphore_mem>>) src(%arg10 : memref<128x128xf32, #tpu.memory_space<vmem>>) dst(%dma_wait3A_123 : memref<10240x128xf32, #tpu.memory_space<vmem_shared>>)
          tpu.yield
        }) : () -> ()
        %add3A_103 = arith.constant 2 : i32
        %add3A_104 = arith.addi %add3A_82, %add3A_103 : i32
        %dma_start3A_105 = arith.constant 0 : i32
        %dma_start3A_106 = tpu.memref_slice %arg7[%add3A_104, %dma_start3A_105] : memref<40x128xi32, #tpu.memory_space<vmem>> -> memref<1x128xi32, #tpu.memory_space<vmem>>
        %dma_start3A_107 = tpu.memref_squeeze %dma_start3A_106 : memref<1x128xi32, #tpu.memory_space<vmem>> -> memref<128xi32, #tpu.memory_space<vmem>>
        %dma_start3A_108 = arith.constant 0 : i32
        %dma_start3A_109 = arith.constant 0 : i32
        %dma_start3A_110 = tpu.memref_slice %arg2[%dma_start3A_108, %dma_start3A_109] : memref<10240x128xf32, #tpu.memory_space<hbm>> -> memref<10240x128xf32, #tpu.memory_space<hbm>>
        tpu.enqueue_indirect_dma source(%dma_start3A_110 : memref<10240x128xf32, #tpu.memory_space<hbm>>) target(%arg10 : memref<128x128xf32, #tpu.memory_space<vmem>>) offsets(%dma_start3A_107 : memref<128xi32, #tpu.memory_space<vmem>>) semaphore(%arg13 : memref<!tpu.dma_semaphore, #tpu.memory_space<semaphore_mem>>)
      }
      %scan3A_63 = arith.constant 19 : i32
      %dma_wait3A = arith.constant 38 : i32
      %dma_wait3A_64 = arith.constant 0 : i32
      %dma_wait3A_65 = tpu.memref_slice %arg7[%dma_wait3A, %dma_wait3A_64] : memref<40x128xi32, #tpu.memory_space<vmem>> -> memref<1x128xi32, #tpu.memory_space<vmem>>
      %dma_wait3A_66 = tpu.memref_squeeze %dma_wait3A_65 : memref<1x128xi32, #tpu.memory_space<vmem>> -> memref<128xi32, #tpu.memory_space<vmem>>
      %dma_wait3A_67 = arith.constant 0 : i32
      %dma_wait3A_68 = arith.constant 0 : i32
      %dma_wait3A_69 = tpu.memref_slice %arg2[%dma_wait3A_67, %dma_wait3A_68] : memref<10240x128xf32, #tpu.memory_space<hbm>> -> memref<10240x128xf32, #tpu.memory_space<hbm>>
      tpu.wait_indirect_dma semaphore(%arg12 : memref<!tpu.dma_semaphore, #tpu.memory_space<semaphore_mem>>) src(%dma_wait3A_69 : memref<10240x128xf32, #tpu.memory_space<hbm>>) dst(%arg9 : memref<128x128xf32, #tpu.memory_space<vmem>>)
      %run_scoped3A = arith.constant 38 : i32
      "tpu.region"() ({
        %run_scoped3A_78 = tpu.sem_alloc : memref<!tpu.dma_semaphore, #tpu.memory_space<semaphore_mem>>
        %dma_start3A_79 = arith.constant 0 : i32
        %dma_start3A_80 = tpu.memref_slice %arg8[%run_scoped3A, %dma_start3A_79] : memref<40x128xi32, #tpu.memory_space<vmem>> -> memref<1x128xi32, #tpu.memory_space<vmem>>
        %dma_start3A_81 = tpu.memref_squeeze %dma_start3A_80 : memref<1x128xi32, #tpu.memory_space<vmem>> -> memref<128xi32, #tpu.memory_space<vmem>>
        %dma_start3A_82 = arith.constant 0 : i32
        %dma_start3A_83 = arith.constant 0 : i32
        %dma_start3A_84 = tpu.memref_slice %arg11[%dma_start3A_82, %dma_start3A_83] : memref<10240x128xf32, #tpu.memory_space<vmem_shared>> -> memref<10240x128xf32, #tpu.memory_space<vmem_shared>>
        tpu.enqueue_indirect_dma source(%arg9 : memref<128x128xf32, #tpu.memory_space<vmem>>) target(%dma_start3A_84 : memref<10240x128xf32, #tpu.memory_space<vmem_shared>>) offsets(%dma_start3A_81 : memref<128xi32, #tpu.memory_space<vmem>>) semaphore(%run_scoped3A_78 : memref<!tpu.dma_semaphore, #tpu.memory_space<semaphore_mem>>) {add = true}
        %dma_wait3A_85 = arith.constant 0 : i32
        %dma_wait3A_86 = tpu.memref_slice %arg8[%run_scoped3A, %dma_wait3A_85] : memref<40x128xi32, #tpu.memory_space<vmem>> -> memref<1x128xi32, #tpu.memory_space<vmem>>
        %dma_wait3A_87 = tpu.memref_squeeze %dma_wait3A_86 : memref<1x128xi32, #tpu.memory_space<vmem>> -> memref<128xi32, #tpu.memory_space<vmem>>
        %dma_wait3A_88 = arith.constant 0 : i32
        %dma_wait3A_89 = arith.constant 0 : i32
        %dma_wait3A_90 = tpu.memref_slice %arg11[%dma_wait3A_88, %dma_wait3A_89] : memref<10240x128xf32, #tpu.memory_space<vmem_shared>> -> memref<10240x128xf32, #tpu.memory_space<vmem_shared>>
        tpu.wait_indirect_dma semaphore(%run_scoped3A_78 : memref<!tpu.dma_semaphore, #tpu.memory_space<semaphore_mem>>) src(%arg9 : memref<128x128xf32, #tpu.memory_space<vmem>>) dst(%dma_wait3A_90 : memref<10240x128xf32, #tpu.memory_space<vmem_shared>>)
        tpu.yield
      }) : () -> ()
      %dma_wait3A_70 = arith.constant 39 : i32
      %dma_wait3A_71 = arith.constant 0 : i32
      %dma_wait3A_72 = tpu.memref_slice %arg7[%dma_wait3A_70, %dma_wait3A_71] : memref<40x128xi32, #tpu.memory_space<vmem>> -> memref<1x128xi32, #tpu.memory_space<vmem>>
      %dma_wait3A_73 = tpu.memref_squeeze %dma_wait3A_72 : memref<1x128xi32, #tpu.memory_space<vmem>> -> memref<128xi32, #tpu.memory_space<vmem>>
      %dma_wait3A_74 = arith.constant 0 : i32
      %dma_wait3A_75 = arith.constant 0 : i32
      %dma_wait3A_76 = tpu.memref_slice %arg2[%dma_wait3A_74, %dma_wait3A_75] : memref<10240x128xf32, #tpu.memory_space<hbm>> -> memref<10240x128xf32, #tpu.memory_space<hbm>>
      tpu.wait_indirect_dma semaphore(%arg13 : memref<!tpu.dma_semaphore, #tpu.memory_space<semaphore_mem>>) src(%dma_wait3A_76 : memref<10240x128xf32, #tpu.memory_space<hbm>>) dst(%arg10 : memref<128x128xf32, #tpu.memory_space<vmem>>)
      %run_scoped3A_77 = arith.constant 39 : i32
      "tpu.region"() ({
        %run_scoped3A_78 = tpu.sem_alloc : memref<!tpu.dma_semaphore, #tpu.memory_space<semaphore_mem>>
        %dma_start3A_79 = arith.constant 0 : i32
        %dma_start3A_80 = tpu.memref_slice %arg8[%run_scoped3A_77, %dma_start3A_79] : memref<40x128xi32, #tpu.memory_space<vmem>> -> memref<1x128xi32, #tpu.memory_space<vmem>>
        %dma_start3A_81 = tpu.memref_squeeze %dma_start3A_80 : memref<1x128xi32, #tpu.memory_space<vmem>> -> memref<128xi32, #tpu.memory_space<vmem>>
        %dma_start3A_82 = arith.constant 0 : i32
        %dma_start3A_83 = arith.constant 0 : i32
        %dma_start3A_84 = tpu.memref_slice %arg11[%dma_start3A_82, %dma_start3A_83] : memref<10240x128xf32, #tpu.memory_space<vmem_shared>> -> memref<10240x128xf32, #tpu.memory_space<vmem_shared>>
        tpu.enqueue_indirect_dma source(%arg10 : memref<128x128xf32, #tpu.memory_space<vmem>>) target(%dma_start3A_84 : memref<10240x128xf32, #tpu.memory_space<vmem_shared>>) offsets(%dma_start3A_81 : memref<128xi32, #tpu.memory_space<vmem>>) semaphore(%run_scoped3A_78 : memref<!tpu.dma_semaphore, #tpu.memory_space<semaphore_mem>>) {add = true}
        %dma_wait3A_85 = arith.constant 0 : i32
        %dma_wait3A_86 = tpu.memref_slice %arg8[%run_scoped3A_77, %dma_wait3A_85] : memref<40x128xi32, #tpu.memory_space<vmem>> -> memref<1x128xi32, #tpu.memory_space<vmem>>
        %dma_wait3A_87 = tpu.memref_squeeze %dma_wait3A_86 : memref<1x128xi32, #tpu.memory_space<vmem>> -> memref<128xi32, #tpu.memory_space<vmem>>
        %dma_wait3A_88 = arith.constant 0 : i32
        %dma_wait3A_89 = arith.constant 0 : i32
        %dma_wait3A_90 = tpu.memref_slice %arg11[%dma_wait3A_88, %dma_wait3A_89] : memref<10240x128xf32, #tpu.memory_space<vmem_shared>> -> memref<10240x128xf32, #tpu.memory_space<vmem_shared>>
        tpu.wait_indirect_dma semaphore(%run_scoped3A_78 : memref<!tpu.dma_semaphore, #tpu.memory_space<semaphore_mem>>) src(%arg10 : memref<128x128xf32, #tpu.memory_space<vmem>>) dst(%dma_wait3A_90 : memref<10240x128xf32, #tpu.memory_space<vmem_shared>>)
        tpu.yield
      }) : () -> ()
    }
    %while3A_37 = arith.constant 1 : i32
    scf.for %while3A_39 = %while3A_35 to %while3A_31 step %while3A_37  : i32 {
      %mul3A_40 = arith.constant 40 : i32
      %mul3A_41 = arith.muli %while3A_39, %mul3A_40 : i32
      %add3A_42 = arith.addi %select_n3A_10, %mul3A_41 : i32
      "tpu.region"() ({
        %run_scoped3A_78 = tpu.sem_alloc : memref<!tpu.dma_semaphore, #tpu.memory_space<semaphore_mem>>
        %dma_start3A_79 = arith.constant 0 : i32
        %dma_start3A_80 = tpu.memref_slice %arg3[%add3A_42, %dma_start3A_79] : memref<2560x128xi32, #tpu.memory_space<hbm>> -> memref<40x128xi32, #tpu.memory_space<hbm>>
        %dma_start3A_81 = arith.constant 0 : i32
        %dma_start3A_82 = tpu.memref_slice %arg3[%add3A_42, %dma_start3A_81] : memref<2560x128xi32, #tpu.memory_space<hbm>> -> memref<40x128xi32, #tpu.memory_space<hbm>>
        tpu.enqueue_dma source(%dma_start3A_82 : memref<40x128xi32, #tpu.memory_space<hbm>>) target(%arg7 : memref<40x128xi32, #tpu.memory_space<vmem>>) target_semaphore(%run_scoped3A_78 : memref<!tpu.dma_semaphore, #tpu.memory_space<semaphore_mem>>)
        %dma_wait3A_83 = arith.constant 0 : i32
        %dma_wait3A_84 = tpu.memref_slice %arg3[%add3A_42, %dma_wait3A_83] : memref<2560x128xi32, #tpu.memory_space<hbm>> -> memref<40x128xi32, #tpu.memory_space<hbm>>
        %dma_wait3A_85 = arith.constant 0 : i32
        %dma_wait3A_86 = tpu.memref_slice %arg3[%add3A_42, %dma_wait3A_85] : memref<2560x128xi32, #tpu.memory_space<hbm>> -> memref<40x128xi32, #tpu.memory_space<hbm>>
        tpu.wait_dma2 semaphore(%run_scoped3A_78 : memref<!tpu.dma_semaphore, #tpu.memory_space<semaphore_mem>>) src(%dma_wait3A_86 : memref<40x128xi32, #tpu.memory_space<hbm>>) dst(%arg7 : memref<40x128xi32, #tpu.memory_space<vmem>>)
        tpu.yield
      }) : () -> ()
      %mul3A_43 = arith.constant 40 : i32
      %mul3A_44 = arith.muli %while3A_39, %mul3A_43 : i32
      %add3A_45 = arith.addi %select_n3A_10, %mul3A_44 : i32
      "tpu.region"() ({
        %run_scoped3A_78 = tpu.sem_alloc : memref<!tpu.dma_semaphore, #tpu.memory_space<semaphore_mem>>
        %dma_start3A_79 = arith.constant 0 : i32
        %dma_start3A_80 = tpu.memref_slice %arg4[%add3A_45, %dma_start3A_79] : memref<2560x128xi32, #tpu.memory_space<hbm>> -> memref<40x128xi32, #tpu.memory_space<hbm>>
        %dma_start3A_81 = arith.constant 0 : i32
        %dma_start3A_82 = tpu.memref_slice %arg4[%add3A_45, %dma_start3A_81] : memref<2560x128xi32, #tpu.memory_space<hbm>> -> memref<40x128xi32, #tpu.memory_space<hbm>>
        tpu.enqueue_dma source(%dma_start3A_82 : memref<40x128xi32, #tpu.memory_space<hbm>>) target(%arg8 : memref<40x128xi32, #tpu.memory_space<vmem>>) target_semaphore(%run_scoped3A_78 : memref<!tpu.dma_semaphore, #tpu.memory_space<semaphore_mem>>)
        %dma_wait3A_83 = arith.constant 0 : i32
        %dma_wait3A_84 = tpu.memref_slice %arg4[%add3A_45, %dma_wait3A_83] : memref<2560x128xi32, #tpu.memory_space<hbm>> -> memref<40x128xi32, #tpu.memory_space<hbm>>
        %dma_wait3A_85 = arith.constant 0 : i32
        %dma_wait3A_86 = tpu.memref_slice %arg4[%add3A_45, %dma_wait3A_85] : memref<2560x128xi32, #tpu.memory_space<hbm>> -> memref<40x128xi32, #tpu.memory_space<hbm>>
        tpu.wait_dma2 semaphore(%run_scoped3A_78 : memref<!tpu.dma_semaphore, #tpu.memory_space<semaphore_mem>>) src(%dma_wait3A_86 : memref<40x128xi32, #tpu.memory_space<hbm>>) dst(%arg8 : memref<40x128xi32, #tpu.memory_space<vmem>>)
        tpu.yield
      }) : () -> ()
      %dma_start3A = arith.constant 0 : i32
      %dma_start3A_46 = arith.constant 0 : i32
      %dma_start3A_47 = tpu.memref_slice %arg7[%dma_start3A, %dma_start3A_46] : memref<40x128xi32, #tpu.memory_space<vmem>> -> memref<1x128xi32, #tpu.memory_space<vmem>>
      %dma_start3A_48 = tpu.memref_squeeze %dma_start3A_47 : memref<1x128xi32, #tpu.memory_space<vmem>> -> memref<128xi32, #tpu.memory_space<vmem>>
      %dma_start3A_49 = arith.constant 0 : i32
      %dma_start3A_50 = arith.constant 0 : i32
      %dma_start3A_51 = tpu.memref_slice %arg2[%dma_start3A_49, %dma_start3A_50] : memref<10240x128xf32, #tpu.memory_space<hbm>> -> memref<10240x128xf32, #tpu.memory_space<hbm>>
      tpu.enqueue_indirect_dma source(%dma_start3A_51 : memref<10240x128xf32, #tpu.memory_space<hbm>>) target(%arg9 : memref<128x128xf32, #tpu.memory_space<vmem>>) offsets(%dma_start3A_48 : memref<128xi32, #tpu.memory_space<vmem>>) semaphore(%arg12 : memref<!tpu.dma_semaphore, #tpu.memory_space<semaphore_mem>>)
      %dma_start3A_52 = arith.constant 1 : i32
      %dma_start3A_53 = arith.constant 0 : i32
      %dma_start3A_54 = tpu.memref_slice %arg7[%dma_start3A_52, %dma_start3A_53] : memref<40x128xi32, #tpu.memory_space<vmem>> -> memref<1x128xi32, #tpu.memory_space<vmem>>
      %dma_start3A_55 = tpu.memref_squeeze %dma_start3A_54 : memref<1x128xi32, #tpu.memory_space<vmem>> -> memref<128xi32, #tpu.memory_space<vmem>>
      %dma_start3A_56 = arith.constant 0 : i32
      %dma_start3A_57 = arith.constant 0 : i32
      %dma_start3A_58 = tpu.memref_slice %arg2[%dma_start3A_56, %dma_start3A_57] : memref<10240x128xf32, #tpu.memory_space<hbm>> -> memref<10240x128xf32, #tpu.memory_space<hbm>>
      tpu.enqueue_indirect_dma source(%dma_start3A_58 : memref<10240x128xf32, #tpu.memory_space<hbm>>) target(%arg10 : memref<128x128xf32, #tpu.memory_space<vmem>>) offsets(%dma_start3A_55 : memref<128xi32, #tpu.memory_space<vmem>>) semaphore(%arg13 : memref<!tpu.dma_semaphore, #tpu.memory_space<semaphore_mem>>)
      %scan3A = arith.constant 0 : i32
      %scan3A_59 = arith.constant 0 : i32
      %scan3A_60 = arith.constant 19 : i32
      %scan3A_61 = arith.addi %scan3A_59, %scan3A_60 : i32
      %scan3A_62 = arith.constant 1 : i32
      scf.for %scan3A_78 = %scan3A_59 to %scan3A_61 step %scan3A_62  : i32 {
        %mul3A_79 = arith.constant 2 : i32
        %mul3A_80 = arith.muli %scan3A_78, %mul3A_79 : i32
        %add3A_81 = arith.constant 1 : i32
        %add3A_82 = arith.addi %mul3A_80, %add3A_81 : i32
        %dma_wait3A_83 = arith.constant 0 : i32
        %dma_wait3A_84 = tpu.memref_slice %arg7[%mul3A_80, %dma_wait3A_83] : memref<40x128xi32, #tpu.memory_space<vmem>> -> memref<1x128xi32, #tpu.memory_space<vmem>>
        %dma_wait3A_85 = tpu.memref_squeeze %dma_wait3A_84 : memref<1x128xi32, #tpu.memory_space<vmem>> -> memref<128xi32, #tpu.memory_space<vmem>>
        %dma_wait3A_86 = arith.constant 0 : i32
        %dma_wait3A_87 = arith.constant 0 : i32
        %dma_wait3A_88 = tpu.memref_slice %arg2[%dma_wait3A_86, %dma_wait3A_87] : memref<10240x128xf32, #tpu.memory_space<hbm>> -> memref<10240x128xf32, #tpu.memory_space<hbm>>
        tpu.wait_indirect_dma semaphore(%arg12 : memref<!tpu.dma_semaphore, #tpu.memory_space<semaphore_mem>>) src(%dma_wait3A_88 : memref<10240x128xf32, #tpu.memory_space<hbm>>) dst(%arg9 : memref<128x128xf32, #tpu.memory_space<vmem>>)
        "tpu.region"() ({
          %run_scoped3A_111 = tpu.sem_alloc : memref<!tpu.dma_semaphore, #tpu.memory_space<semaphore_mem>>
          %dma_start3A_112 = arith.constant 0 : i32
          %dma_start3A_113 = tpu.memref_slice %arg8[%mul3A_80, %dma_start3A_112] : memref<40x128xi32, #tpu.memory_space<vmem>> -> memref<1x128xi32, #tpu.memory_space<vmem>>
          %dma_start3A_114 = tpu.memref_squeeze %dma_start3A_113 : memref<1x128xi32, #tpu.memory_space<vmem>> -> memref<128xi32, #tpu.memory_space<vmem>>
          %dma_start3A_115 = arith.constant 0 : i32
          %dma_start3A_116 = arith.constant 0 : i32
          %dma_start3A_117 = tpu.memref_slice %arg11[%dma_start3A_115, %dma_start3A_116] : memref<10240x128xf32, #tpu.memory_space<vmem_shared>> -> memref<10240x128xf32, #tpu.memory_space<vmem_shared>>
          tpu.enqueue_indirect_dma source(%arg9 : memref<128x128xf32, #tpu.memory_space<vmem>>) target(%dma_start3A_117 : memref<10240x128xf32, #tpu.memory_space<vmem_shared>>) offsets(%dma_start3A_114 : memref<128xi32, #tpu.memory_space<vmem>>) semaphore(%run_scoped3A_111 : memref<!tpu.dma_semaphore, #tpu.memory_space<semaphore_mem>>) {add = true}
          %dma_wait3A_118 = arith.constant 0 : i32
          %dma_wait3A_119 = tpu.memref_slice %arg8[%mul3A_80, %dma_wait3A_118] : memref<40x128xi32, #tpu.memory_space<vmem>> -> memref<1x128xi32, #tpu.memory_space<vmem>>
          %dma_wait3A_120 = tpu.memref_squeeze %dma_wait3A_119 : memref<1x128xi32, #tpu.memory_space<vmem>> -> memref<128xi32, #tpu.memory_space<vmem>>
          %dma_wait3A_121 = arith.constant 0 : i32
          %dma_wait3A_122 = arith.constant 0 : i32
          %dma_wait3A_123 = tpu.memref_slice %arg11[%dma_wait3A_121, %dma_wait3A_122] : memref<10240x128xf32, #tpu.memory_space<vmem_shared>> -> memref<10240x128xf32, #tpu.memory_space<vmem_shared>>
          tpu.wait_indirect_dma semaphore(%run_scoped3A_111 : memref<!tpu.dma_semaphore, #tpu.memory_space<semaphore_mem>>) src(%arg9 : memref<128x128xf32, #tpu.memory_space<vmem>>) dst(%dma_wait3A_123 : memref<10240x128xf32, #tpu.memory_space<vmem_shared>>)
          tpu.yield
        }) : () -> ()
        %add3A_89 = arith.constant 2 : i32
        %add3A_90 = arith.addi %mul3A_80, %add3A_89 : i32
        %dma_start3A_91 = arith.constant 0 : i32
        %dma_start3A_92 = tpu.memref_slice %arg7[%add3A_90, %dma_start3A_91] : memref<40x128xi32, #tpu.memory_space<vmem>> -> memref<1x128xi32, #tpu.memory_space<vmem>>
        %dma_start3A_93 = tpu.memref_squeeze %dma_start3A_92 : memref<1x128xi32, #tpu.memory_space<vmem>> -> memref<128xi32, #tpu.memory_space<vmem>>
        %dma_start3A_94 = arith.constant 0 : i32
        %dma_start3A_95 = arith.constant 0 : i32
        %dma_start3A_96 = tpu.memref_slice %arg2[%dma_start3A_94, %dma_start3A_95] : memref<10240x128xf32, #tpu.memory_space<hbm>> -> memref<10240x128xf32, #tpu.memory_space<hbm>>
        tpu.enqueue_indirect_dma source(%dma_start3A_96 : memref<10240x128xf32, #tpu.memory_space<hbm>>) target(%arg9 : memref<128x128xf32, #tpu.memory_space<vmem>>) offsets(%dma_start3A_93 : memref<128xi32, #tpu.memory_space<vmem>>) semaphore(%arg12 : memref<!tpu.dma_semaphore, #tpu.memory_space<semaphore_mem>>)
        %dma_wait3A_97 = arith.constant 0 : i32
        %dma_wait3A_98 = tpu.memref_slice %arg7[%add3A_82, %dma_wait3A_97] : memref<40x128xi32, #tpu.memory_space<vmem>> -> memref<1x128xi32, #tpu.memory_space<vmem>>
        %dma_wait3A_99 = tpu.memref_squeeze %dma_wait3A_98 : memref<1x128xi32, #tpu.memory_space<vmem>> -> memref<128xi32, #tpu.memory_space<vmem>>
        %dma_wait3A_100 = arith.constant 0 : i32
        %dma_wait3A_101 = arith.constant 0 : i32
        %dma_wait3A_102 = tpu.memref_slice %arg2[%dma_wait3A_100, %dma_wait3A_101] : memref<10240x128xf32, #tpu.memory_space<hbm>> -> memref<10240x128xf32, #tpu.memory_space<hbm>>
        tpu.wait_indirect_dma semaphore(%arg13 : memref<!tpu.dma_semaphore, #tpu.memory_space<semaphore_mem>>) src(%dma_wait3A_102 : memref<10240x128xf32, #tpu.memory_space<hbm>>) dst(%arg10 : memref<128x128xf32, #tpu.memory_space<vmem>>)
        "tpu.region"() ({
          %run_scoped3A_111 = tpu.sem_alloc : memref<!tpu.dma_semaphore, #tpu.memory_space<semaphore_mem>>
          %dma_start3A_112 = arith.constant 0 : i32
          %dma_start3A_113 = tpu.memref_slice %arg8[%add3A_82, %dma_start3A_112] : memref<40x128xi32, #tpu.memory_space<vmem>> -> memref<1x128xi32, #tpu.memory_space<vmem>>
          %dma_start3A_114 = tpu.memref_squeeze %dma_start3A_113 : memref<1x128xi32, #tpu.memory_space<vmem>> -> memref<128xi32, #tpu.memory_space<vmem>>
          %dma_start3A_115 = arith.constant 0 : i32
          %dma_start3A_116 = arith.constant 0 : i32
          %dma_start3A_117 = tpu.memref_slice %arg11[%dma_start3A_115, %dma_start3A_116] : memref<10240x128xf32, #tpu.memory_space<vmem_shared>> -> memref<10240x128xf32, #tpu.memory_space<vmem_shared>>
          tpu.enqueue_indirect_dma source(%arg10 : memref<128x128xf32, #tpu.memory_space<vmem>>) target(%dma_start3A_117 : memref<10240x128xf32, #tpu.memory_space<vmem_shared>>) offsets(%dma_start3A_114 : memref<128xi32, #tpu.memory_space<vmem>>) semaphore(%run_scoped3A_111 : memref<!tpu.dma_semaphore, #tpu.memory_space<semaphore_mem>>) {add = true}
          %dma_wait3A_118 = arith.constant 0 : i32
          %dma_wait3A_119 = tpu.memref_slice %arg8[%add3A_82, %dma_wait3A_118] : memref<40x128xi32, #tpu.memory_space<vmem>> -> memref<1x128xi32, #tpu.memory_space<vmem>>
          %dma_wait3A_120 = tpu.memref_squeeze %dma_wait3A_119 : memref<1x128xi32, #tpu.memory_space<vmem>> -> memref<128xi32, #tpu.memory_space<vmem>>
          %dma_wait3A_121 = arith.constant 0 : i32
          %dma_wait3A_122 = arith.constant 0 : i32
          %dma_wait3A_123 = tpu.memref_slice %arg11[%dma_wait3A_121, %dma_wait3A_122] : memref<10240x128xf32, #tpu.memory_space<vmem_shared>> -> memref<10240x128xf32, #tpu.memory_space<vmem_shared>>
          tpu.wait_indirect_dma semaphore(%run_scoped3A_111 : memref<!tpu.dma_semaphore, #tpu.memory_space<semaphore_mem>>) src(%arg10 : memref<128x128xf32, #tpu.memory_space<vmem>>) dst(%dma_wait3A_123 : memref<10240x128xf32, #tpu.memory_space<vmem_shared>>)
          tpu.yield
        }) : () -> ()
        %add3A_103 = arith.constant 2 : i32
        %add3A_104 = arith.addi %add3A_82, %add3A_103 : i32
        %dma_start3A_105 = arith.constant 0 : i32
        %dma_start3A_106 = tpu.memref_slice %arg7[%add3A_104, %dma_start3A_105] : memref<40x128xi32, #tpu.memory_space<vmem>> -> memref<1x128xi32, #tpu.memory_space<vmem>>
        %dma_start3A_107 = tpu.memref_squeeze %dma_start3A_106 : memref<1x128xi32, #tpu.memory_space<vmem>> -> memref<128xi32, #tpu.memory_space<vmem>>
        %dma_start3A_108 = arith.constant 0 : i32
        %dma_start3A_109 = arith.constant 0 : i32
        %dma_start3A_110 = tpu.memref_slice %arg2[%dma_start3A_108, %dma_start3A_109] : memref<10240x128xf32, #tpu.memory_space<hbm>> -> memref<10240x128xf32, #tpu.memory_space<hbm>>
        tpu.enqueue_indirect_dma source(%dma_start3A_110 : memref<10240x128xf32, #tpu.memory_space<hbm>>) target(%arg10 : memref<128x128xf32, #tpu.memory_space<vmem>>) offsets(%dma_start3A_107 : memref<128xi32, #tpu.memory_space<vmem>>) semaphore(%arg13 : memref<!tpu.dma_semaphore, #tpu.memory_space<semaphore_mem>>)
      }
      %scan3A_63 = arith.constant 19 : i32
      %dma_wait3A = arith.constant 38 : i32
      %dma_wait3A_64 = arith.constant 0 : i32
      %dma_wait3A_65 = tpu.memref_slice %arg7[%dma_wait3A, %dma_wait3A_64] : memref<40x128xi32, #tpu.memory_space<vmem>> -> memref<1x128xi32, #tpu.memory_space<vmem>>
      %dma_wait3A_66 = tpu.memref_squeeze %dma_wait3A_65 : memref<1x128xi32, #tpu.memory_space<vmem>> -> memref<128xi32, #tpu.memory_space<vmem>>
      %dma_wait3A_67 = arith.constant 0 : i32
      %dma_wait3A_68 = arith.constant 0 : i32
      %dma_wait3A_69 = tpu.memref_slice %arg2[%dma_wait3A_67, %dma_wait3A_68] : memref<10240x128xf32, #tpu.memory_space<hbm>> -> memref<10240x128xf32, #tpu.memory_space<hbm>>
      tpu.wait_indirect_dma semaphore(%arg12 : memref<!tpu.dma_semaphore, #tpu.memory_space<semaphore_mem>>) src(%dma_wait3A_69 : memref<10240x128xf32, #tpu.memory_space<hbm>>) dst(%arg9 : memref<128x128xf32, #tpu.memory_space<vmem>>)
      %run_scoped3A = arith.constant 38 : i32
      "tpu.region"() ({
        %run_scoped3A_78 = tpu.sem_alloc : memref<!tpu.dma_semaphore, #tpu.memory_space<semaphore_mem>>
        %dma_start3A_79 = arith.constant 0 : i32
        %dma_start3A_80 = tpu.memref_slice %arg8[%run_scoped3A, %dma_start3A_79] : memref<40x128xi32, #tpu.memory_space<vmem>> -> memref<1x128xi32, #tpu.memory_space<vmem>>
        %dma_start3A_81 = tpu.memref_squeeze %dma_start3A_80 : memref<1x128xi32, #tpu.memory_space<vmem>> -> memref<128xi32, #tpu.memory_space<vmem>>
        %dma_start3A_82 = arith.constant 0 : i32
        %dma_start3A_83 = arith.constant 0 : i32
        %dma_start3A_84 = tpu.memref_slice %arg11[%dma_start3A_82, %dma_start3A_83] : memref<10240x128xf32, #tpu.memory_space<vmem_shared>> -> memref<10240x128xf32, #tpu.memory_space<vmem_shared>>
        tpu.enqueue_indirect_dma source(%arg9 : memref<128x128xf32, #tpu.memory_space<vmem>>) target(%dma_start3A_84 : memref<10240x128xf32, #tpu.memory_space<vmem_shared>>) offsets(%dma_start3A_81 : memref<128xi32, #tpu.memory_space<vmem>>) semaphore(%run_scoped3A_78 : memref<!tpu.dma_semaphore, #tpu.memory_space<semaphore_mem>>) {add = true}
        %dma_wait3A_85 = arith.constant 0 : i32
        %dma_wait3A_86 = tpu.memref_slice %arg8[%run_scoped3A, %dma_wait3A_85] : memref<40x128xi32, #tpu.memory_space<vmem>> -> memref<1x128xi32, #tpu.memory_space<vmem>>
        %dma_wait3A_87 = tpu.memref_squeeze %dma_wait3A_86 : memref<1x128xi32, #tpu.memory_space<vmem>> -> memref<128xi32, #tpu.memory_space<vmem>>
        %dma_wait3A_88 = arith.constant 0 : i32
        %dma_wait3A_89 = arith.constant 0 : i32
        %dma_wait3A_90 = tpu.memref_slice %arg11[%dma_wait3A_88, %dma_wait3A_89] : memref<10240x128xf32, #tpu.memory_space<vmem_shared>> -> memref<10240x128xf32, #tpu.memory_space<vmem_shared>>
        tpu.wait_indirect_dma semaphore(%run_scoped3A_78 : memref<!tpu.dma_semaphore, #tpu.memory_space<semaphore_mem>>) src(%arg9 : memref<128x128xf32, #tpu.memory_space<vmem>>) dst(%dma_wait3A_90 : memref<10240x128xf32, #tpu.memory_space<vmem_shared>>)
        tpu.yield
      }) : () -> ()
      %dma_wait3A_70 = arith.constant 39 : i32
      %dma_wait3A_71 = arith.constant 0 : i32
      %dma_wait3A_72 = tpu.memref_slice %arg7[%dma_wait3A_70, %dma_wait3A_71] : memref<40x128xi32, #tpu.memory_space<vmem>> -> memref<1x128xi32, #tpu.memory_space<vmem>>
      %dma_wait3A_73 = tpu.memref_squeeze %dma_wait3A_72 : memref<1x128xi32, #tpu.memory_space<vmem>> -> memref<128xi32, #tpu.memory_space<vmem>>
      %dma_wait3A_74 = arith.constant 0 : i32
      %dma_wait3A_75 = arith.constant 0 : i32
      %dma_wait3A_76 = tpu.memref_slice %arg2[%dma_wait3A_74, %dma_wait3A_75] : memref<10240x128xf32, #tpu.memory_space<hbm>> -> memref<10240x128xf32, #tpu.memory_space<hbm>>
      tpu.wait_indirect_dma semaphore(%arg13 : memref<!tpu.dma_semaphore, #tpu.memory_space<semaphore_mem>>) src(%dma_wait3A_76 : memref<10240x128xf32, #tpu.memory_space<hbm>>) dst(%arg10 : memref<128x128xf32, #tpu.memory_space<vmem>>)
      %run_scoped3A_77 = arith.constant 39 : i32
      "tpu.region"() ({
        %run_scoped3A_78 = tpu.sem_alloc : memref<!tpu.dma_semaphore, #tpu.memory_space<semaphore_mem>>
        %dma_start3A_79 = arith.constant 0 : i32
        %dma_start3A_80 = tpu.memref_slice %arg8[%run_scoped3A_77, %dma_start3A_79] : memref<40x128xi32, #tpu.memory_space<vmem>> -> memref<1x128xi32, #tpu.memory_space<vmem>>
        %dma_start3A_81 = tpu.memref_squeeze %dma_start3A_80 : memref<1x128xi32, #tpu.memory_space<vmem>> -> memref<128xi32, #tpu.memory_space<vmem>>
        %dma_start3A_82 = arith.constant 0 : i32
        %dma_start3A_83 = arith.constant 0 : i32
        %dma_start3A_84 = tpu.memref_slice %arg11[%dma_start3A_82, %dma_start3A_83] : memref<10240x128xf32, #tpu.memory_space<vmem_shared>> -> memref<10240x128xf32, #tpu.memory_space<vmem_shared>>
        tpu.enqueue_indirect_dma source(%arg10 : memref<128x128xf32, #tpu.memory_space<vmem>>) target(%dma_start3A_84 : memref<10240x128xf32, #tpu.memory_space<vmem_shared>>) offsets(%dma_start3A_81 : memref<128xi32, #tpu.memory_space<vmem>>) semaphore(%run_scoped3A_78 : memref<!tpu.dma_semaphore, #tpu.memory_space<semaphore_mem>>) {add = true}
        %dma_wait3A_85 = arith.constant 0 : i32
        %dma_wait3A_86 = tpu.memref_slice %arg8[%run_scoped3A_77, %dma_wait3A_85] : memref<40x128xi32, #tpu.memory_space<vmem>> -> memref<1x128xi32, #tpu.memory_space<vmem>>
        %dma_wait3A_87 = tpu.memref_squeeze %dma_wait3A_86 : memref<1x128xi32, #tpu.memory_space<vmem>> -> memref<128xi32, #tpu.memory_space<vmem>>
        %dma_wait3A_88 = arith.constant 0 : i32
        %dma_wait3A_89 = arith.constant 0 : i32
        %dma_wait3A_90 = tpu.memref_slice %arg11[%dma_wait3A_88, %dma_wait3A_89] : memref<10240x128xf32, #tpu.memory_space<vmem_shared>> -> memref<10240x128xf32, #tpu.memory_space<vmem_shared>>
        tpu.wait_indirect_dma semaphore(%run_scoped3A_78 : memref<!tpu.dma_semaphore, #tpu.memory_space<semaphore_mem>>) src(%arg10 : memref<128x128xf32, #tpu.memory_space<vmem>>) dst(%dma_wait3A_90 : memref<10240x128xf32, #tpu.memory_space<vmem_shared>>)
        tpu.yield
      }) : () -> ()
    }
    %barrier3A_38 = arith.constant 0 : index
    tpu.barrier barrier_id(%barrier3A_38)
    "tpu.region"() ({
      %run_scoped3A = tpu.sem_alloc : memref<!tpu.dma_semaphore, #tpu.memory_space<semaphore_mem>>
      %dma_start3A = arith.constant 0 : i32
      %dma_start3A_39 = tpu.memref_slice %arg6[%arg0, %mul3A_0, %dma_start3A] : memref<2x10240x128xf32, #tpu.memory_space<hbm>> -> memref<1x640x128xf32, #tpu.memory_space<hbm>>
      %dma_start3A_40 = tpu.memref_squeeze %dma_start3A_39 : memref<1x640x128xf32, #tpu.memory_space<hbm>> -> memref<640x128xf32, #tpu.memory_space<hbm>>
      %dma_start3A_41 = arith.constant 0 : i32
      %dma_start3A_42 = tpu.memref_slice %arg11[%mul3A_0, %dma_start3A_41] : memref<10240x128xf32, #tpu.memory_space<vmem_shared>> -> memref<640x128xf32, #tpu.memory_space<vmem_shared>>
      tpu.enqueue_dma source(%dma_start3A_42 : memref<640x128xf32, #tpu.memory_space<vmem_shared>>) target(%dma_start3A_40 : memref<640x128xf32, #tpu.memory_space<hbm>>) target_semaphore(%run_scoped3A : memref<!tpu.dma_semaphore, #tpu.memory_space<semaphore_mem>>)
      %dma_wait3A = arith.constant 0 : i32
      %dma_wait3A_43 = tpu.memref_slice %arg6[%arg0, %mul3A_0, %dma_wait3A] : memref<2x10240x128xf32, #tpu.memory_space<hbm>> -> memref<1x640x128xf32, #tpu.memory_space<hbm>>
      %dma_wait3A_44 = tpu.memref_squeeze %dma_wait3A_43 : memref<1x640x128xf32, #tpu.memory_space<hbm>> -> memref<640x128xf32, #tpu.memory_space<hbm>>
      %dma_wait3A_45 = arith.constant 0 : i32
      %dma_wait3A_46 = tpu.memref_slice %arg11[%mul3A_0, %dma_wait3A_45] : memref<10240x128xf32, #tpu.memory_space<vmem_shared>> -> memref<640x128xf32, #tpu.memory_space<vmem_shared>>
      tpu.wait_dma2 semaphore(%run_scoped3A : memref<!tpu.dma_semaphore, #tpu.memory_space<semaphore_mem>>) src(%dma_wait3A_46 : memref<640x128xf32, #tpu.memory_space<vmem_shared>>) dst(%dma_wait3A_44 : memref<640x128xf32, #tpu.memory_space<hbm>>)
      tpu.yield
    }) : () -> ()
    return
  }
}

#map = affine_map<(d0, d1) -> (0, 0)>
#map1 = affine_map<(d0, d1) -> (0, 0, 0)>
module attributes {stable_mosaic.version = 14 : i64} {
  func.func @sc_deg(%arg0: i32, %arg1: i32, %arg2: memref<2560x128xi32, #tpu.memory_space<hbm>>, %arg3: memref<128x128xf32, #tpu.memory_space<hbm>>, %arg4: memref<640x128xf32, #tpu.memory_space<hbm>>, %arg5: memref<2x10240x128xf32, #tpu.memory_space<hbm>>, %arg6: memref<80x128xi32, #tpu.memory_space<vmem>>, %arg7: memref<128x128xf32, #tpu.memory_space<vmem>>, %arg8: memref<10240x128xf32, #tpu.memory_space<vmem_shared>>, %arg9: memref<!tpu.dma_semaphore, #tpu.memory_space<semaphore_mem>>) attributes {dimension_semantics = [#tpu.dimension_semantics<core_parallel>, #tpu.dimension_semantics<subcore_parallel>], iteration_bounds = array<i64: 2, 16>, scalar_prefetch = 0 : i64, scratch_operands = 4 : i64, tpu.core_type = #tpu.core_type<sc_vector_subcore>, window_params = [{transform_indices = #map}, {transform_indices = #map}, {transform_indices = #map}, {transform_indices = #map1}]} {
    %mul3A = arith.constant 16 : i32
    %mul3A_0 = arith.muli %arg0, %mul3A : i32
    %add3A = arith.addi %mul3A_0, %arg1 : i32
    %mul3A_1 = arith.constant 640 : i32
    %mul3A_2 = arith.muli %arg1, %mul3A_1 : i32
    "tpu.region"() ({
      %run_scoped3A = tpu.sem_alloc : memref<!tpu.dma_semaphore, #tpu.memory_space<semaphore_mem>>
      %dma_start3A = arith.constant 0 : i32
      %dma_start3A_11 = tpu.memref_slice %arg8[%mul3A_2, %dma_start3A] : memref<10240x128xf32, #tpu.memory_space<vmem_shared>> -> memref<640x128xf32, #tpu.memory_space<vmem_shared>>
      tpu.enqueue_dma source(%arg4 : memref<640x128xf32, #tpu.memory_space<hbm>>) target(%dma_start3A_11 : memref<640x128xf32, #tpu.memory_space<vmem_shared>>) target_semaphore(%run_scoped3A : memref<!tpu.dma_semaphore, #tpu.memory_space<semaphore_mem>>)
      %dma_wait3A = arith.constant 0 : i32
      %dma_wait3A_12 = tpu.memref_slice %arg8[%mul3A_2, %dma_wait3A] : memref<10240x128xf32, #tpu.memory_space<vmem_shared>> -> memref<640x128xf32, #tpu.memory_space<vmem_shared>>
      tpu.wait_dma2 semaphore(%run_scoped3A : memref<!tpu.dma_semaphore, #tpu.memory_space<semaphore_mem>>) src(%arg4 : memref<640x128xf32, #tpu.memory_space<hbm>>) dst(%dma_wait3A_12 : memref<640x128xf32, #tpu.memory_space<vmem_shared>>)
      tpu.yield
    }) : () -> ()
    %mul3A_3 = arith.constant 80 : i32
    %mul3A_4 = arith.muli %add3A, %mul3A_3 : i32
    "tpu.region"() ({
      %run_scoped3A = tpu.sem_alloc : memref<!tpu.dma_semaphore, #tpu.memory_space<semaphore_mem>>
      %dma_start3A = arith.constant 0 : i32
      %dma_start3A_11 = tpu.memref_slice %arg2[%mul3A_4, %dma_start3A] : memref<2560x128xi32, #tpu.memory_space<hbm>> -> memref<80x128xi32, #tpu.memory_space<hbm>>
      %dma_start3A_12 = arith.constant 0 : i32
      %dma_start3A_13 = tpu.memref_slice %arg2[%mul3A_4, %dma_start3A_12] : memref<2560x128xi32, #tpu.memory_space<hbm>> -> memref<80x128xi32, #tpu.memory_space<hbm>>
      tpu.enqueue_dma source(%dma_start3A_13 : memref<80x128xi32, #tpu.memory_space<hbm>>) target(%arg6 : memref<80x128xi32, #tpu.memory_space<vmem>>) target_semaphore(%run_scoped3A : memref<!tpu.dma_semaphore, #tpu.memory_space<semaphore_mem>>)
      %dma_wait3A = arith.constant 0 : i32
      %dma_wait3A_14 = tpu.memref_slice %arg2[%mul3A_4, %dma_wait3A] : memref<2560x128xi32, #tpu.memory_space<hbm>> -> memref<80x128xi32, #tpu.memory_space<hbm>>
      %dma_wait3A_15 = arith.constant 0 : i32
      %dma_wait3A_16 = tpu.memref_slice %arg2[%mul3A_4, %dma_wait3A_15] : memref<2560x128xi32, #tpu.memory_space<hbm>> -> memref<80x128xi32, #tpu.memory_space<hbm>>
      tpu.wait_dma2 semaphore(%run_scoped3A : memref<!tpu.dma_semaphore, #tpu.memory_space<semaphore_mem>>) src(%dma_wait3A_16 : memref<80x128xi32, #tpu.memory_space<hbm>>) dst(%arg6 : memref<80x128xi32, #tpu.memory_space<vmem>>)
      tpu.yield
    }) : () -> ()
    "tpu.region"() ({
      %run_scoped3A = tpu.sem_alloc : memref<!tpu.dma_semaphore, #tpu.memory_space<semaphore_mem>>
      tpu.enqueue_dma source(%arg3 : memref<128x128xf32, #tpu.memory_space<hbm>>) target(%arg7 : memref<128x128xf32, #tpu.memory_space<vmem>>) target_semaphore(%run_scoped3A : memref<!tpu.dma_semaphore, #tpu.memory_space<semaphore_mem>>)
      tpu.wait_dma2 semaphore(%run_scoped3A : memref<!tpu.dma_semaphore, #tpu.memory_space<semaphore_mem>>) src(%arg3 : memref<128x128xf32, #tpu.memory_space<hbm>>) dst(%arg7 : memref<128x128xf32, #tpu.memory_space<vmem>>)
      tpu.yield
    }) : () -> ()
    %barrier3A = arith.constant 0 : index
    tpu.barrier barrier_id(%barrier3A)
    %scan3A = arith.constant 0 : i32
    %scan3A_5 = arith.constant 0 : i32
    %scan3A_6 = arith.constant 10 : i32
    %scan3A_7 = arith.addi %scan3A_5, %scan3A_6 : i32
    %scan3A_8 = arith.constant 1 : i32
    scf.for %scan3A_11 = %scan3A_5 to %scan3A_7 step %scan3A_8  : i32 {
      %mul3A_12 = arith.constant 8 : i32
      %mul3A_13 = arith.muli %scan3A_11, %mul3A_12 : i32
      %add3A_14 = arith.constant 0 : i32
      %add3A_15 = arith.addi %mul3A_13, %add3A_14 : i32
      %dma_start3A = arith.constant 0 : i32
      %dma_start3A_16 = tpu.memref_slice %arg6[%add3A_15, %dma_start3A] : memref<80x128xi32, #tpu.memory_space<vmem>> -> memref<1x128xi32, #tpu.memory_space<vmem>>
      %dma_start3A_17 = tpu.memref_squeeze %dma_start3A_16 : memref<1x128xi32, #tpu.memory_space<vmem>> -> memref<128xi32, #tpu.memory_space<vmem>>
      %dma_start3A_18 = arith.constant 0 : i32
      %dma_start3A_19 = arith.constant 0 : i32
      %dma_start3A_20 = tpu.memref_slice %arg8[%dma_start3A_18, %dma_start3A_19] : memref<10240x128xf32, #tpu.memory_space<vmem_shared>> -> memref<10240x128xf32, #tpu.memory_space<vmem_shared>>
      tpu.enqueue_indirect_dma source(%arg7 : memref<128x128xf32, #tpu.memory_space<vmem>>) target(%dma_start3A_20 : memref<10240x128xf32, #tpu.memory_space<vmem_shared>>) offsets(%dma_start3A_17 : memref<128xi32, #tpu.memory_space<vmem>>) semaphore(%arg9 : memref<!tpu.dma_semaphore, #tpu.memory_space<semaphore_mem>>) {add = true}
      %mul3A_21 = arith.constant 8 : i32
      %mul3A_22 = arith.muli %scan3A_11, %mul3A_21 : i32
      %add3A_23 = arith.constant 1 : i32
      %add3A_24 = arith.addi %mul3A_22, %add3A_23 : i32
      %dma_start3A_25 = arith.constant 0 : i32
      %dma_start3A_26 = tpu.memref_slice %arg6[%add3A_24, %dma_start3A_25] : memref<80x128xi32, #tpu.memory_space<vmem>> -> memref<1x128xi32, #tpu.memory_space<vmem>>
      %dma_start3A_27 = tpu.memref_squeeze %dma_start3A_26 : memref<1x128xi32, #tpu.memory_space<vmem>> -> memref<128xi32, #tpu.memory_space<vmem>>
      %dma_start3A_28 = arith.constant 0 : i32
      %dma_start3A_29 = arith.constant 0 : i32
      %dma_start3A_30 = tpu.memref_slice %arg8[%dma_start3A_28, %dma_start3A_29] : memref<10240x128xf32, #tpu.memory_space<vmem_shared>> -> memref<10240x128xf32, #tpu.memory_space<vmem_shared>>
      tpu.enqueue_indirect_dma source(%arg7 : memref<128x128xf32, #tpu.memory_space<vmem>>) target(%dma_start3A_30 : memref<10240x128xf32, #tpu.memory_space<vmem_shared>>) offsets(%dma_start3A_27 : memref<128xi32, #tpu.memory_space<vmem>>) semaphore(%arg9 : memref<!tpu.dma_semaphore, #tpu.memory_space<semaphore_mem>>) {add = true}
      %mul3A_31 = arith.constant 8 : i32
      %mul3A_32 = arith.muli %scan3A_11, %mul3A_31 : i32
      %add3A_33 = arith.constant 2 : i32
      %add3A_34 = arith.addi %mul3A_32, %add3A_33 : i32
      %dma_start3A_35 = arith.constant 0 : i32
      %dma_start3A_36 = tpu.memref_slice %arg6[%add3A_34, %dma_start3A_35] : memref<80x128xi32, #tpu.memory_space<vmem>> -> memref<1x128xi32, #tpu.memory_space<vmem>>
      %dma_start3A_37 = tpu.memref_squeeze %dma_start3A_36 : memref<1x128xi32, #tpu.memory_space<vmem>> -> memref<128xi32, #tpu.memory_space<vmem>>
      %dma_start3A_38 = arith.constant 0 : i32
      %dma_start3A_39 = arith.constant 0 : i32
      %dma_start3A_40 = tpu.memref_slice %arg8[%dma_start3A_38, %dma_start3A_39] : memref<10240x128xf32, #tpu.memory_space<vmem_shared>> -> memref<10240x128xf32, #tpu.memory_space<vmem_shared>>
      tpu.enqueue_indirect_dma source(%arg7 : memref<128x128xf32, #tpu.memory_space<vmem>>) target(%dma_start3A_40 : memref<10240x128xf32, #tpu.memory_space<vmem_shared>>) offsets(%dma_start3A_37 : memref<128xi32, #tpu.memory_space<vmem>>) semaphore(%arg9 : memref<!tpu.dma_semaphore, #tpu.memory_space<semaphore_mem>>) {add = true}
      %mul3A_41 = arith.constant 8 : i32
      %mul3A_42 = arith.muli %scan3A_11, %mul3A_41 : i32
      %add3A_43 = arith.constant 3 : i32
      %add3A_44 = arith.addi %mul3A_42, %add3A_43 : i32
      %dma_start3A_45 = arith.constant 0 : i32
      %dma_start3A_46 = tpu.memref_slice %arg6[%add3A_44, %dma_start3A_45] : memref<80x128xi32, #tpu.memory_space<vmem>> -> memref<1x128xi32, #tpu.memory_space<vmem>>
      %dma_start3A_47 = tpu.memref_squeeze %dma_start3A_46 : memref<1x128xi32, #tpu.memory_space<vmem>> -> memref<128xi32, #tpu.memory_space<vmem>>
      %dma_start3A_48 = arith.constant 0 : i32
      %dma_start3A_49 = arith.constant 0 : i32
      %dma_start3A_50 = tpu.memref_slice %arg8[%dma_start3A_48, %dma_start3A_49] : memref<10240x128xf32, #tpu.memory_space<vmem_shared>> -> memref<10240x128xf32, #tpu.memory_space<vmem_shared>>
      tpu.enqueue_indirect_dma source(%arg7 : memref<128x128xf32, #tpu.memory_space<vmem>>) target(%dma_start3A_50 : memref<10240x128xf32, #tpu.memory_space<vmem_shared>>) offsets(%dma_start3A_47 : memref<128xi32, #tpu.memory_space<vmem>>) semaphore(%arg9 : memref<!tpu.dma_semaphore, #tpu.memory_space<semaphore_mem>>) {add = true}
      %mul3A_51 = arith.constant 8 : i32
      %mul3A_52 = arith.muli %scan3A_11, %mul3A_51 : i32
      %add3A_53 = arith.constant 4 : i32
      %add3A_54 = arith.addi %mul3A_52, %add3A_53 : i32
      %dma_start3A_55 = arith.constant 0 : i32
      %dma_start3A_56 = tpu.memref_slice %arg6[%add3A_54, %dma_start3A_55] : memref<80x128xi32, #tpu.memory_space<vmem>> -> memref<1x128xi32, #tpu.memory_space<vmem>>
      %dma_start3A_57 = tpu.memref_squeeze %dma_start3A_56 : memref<1x128xi32, #tpu.memory_space<vmem>> -> memref<128xi32, #tpu.memory_space<vmem>>
      %dma_start3A_58 = arith.constant 0 : i32
      %dma_start3A_59 = arith.constant 0 : i32
      %dma_start3A_60 = tpu.memref_slice %arg8[%dma_start3A_58, %dma_start3A_59] : memref<10240x128xf32, #tpu.memory_space<vmem_shared>> -> memref<10240x128xf32, #tpu.memory_space<vmem_shared>>
      tpu.enqueue_indirect_dma source(%arg7 : memref<128x128xf32, #tpu.memory_space<vmem>>) target(%dma_start3A_60 : memref<10240x128xf32, #tpu.memory_space<vmem_shared>>) offsets(%dma_start3A_57 : memref<128xi32, #tpu.memory_space<vmem>>) semaphore(%arg9 : memref<!tpu.dma_semaphore, #tpu.memory_space<semaphore_mem>>) {add = true}
      %mul3A_61 = arith.constant 8 : i32
      %mul3A_62 = arith.muli %scan3A_11, %mul3A_61 : i32
      %add3A_63 = arith.constant 5 : i32
      %add3A_64 = arith.addi %mul3A_62, %add3A_63 : i32
      %dma_start3A_65 = arith.constant 0 : i32
      %dma_start3A_66 = tpu.memref_slice %arg6[%add3A_64, %dma_start3A_65] : memref<80x128xi32, #tpu.memory_space<vmem>> -> memref<1x128xi32, #tpu.memory_space<vmem>>
      %dma_start3A_67 = tpu.memref_squeeze %dma_start3A_66 : memref<1x128xi32, #tpu.memory_space<vmem>> -> memref<128xi32, #tpu.memory_space<vmem>>
      %dma_start3A_68 = arith.constant 0 : i32
      %dma_start3A_69 = arith.constant 0 : i32
      %dma_start3A_70 = tpu.memref_slice %arg8[%dma_start3A_68, %dma_start3A_69] : memref<10240x128xf32, #tpu.memory_space<vmem_shared>> -> memref<10240x128xf32, #tpu.memory_space<vmem_shared>>
      tpu.enqueue_indirect_dma source(%arg7 : memref<128x128xf32, #tpu.memory_space<vmem>>) target(%dma_start3A_70 : memref<10240x128xf32, #tpu.memory_space<vmem_shared>>) offsets(%dma_start3A_67 : memref<128xi32, #tpu.memory_space<vmem>>) semaphore(%arg9 : memref<!tpu.dma_semaphore, #tpu.memory_space<semaphore_mem>>) {add = true}
      %mul3A_71 = arith.constant 8 : i32
      %mul3A_72 = arith.muli %scan3A_11, %mul3A_71 : i32
      %add3A_73 = arith.constant 6 : i32
      %add3A_74 = arith.addi %mul3A_72, %add3A_73 : i32
      %dma_start3A_75 = arith.constant 0 : i32
      %dma_start3A_76 = tpu.memref_slice %arg6[%add3A_74, %dma_start3A_75] : memref<80x128xi32, #tpu.memory_space<vmem>> -> memref<1x128xi32, #tpu.memory_space<vmem>>
      %dma_start3A_77 = tpu.memref_squeeze %dma_start3A_76 : memref<1x128xi32, #tpu.memory_space<vmem>> -> memref<128xi32, #tpu.memory_space<vmem>>
      %dma_start3A_78 = arith.constant 0 : i32
      %dma_start3A_79 = arith.constant 0 : i32
      %dma_start3A_80 = tpu.memref_slice %arg8[%dma_start3A_78, %dma_start3A_79] : memref<10240x128xf32, #tpu.memory_space<vmem_shared>> -> memref<10240x128xf32, #tpu.memory_space<vmem_shared>>
      tpu.enqueue_indirect_dma source(%arg7 : memref<128x128xf32, #tpu.memory_space<vmem>>) target(%dma_start3A_80 : memref<10240x128xf32, #tpu.memory_space<vmem_shared>>) offsets(%dma_start3A_77 : memref<128xi32, #tpu.memory_space<vmem>>) semaphore(%arg9 : memref<!tpu.dma_semaphore, #tpu.memory_space<semaphore_mem>>) {add = true}
      %mul3A_81 = arith.constant 8 : i32
      %mul3A_82 = arith.muli %scan3A_11, %mul3A_81 : i32
      %add3A_83 = arith.constant 7 : i32
      %add3A_84 = arith.addi %mul3A_82, %add3A_83 : i32
      %dma_start3A_85 = arith.constant 0 : i32
      %dma_start3A_86 = tpu.memref_slice %arg6[%add3A_84, %dma_start3A_85] : memref<80x128xi32, #tpu.memory_space<vmem>> -> memref<1x128xi32, #tpu.memory_space<vmem>>
      %dma_start3A_87 = tpu.memref_squeeze %dma_start3A_86 : memref<1x128xi32, #tpu.memory_space<vmem>> -> memref<128xi32, #tpu.memory_space<vmem>>
      %dma_start3A_88 = arith.constant 0 : i32
      %dma_start3A_89 = arith.constant 0 : i32
      %dma_start3A_90 = tpu.memref_slice %arg8[%dma_start3A_88, %dma_start3A_89] : memref<10240x128xf32, #tpu.memory_space<vmem_shared>> -> memref<10240x128xf32, #tpu.memory_space<vmem_shared>>
      tpu.enqueue_indirect_dma source(%arg7 : memref<128x128xf32, #tpu.memory_space<vmem>>) target(%dma_start3A_90 : memref<10240x128xf32, #tpu.memory_space<vmem_shared>>) offsets(%dma_start3A_87 : memref<128xi32, #tpu.memory_space<vmem>>) semaphore(%arg9 : memref<!tpu.dma_semaphore, #tpu.memory_space<semaphore_mem>>) {add = true}
      %mul3A_91 = arith.constant 8 : i32
      %mul3A_92 = arith.muli %scan3A_11, %mul3A_91 : i32
      %add3A_93 = arith.constant 0 : i32
      %add3A_94 = arith.addi %mul3A_92, %add3A_93 : i32
      %dma_wait3A = arith.constant 0 : i32
      %dma_wait3A_95 = tpu.memref_slice %arg6[%add3A_94, %dma_wait3A] : memref<80x128xi32, #tpu.memory_space<vmem>> -> memref<1x128xi32, #tpu.memory_space<vmem>>
      %dma_wait3A_96 = tpu.memref_squeeze %dma_wait3A_95 : memref<1x128xi32, #tpu.memory_space<vmem>> -> memref<128xi32, #tpu.memory_space<vmem>>
      %dma_wait3A_97 = arith.constant 0 : i32
      %dma_wait3A_98 = arith.constant 0 : i32
      %dma_wait3A_99 = tpu.memref_slice %arg8[%dma_wait3A_97, %dma_wait3A_98] : memref<10240x128xf32, #tpu.memory_space<vmem_shared>> -> memref<10240x128xf32, #tpu.memory_space<vmem_shared>>
      tpu.wait_indirect_dma semaphore(%arg9 : memref<!tpu.dma_semaphore, #tpu.memory_space<semaphore_mem>>) src(%arg7 : memref<128x128xf32, #tpu.memory_space<vmem>>) dst(%dma_wait3A_99 : memref<10240x128xf32, #tpu.memory_space<vmem_shared>>)
      %mul3A_100 = arith.constant 8 : i32
      %mul3A_101 = arith.muli %scan3A_11, %mul3A_100 : i32
      %add3A_102 = arith.constant 1 : i32
      %add3A_103 = arith.addi %mul3A_101, %add3A_102 : i32
      %dma_wait3A_104 = arith.constant 0 : i32
      %dma_wait3A_105 = tpu.memref_slice %arg6[%add3A_103, %dma_wait3A_104] : memref<80x128xi32, #tpu.memory_space<vmem>> -> memref<1x128xi32, #tpu.memory_space<vmem>>
      %dma_wait3A_106 = tpu.memref_squeeze %dma_wait3A_105 : memref<1x128xi32, #tpu.memory_space<vmem>> -> memref<128xi32, #tpu.memory_space<vmem>>
      %dma_wait3A_107 = arith.constant 0 : i32
      %dma_wait3A_108 = arith.constant 0 : i32
      %dma_wait3A_109 = tpu.memref_slice %arg8[%dma_wait3A_107, %dma_wait3A_108] : memref<10240x128xf32, #tpu.memory_space<vmem_shared>> -> memref<10240x128xf32, #tpu.memory_space<vmem_shared>>
      tpu.wait_indirect_dma semaphore(%arg9 : memref<!tpu.dma_semaphore, #tpu.memory_space<semaphore_mem>>) src(%arg7 : memref<128x128xf32, #tpu.memory_space<vmem>>) dst(%dma_wait3A_109 : memref<10240x128xf32, #tpu.memory_space<vmem_shared>>)
      %mul3A_110 = arith.constant 8 : i32
      %mul3A_111 = arith.muli %scan3A_11, %mul3A_110 : i32
      %add3A_112 = arith.constant 2 : i32
      %add3A_113 = arith.addi %mul3A_111, %add3A_112 : i32
      %dma_wait3A_114 = arith.constant 0 : i32
      %dma_wait3A_115 = tpu.memref_slice %arg6[%add3A_113, %dma_wait3A_114] : memref<80x128xi32, #tpu.memory_space<vmem>> -> memref<1x128xi32, #tpu.memory_space<vmem>>
      %dma_wait3A_116 = tpu.memref_squeeze %dma_wait3A_115 : memref<1x128xi32, #tpu.memory_space<vmem>> -> memref<128xi32, #tpu.memory_space<vmem>>
      %dma_wait3A_117 = arith.constant 0 : i32
      %dma_wait3A_118 = arith.constant 0 : i32
      %dma_wait3A_119 = tpu.memref_slice %arg8[%dma_wait3A_117, %dma_wait3A_118] : memref<10240x128xf32, #tpu.memory_space<vmem_shared>> -> memref<10240x128xf32, #tpu.memory_space<vmem_shared>>
      tpu.wait_indirect_dma semaphore(%arg9 : memref<!tpu.dma_semaphore, #tpu.memory_space<semaphore_mem>>) src(%arg7 : memref<128x128xf32, #tpu.memory_space<vmem>>) dst(%dma_wait3A_119 : memref<10240x128xf32, #tpu.memory_space<vmem_shared>>)
      %mul3A_120 = arith.constant 8 : i32
      %mul3A_121 = arith.muli %scan3A_11, %mul3A_120 : i32
      %add3A_122 = arith.constant 3 : i32
      %add3A_123 = arith.addi %mul3A_121, %add3A_122 : i32
      %dma_wait3A_124 = arith.constant 0 : i32
      %dma_wait3A_125 = tpu.memref_slice %arg6[%add3A_123, %dma_wait3A_124] : memref<80x128xi32, #tpu.memory_space<vmem>> -> memref<1x128xi32, #tpu.memory_space<vmem>>
      %dma_wait3A_126 = tpu.memref_squeeze %dma_wait3A_125 : memref<1x128xi32, #tpu.memory_space<vmem>> -> memref<128xi32, #tpu.memory_space<vmem>>
      %dma_wait3A_127 = arith.constant 0 : i32
      %dma_wait3A_128 = arith.constant 0 : i32
      %dma_wait3A_129 = tpu.memref_slice %arg8[%dma_wait3A_127, %dma_wait3A_128] : memref<10240x128xf32, #tpu.memory_space<vmem_shared>> -> memref<10240x128xf32, #tpu.memory_space<vmem_shared>>
      tpu.wait_indirect_dma semaphore(%arg9 : memref<!tpu.dma_semaphore, #tpu.memory_space<semaphore_mem>>) src(%arg7 : memref<128x128xf32, #tpu.memory_space<vmem>>) dst(%dma_wait3A_129 : memref<10240x128xf32, #tpu.memory_space<vmem_shared>>)
      %mul3A_130 = arith.constant 8 : i32
      %mul3A_131 = arith.muli %scan3A_11, %mul3A_130 : i32
      %add3A_132 = arith.constant 4 : i32
      %add3A_133 = arith.addi %mul3A_131, %add3A_132 : i32
      %dma_wait3A_134 = arith.constant 0 : i32
      %dma_wait3A_135 = tpu.memref_slice %arg6[%add3A_133, %dma_wait3A_134] : memref<80x128xi32, #tpu.memory_space<vmem>> -> memref<1x128xi32, #tpu.memory_space<vmem>>
      %dma_wait3A_136 = tpu.memref_squeeze %dma_wait3A_135 : memref<1x128xi32, #tpu.memory_space<vmem>> -> memref<128xi32, #tpu.memory_space<vmem>>
      %dma_wait3A_137 = arith.constant 0 : i32
      %dma_wait3A_138 = arith.constant 0 : i32
      %dma_wait3A_139 = tpu.memref_slice %arg8[%dma_wait3A_137, %dma_wait3A_138] : memref<10240x128xf32, #tpu.memory_space<vmem_shared>> -> memref<10240x128xf32, #tpu.memory_space<vmem_shared>>
      tpu.wait_indirect_dma semaphore(%arg9 : memref<!tpu.dma_semaphore, #tpu.memory_space<semaphore_mem>>) src(%arg7 : memref<128x128xf32, #tpu.memory_space<vmem>>) dst(%dma_wait3A_139 : memref<10240x128xf32, #tpu.memory_space<vmem_shared>>)
      %mul3A_140 = arith.constant 8 : i32
      %mul3A_141 = arith.muli %scan3A_11, %mul3A_140 : i32
      %add3A_142 = arith.constant 5 : i32
      %add3A_143 = arith.addi %mul3A_141, %add3A_142 : i32
      %dma_wait3A_144 = arith.constant 0 : i32
      %dma_wait3A_145 = tpu.memref_slice %arg6[%add3A_143, %dma_wait3A_144] : memref<80x128xi32, #tpu.memory_space<vmem>> -> memref<1x128xi32, #tpu.memory_space<vmem>>
      %dma_wait3A_146 = tpu.memref_squeeze %dma_wait3A_145 : memref<1x128xi32, #tpu.memory_space<vmem>> -> memref<128xi32, #tpu.memory_space<vmem>>
      %dma_wait3A_147 = arith.constant 0 : i32
      %dma_wait3A_148 = arith.constant 0 : i32
      %dma_wait3A_149 = tpu.memref_slice %arg8[%dma_wait3A_147, %dma_wait3A_148] : memref<10240x128xf32, #tpu.memory_space<vmem_shared>> -> memref<10240x128xf32, #tpu.memory_space<vmem_shared>>
      tpu.wait_indirect_dma semaphore(%arg9 : memref<!tpu.dma_semaphore, #tpu.memory_space<semaphore_mem>>) src(%arg7 : memref<128x128xf32, #tpu.memory_space<vmem>>) dst(%dma_wait3A_149 : memref<10240x128xf32, #tpu.memory_space<vmem_shared>>)
      %mul3A_150 = arith.constant 8 : i32
      %mul3A_151 = arith.muli %scan3A_11, %mul3A_150 : i32
      %add3A_152 = arith.constant 6 : i32
      %add3A_153 = arith.addi %mul3A_151, %add3A_152 : i32
      %dma_wait3A_154 = arith.constant 0 : i32
      %dma_wait3A_155 = tpu.memref_slice %arg6[%add3A_153, %dma_wait3A_154] : memref<80x128xi32, #tpu.memory_space<vmem>> -> memref<1x128xi32, #tpu.memory_space<vmem>>
      %dma_wait3A_156 = tpu.memref_squeeze %dma_wait3A_155 : memref<1x128xi32, #tpu.memory_space<vmem>> -> memref<128xi32, #tpu.memory_space<vmem>>
      %dma_wait3A_157 = arith.constant 0 : i32
      %dma_wait3A_158 = arith.constant 0 : i32
      %dma_wait3A_159 = tpu.memref_slice %arg8[%dma_wait3A_157, %dma_wait3A_158] : memref<10240x128xf32, #tpu.memory_space<vmem_shared>> -> memref<10240x128xf32, #tpu.memory_space<vmem_shared>>
      tpu.wait_indirect_dma semaphore(%arg9 : memref<!tpu.dma_semaphore, #tpu.memory_space<semaphore_mem>>) src(%arg7 : memref<128x128xf32, #tpu.memory_space<vmem>>) dst(%dma_wait3A_159 : memref<10240x128xf32, #tpu.memory_space<vmem_shared>>)
      %mul3A_160 = arith.constant 8 : i32
      %mul3A_161 = arith.muli %scan3A_11, %mul3A_160 : i32
      %add3A_162 = arith.constant 7 : i32
      %add3A_163 = arith.addi %mul3A_161, %add3A_162 : i32
      %dma_wait3A_164 = arith.constant 0 : i32
      %dma_wait3A_165 = tpu.memref_slice %arg6[%add3A_163, %dma_wait3A_164] : memref<80x128xi32, #tpu.memory_space<vmem>> -> memref<1x128xi32, #tpu.memory_space<vmem>>
      %dma_wait3A_166 = tpu.memref_squeeze %dma_wait3A_165 : memref<1x128xi32, #tpu.memory_space<vmem>> -> memref<128xi32, #tpu.memory_space<vmem>>
      %dma_wait3A_167 = arith.constant 0 : i32
      %dma_wait3A_168 = arith.constant 0 : i32
      %dma_wait3A_169 = tpu.memref_slice %arg8[%dma_wait3A_167, %dma_wait3A_168] : memref<10240x128xf32, #tpu.memory_space<vmem_shared>> -> memref<10240x128xf32, #tpu.memory_space<vmem_shared>>
      tpu.wait_indirect_dma semaphore(%arg9 : memref<!tpu.dma_semaphore, #tpu.memory_space<semaphore_mem>>) src(%arg7 : memref<128x128xf32, #tpu.memory_space<vmem>>) dst(%dma_wait3A_169 : memref<10240x128xf32, #tpu.memory_space<vmem_shared>>)
    }
    %scan3A_9 = arith.constant 10 : i32
    %barrier3A_10 = arith.constant 0 : index
    tpu.barrier barrier_id(%barrier3A_10)
    "tpu.region"() ({
      %run_scoped3A = tpu.sem_alloc : memref<!tpu.dma_semaphore, #tpu.memory_space<semaphore_mem>>
      %dma_start3A = arith.constant 0 : i32
      %dma_start3A_11 = tpu.memref_slice %arg5[%arg0, %mul3A_2, %dma_start3A] : memref<2x10240x128xf32, #tpu.memory_space<hbm>> -> memref<1x640x128xf32, #tpu.memory_space<hbm>>
      %dma_start3A_12 = tpu.memref_squeeze %dma_start3A_11 : memref<1x640x128xf32, #tpu.memory_space<hbm>> -> memref<640x128xf32, #tpu.memory_space<hbm>>
      %dma_start3A_13 = arith.constant 0 : i32
      %dma_start3A_14 = tpu.memref_slice %arg8[%mul3A_2, %dma_start3A_13] : memref<10240x128xf32, #tpu.memory_space<vmem_shared>> -> memref<640x128xf32, #tpu.memory_space<vmem_shared>>
      tpu.enqueue_dma source(%dma_start3A_14 : memref<640x128xf32, #tpu.memory_space<vmem_shared>>) target(%dma_start3A_12 : memref<640x128xf32, #tpu.memory_space<hbm>>) target_semaphore(%run_scoped3A : memref<!tpu.dma_semaphore, #tpu.memory_space<semaphore_mem>>)
      %dma_wait3A = arith.constant 0 : i32
      %dma_wait3A_15 = tpu.memref_slice %arg5[%arg0, %mul3A_2, %dma_wait3A] : memref<2x10240x128xf32, #tpu.memory_space<hbm>> -> memref<1x640x128xf32, #tpu.memory_space<hbm>>
      %dma_wait3A_16 = tpu.memref_squeeze %dma_wait3A_15 : memref<1x640x128xf32, #tpu.memory_space<hbm>> -> memref<640x128xf32, #tpu.memory_space<hbm>>
      %dma_wait3A_17 = arith.constant 0 : i32
      %dma_wait3A_18 = tpu.memref_slice %arg8[%mul3A_2, %dma_wait3A_17] : memref<10240x128xf32, #tpu.memory_space<vmem_shared>> -> memref<640x128xf32, #tpu.memory_space<vmem_shared>>
      tpu.wait_dma2 semaphore(%run_scoped3A : memref<!tpu.dma_semaphore, #tpu.memory_space<semaphore_mem>>) src(%dma_wait3A_18 : memref<640x128xf32, #tpu.memory_space<vmem_shared>>) dst(%dma_wait3A_16 : memref<640x128xf32, #tpu.memory_space<hbm>>)
      tpu.yield
    }) : () -> ()
    return
  }
}

#map = affine_map<(d0, d1) -> (0, 0)>
#map1 = affine_map<(d0, d1) -> (0, 0, 0)>
module attributes {stable_mosaic.version = 14 : i64} {
  func.func @sc_agg(%arg0: i32, %arg1: i32, %arg2: memref<10240x128xf32, #tpu.memory_space<hbm>>, %arg3: memref<2560x128xi32, #tpu.memory_space<hbm>>, %arg4: memref<2560x128xi32, #tpu.memory_space<hbm>>, %arg5: memref<640x128xf32, #tpu.memory_space<hbm>>, %arg6: memref<2x10240x128xf32, #tpu.memory_space<hbm>>, %arg7: memref<40x128xi32, #tpu.memory_space<vmem>>, %arg8: memref<40x128xi32, #tpu.memory_space<vmem>>, %arg9: memref<128x128xf32, #tpu.memory_space<vmem>>, %arg10: memref<128x128xf32, #tpu.memory_space<vmem>>, %arg11: memref<10240x128xf32, #tpu.memory_space<vmem_shared>>, %arg12: memref<!tpu.dma_semaphore, #tpu.memory_space<semaphore_mem>>, %arg13: memref<!tpu.dma_semaphore, #tpu.memory_space<semaphore_mem>>) attributes {dimension_semantics = [#tpu.dimension_semantics<core_parallel>, #tpu.dimension_semantics<subcore_parallel>], iteration_bounds = array<i64: 2, 16>, scalar_prefetch = 0 : i64, scratch_operands = 7 : i64, tpu.core_type = #tpu.core_type<sc_vector_subcore>, window_params = [{transform_indices = #map}, {transform_indices = #map}, {transform_indices = #map}, {transform_indices = #map}, {transform_indices = #map1}]} {
    %mul3A = arith.constant 640 : i32
    %mul3A_0 = arith.muli %arg1, %mul3A : i32
    %eq3A = arith.constant 0 : i32
    %eq3A_1 = arith.cmpi eq, %arg0, %eq3A : i32
    %jit3A = arith.constant 80 : i32
    %jit3A_2 = arith.constant 80 : i32
    %select_n3A = arith.select %eq3A_1, %jit3A, %jit3A_2 : i32
    %eq3A_3 = arith.constant 0 : i32
    %eq3A_4 = arith.cmpi eq, %arg0, %eq3A_3 : i32
    %mul3A_5 = arith.constant 80 : i32
    %mul3A_6 = arith.muli %arg1, %mul3A_5 : i32
    %mul3A_7 = arith.constant 80 : i32
    %mul3A_8 = arith.muli %arg1, %mul3A_7 : i32
    %add3A = arith.constant 1280 : i32
    %add3A_9 = arith.addi %add3A, %mul3A_8 : i32
    %select_n3A_10 = arith.select %eq3A_4, %mul3A_6, %add3A_9 : i32
    "tpu.region"() ({
      %run_scoped3A = tpu.sem_alloc : memref<!tpu.dma_semaphore, #tpu.memory_space<semaphore_mem>>
      %dma_start3A = arith.constant 0 : i32
      %dma_start3A_39 = tpu.memref_slice %arg11[%mul3A_0, %dma_start3A] : memref<10240x128xf32, #tpu.memory_space<vmem_shared>> -> memref<640x128xf32, #tpu.memory_space<vmem_shared>>
      tpu.enqueue_dma source(%arg5 : memref<640x128xf32, #tpu.memory_space<hbm>>) target(%dma_start3A_39 : memref<640x128xf32, #tpu.memory_space<vmem_shared>>) target_semaphore(%run_scoped3A : memref<!tpu.dma_semaphore, #tpu.memory_space<semaphore_mem>>)
      %dma_wait3A = arith.constant 0 : i32
      %dma_wait3A_40 = tpu.memref_slice %arg11[%mul3A_0, %dma_wait3A] : memref<10240x128xf32, #tpu.memory_space<vmem_shared>> -> memref<640x128xf32, #tpu.memory_space<vmem_shared>>
      tpu.wait_dma2 semaphore(%run_scoped3A : memref<!tpu.dma_semaphore, #tpu.memory_space<semaphore_mem>>) src(%arg5 : memref<640x128xf32, #tpu.memory_space<hbm>>) dst(%dma_wait3A_40 : memref<640x128xf32, #tpu.memory_space<vmem_shared>>)
      tpu.yield
    }) : () -> ()
    %barrier3A = arith.constant 0 : index
    tpu.barrier barrier_id(%barrier3A)
    %jit3A_11 = arith.constant 40 : i32
    %div3A = arith.divsi %select_n3A, %jit3A_11 : i32
    %sign3A = arith.constant 0 : i32
    %sign3A_12 = arith.cmpi sgt, %select_n3A, %sign3A : i32
    %sign3A_13 = arith.extui %sign3A_12 : i1 to i32
    %sign3A_14 = arith.constant 0 : i32
    %sign3A_15 = arith.cmpi slt, %select_n3A, %sign3A_14 : i32
    %sign3A_16 = arith.extui %sign3A_15 : i1 to i32
    %sign3A_17 = arith.subi %sign3A_13, %sign3A_16 : i32
    %sign3A_18 = arith.constant 0 : i32
    %sign3A_19 = arith.cmpi sgt, %jit3A_11, %sign3A_18 : i32
    %sign3A_20 = arith.extui %sign3A_19 : i1 to i32
    %sign3A_21 = arith.constant 0 : i32
    %sign3A_22 = arith.cmpi slt, %jit3A_11, %sign3A_21 : i32
    %sign3A_23 = arith.extui %sign3A_22 : i1 to i32
    %sign3A_24 = arith.subi %sign3A_20, %sign3A_23 : i32
    %ne3A = arith.cmpi ne, %sign3A_17, %sign3A_24 : i32
    %rem3A = arith.remsi %select_n3A, %jit3A_11 : i32
    %ne3A_25 = arith.constant 0 : i32
    %ne3A_26 = arith.cmpi ne, %rem3A, %ne3A_25 : i32
    %and3A = arith.andi %ne3A, %ne3A_26 : i1
    %sub3A = arith.constant 1 : i32
    %sub3A_27 = arith.subi %div3A, %sub3A : i32
    %select_n3A_28 = arith.select %and3A, %sub3A_27, %div3A : i32
    %while3A = arith.constant 0 : i32
    %while3A_29 = arith.constant 0 : i32
    %while3A_30 = arith.subi %select_n3A_28, %while3A_29 : i32
    %while3A_31 = arith.addi %while3A_29, %while3A_30 : i32
    %while3A_32 = arith.constant 1 : i32
    %while3A_33 = arith.divsi %while3A_30, %while3A_32 : i32
    %while3A_34 = arith.muli %while3A_33, %while3A_32 : i32
    %while3A_35 = arith.addi %while3A_29, %while3A_34 : i32
    %while3A_36 = arith.constant 1 : i32
    scf.for %while3A_39 = %while3A_29 to %while3A_35 step %while3A_36  : i32 {
      %mul3A_40 = arith.constant 40 : i32
      %mul3A_41 = arith.muli %while3A_39, %mul3A_40 : i32
      %add3A_42 = arith.addi %select_n3A_10, %mul3A_41 : i32
      "tpu.region"() ({
        %run_scoped3A_78 = tpu.sem_alloc : memref<!tpu.dma_semaphore, #tpu.memory_space<semaphore_mem>>
        %dma_start3A_79 = arith.constant 0 : i32
        %dma_start3A_80 = tpu.memref_slice %arg3[%add3A_42, %dma_start3A_79] : memref<2560x128xi32, #tpu.memory_space<hbm>> -> memref<40x128xi32, #tpu.memory_space<hbm>>
        %dma_start3A_81 = arith.constant 0 : i32
        %dma_start3A_82 = tpu.memref_slice %arg3[%add3A_42, %dma_start3A_81] : memref<2560x128xi32, #tpu.memory_space<hbm>> -> memref<40x128xi32, #tpu.memory_space<hbm>>
        tpu.enqueue_dma source(%dma_start3A_82 : memref<40x128xi32, #tpu.memory_space<hbm>>) target(%arg7 : memref<40x128xi32, #tpu.memory_space<vmem>>) target_semaphore(%run_scoped3A_78 : memref<!tpu.dma_semaphore, #tpu.memory_space<semaphore_mem>>)
        %dma_wait3A_83 = arith.constant 0 : i32
        %dma_wait3A_84 = tpu.memref_slice %arg3[%add3A_42, %dma_wait3A_83] : memref<2560x128xi32, #tpu.memory_space<hbm>> -> memref<40x128xi32, #tpu.memory_space<hbm>>
        %dma_wait3A_85 = arith.constant 0 : i32
        %dma_wait3A_86 = tpu.memref_slice %arg3[%add3A_42, %dma_wait3A_85] : memref<2560x128xi32, #tpu.memory_space<hbm>> -> memref<40x128xi32, #tpu.memory_space<hbm>>
        tpu.wait_dma2 semaphore(%run_scoped3A_78 : memref<!tpu.dma_semaphore, #tpu.memory_space<semaphore_mem>>) src(%dma_wait3A_86 : memref<40x128xi32, #tpu.memory_space<hbm>>) dst(%arg7 : memref<40x128xi32, #tpu.memory_space<vmem>>)
        tpu.yield
      }) : () -> ()
      %mul3A_43 = arith.constant 40 : i32
      %mul3A_44 = arith.muli %while3A_39, %mul3A_43 : i32
      %add3A_45 = arith.addi %select_n3A_10, %mul3A_44 : i32
      "tpu.region"() ({
        %run_scoped3A_78 = tpu.sem_alloc : memref<!tpu.dma_semaphore, #tpu.memory_space<semaphore_mem>>
        %dma_start3A_79 = arith.constant 0 : i32
        %dma_start3A_80 = tpu.memref_slice %arg4[%add3A_45, %dma_start3A_79] : memref<2560x128xi32, #tpu.memory_space<hbm>> -> memref<40x128xi32, #tpu.memory_space<hbm>>
        %dma_start3A_81 = arith.constant 0 : i32
        %dma_start3A_82 = tpu.memref_slice %arg4[%add3A_45, %dma_start3A_81] : memref<2560x128xi32, #tpu.memory_space<hbm>> -> memref<40x128xi32, #tpu.memory_space<hbm>>
        tpu.enqueue_dma source(%dma_start3A_82 : memref<40x128xi32, #tpu.memory_space<hbm>>) target(%arg8 : memref<40x128xi32, #tpu.memory_space<vmem>>) target_semaphore(%run_scoped3A_78 : memref<!tpu.dma_semaphore, #tpu.memory_space<semaphore_mem>>)
        %dma_wait3A_83 = arith.constant 0 : i32
        %dma_wait3A_84 = tpu.memref_slice %arg4[%add3A_45, %dma_wait3A_83] : memref<2560x128xi32, #tpu.memory_space<hbm>> -> memref<40x128xi32, #tpu.memory_space<hbm>>
        %dma_wait3A_85 = arith.constant 0 : i32
        %dma_wait3A_86 = tpu.memref_slice %arg4[%add3A_45, %dma_wait3A_85] : memref<2560x128xi32, #tpu.memory_space<hbm>> -> memref<40x128xi32, #tpu.memory_space<hbm>>
        tpu.wait_dma2 semaphore(%run_scoped3A_78 : memref<!tpu.dma_semaphore, #tpu.memory_space<semaphore_mem>>) src(%dma_wait3A_86 : memref<40x128xi32, #tpu.memory_space<hbm>>) dst(%arg8 : memref<40x128xi32, #tpu.memory_space<vmem>>)
        tpu.yield
      }) : () -> ()
      %dma_start3A = arith.constant 0 : i32
      %dma_start3A_46 = arith.constant 0 : i32
      %dma_start3A_47 = tpu.memref_slice %arg7[%dma_start3A, %dma_start3A_46] : memref<40x128xi32, #tpu.memory_space<vmem>> -> memref<1x128xi32, #tpu.memory_space<vmem>>
      %dma_start3A_48 = tpu.memref_squeeze %dma_start3A_47 : memref<1x128xi32, #tpu.memory_space<vmem>> -> memref<128xi32, #tpu.memory_space<vmem>>
      %dma_start3A_49 = arith.constant 0 : i32
      %dma_start3A_50 = arith.constant 0 : i32
      %dma_start3A_51 = tpu.memref_slice %arg2[%dma_start3A_49, %dma_start3A_50] : memref<10240x128xf32, #tpu.memory_space<hbm>> -> memref<10240x128xf32, #tpu.memory_space<hbm>>
      tpu.enqueue_indirect_dma source(%dma_start3A_51 : memref<10240x128xf32, #tpu.memory_space<hbm>>) target(%arg9 : memref<128x128xf32, #tpu.memory_space<vmem>>) offsets(%dma_start3A_48 : memref<128xi32, #tpu.memory_space<vmem>>) semaphore(%arg12 : memref<!tpu.dma_semaphore, #tpu.memory_space<semaphore_mem>>)
      %dma_start3A_52 = arith.constant 1 : i32
      %dma_start3A_53 = arith.constant 0 : i32
      %dma_start3A_54 = tpu.memref_slice %arg7[%dma_start3A_52, %dma_start3A_53] : memref<40x128xi32, #tpu.memory_space<vmem>> -> memref<1x128xi32, #tpu.memory_space<vmem>>
      %dma_start3A_55 = tpu.memref_squeeze %dma_start3A_54 : memref<1x128xi32, #tpu.memory_space<vmem>> -> memref<128xi32, #tpu.memory_space<vmem>>
      %dma_start3A_56 = arith.constant 0 : i32
      %dma_start3A_57 = arith.constant 0 : i32
      %dma_start3A_58 = tpu.memref_slice %arg2[%dma_start3A_56, %dma_start3A_57] : memref<10240x128xf32, #tpu.memory_space<hbm>> -> memref<10240x128xf32, #tpu.memory_space<hbm>>
      tpu.enqueue_indirect_dma source(%dma_start3A_58 : memref<10240x128xf32, #tpu.memory_space<hbm>>) target(%arg10 : memref<128x128xf32, #tpu.memory_space<vmem>>) offsets(%dma_start3A_55 : memref<128xi32, #tpu.memory_space<vmem>>) semaphore(%arg13 : memref<!tpu.dma_semaphore, #tpu.memory_space<semaphore_mem>>)
      %scan3A = arith.constant 0 : i32
      %scan3A_59 = arith.constant 0 : i32
      %scan3A_60 = arith.constant 19 : i32
      %scan3A_61 = arith.addi %scan3A_59, %scan3A_60 : i32
      %scan3A_62 = arith.constant 1 : i32
      scf.for %scan3A_78 = %scan3A_59 to %scan3A_61 step %scan3A_62  : i32 {
        %mul3A_79 = arith.constant 2 : i32
        %mul3A_80 = arith.muli %scan3A_78, %mul3A_79 : i32
        %add3A_81 = arith.constant 1 : i32
        %add3A_82 = arith.addi %mul3A_80, %add3A_81 : i32
        %dma_wait3A_83 = arith.constant 0 : i32
        %dma_wait3A_84 = tpu.memref_slice %arg7[%mul3A_80, %dma_wait3A_83] : memref<40x128xi32, #tpu.memory_space<vmem>> -> memref<1x128xi32, #tpu.memory_space<vmem>>
        %dma_wait3A_85 = tpu.memref_squeeze %dma_wait3A_84 : memref<1x128xi32, #tpu.memory_space<vmem>> -> memref<128xi32, #tpu.memory_space<vmem>>
        %dma_wait3A_86 = arith.constant 0 : i32
        %dma_wait3A_87 = arith.constant 0 : i32
        %dma_wait3A_88 = tpu.memref_slice %arg2[%dma_wait3A_86, %dma_wait3A_87] : memref<10240x128xf32, #tpu.memory_space<hbm>> -> memref<10240x128xf32, #tpu.memory_space<hbm>>
        tpu.wait_indirect_dma semaphore(%arg12 : memref<!tpu.dma_semaphore, #tpu.memory_space<semaphore_mem>>) src(%dma_wait3A_88 : memref<10240x128xf32, #tpu.memory_space<hbm>>) dst(%arg9 : memref<128x128xf32, #tpu.memory_space<vmem>>)
        "tpu.region"() ({
          %run_scoped3A_111 = tpu.sem_alloc : memref<!tpu.dma_semaphore, #tpu.memory_space<semaphore_mem>>
          %dma_start3A_112 = arith.constant 0 : i32
          %dma_start3A_113 = tpu.memref_slice %arg8[%mul3A_80, %dma_start3A_112] : memref<40x128xi32, #tpu.memory_space<vmem>> -> memref<1x128xi32, #tpu.memory_space<vmem>>
          %dma_start3A_114 = tpu.memref_squeeze %dma_start3A_113 : memref<1x128xi32, #tpu.memory_space<vmem>> -> memref<128xi32, #tpu.memory_space<vmem>>
          %dma_start3A_115 = arith.constant 0 : i32
          %dma_start3A_116 = arith.constant 0 : i32
          %dma_start3A_117 = tpu.memref_slice %arg11[%dma_start3A_115, %dma_start3A_116] : memref<10240x128xf32, #tpu.memory_space<vmem_shared>> -> memref<10240x128xf32, #tpu.memory_space<vmem_shared>>
          tpu.enqueue_indirect_dma source(%arg9 : memref<128x128xf32, #tpu.memory_space<vmem>>) target(%dma_start3A_117 : memref<10240x128xf32, #tpu.memory_space<vmem_shared>>) offsets(%dma_start3A_114 : memref<128xi32, #tpu.memory_space<vmem>>) semaphore(%run_scoped3A_111 : memref<!tpu.dma_semaphore, #tpu.memory_space<semaphore_mem>>) {add = true}
          %dma_wait3A_118 = arith.constant 0 : i32
          %dma_wait3A_119 = tpu.memref_slice %arg8[%mul3A_80, %dma_wait3A_118] : memref<40x128xi32, #tpu.memory_space<vmem>> -> memref<1x128xi32, #tpu.memory_space<vmem>>
          %dma_wait3A_120 = tpu.memref_squeeze %dma_wait3A_119 : memref<1x128xi32, #tpu.memory_space<vmem>> -> memref<128xi32, #tpu.memory_space<vmem>>
          %dma_wait3A_121 = arith.constant 0 : i32
          %dma_wait3A_122 = arith.constant 0 : i32
          %dma_wait3A_123 = tpu.memref_slice %arg11[%dma_wait3A_121, %dma_wait3A_122] : memref<10240x128xf32, #tpu.memory_space<vmem_shared>> -> memref<10240x128xf32, #tpu.memory_space<vmem_shared>>
          tpu.wait_indirect_dma semaphore(%run_scoped3A_111 : memref<!tpu.dma_semaphore, #tpu.memory_space<semaphore_mem>>) src(%arg9 : memref<128x128xf32, #tpu.memory_space<vmem>>) dst(%dma_wait3A_123 : memref<10240x128xf32, #tpu.memory_space<vmem_shared>>)
          tpu.yield
        }) : () -> ()
        %add3A_89 = arith.constant 2 : i32
        %add3A_90 = arith.addi %mul3A_80, %add3A_89 : i32
        %dma_start3A_91 = arith.constant 0 : i32
        %dma_start3A_92 = tpu.memref_slice %arg7[%add3A_90, %dma_start3A_91] : memref<40x128xi32, #tpu.memory_space<vmem>> -> memref<1x128xi32, #tpu.memory_space<vmem>>
        %dma_start3A_93 = tpu.memref_squeeze %dma_start3A_92 : memref<1x128xi32, #tpu.memory_space<vmem>> -> memref<128xi32, #tpu.memory_space<vmem>>
        %dma_start3A_94 = arith.constant 0 : i32
        %dma_start3A_95 = arith.constant 0 : i32
        %dma_start3A_96 = tpu.memref_slice %arg2[%dma_start3A_94, %dma_start3A_95] : memref<10240x128xf32, #tpu.memory_space<hbm>> -> memref<10240x128xf32, #tpu.memory_space<hbm>>
        tpu.enqueue_indirect_dma source(%dma_start3A_96 : memref<10240x128xf32, #tpu.memory_space<hbm>>) target(%arg9 : memref<128x128xf32, #tpu.memory_space<vmem>>) offsets(%dma_start3A_93 : memref<128xi32, #tpu.memory_space<vmem>>) semaphore(%arg12 : memref<!tpu.dma_semaphore, #tpu.memory_space<semaphore_mem>>)
        %dma_wait3A_97 = arith.constant 0 : i32
        %dma_wait3A_98 = tpu.memref_slice %arg7[%add3A_82, %dma_wait3A_97] : memref<40x128xi32, #tpu.memory_space<vmem>> -> memref<1x128xi32, #tpu.memory_space<vmem>>
        %dma_wait3A_99 = tpu.memref_squeeze %dma_wait3A_98 : memref<1x128xi32, #tpu.memory_space<vmem>> -> memref<128xi32, #tpu.memory_space<vmem>>
        %dma_wait3A_100 = arith.constant 0 : i32
        %dma_wait3A_101 = arith.constant 0 : i32
        %dma_wait3A_102 = tpu.memref_slice %arg2[%dma_wait3A_100, %dma_wait3A_101] : memref<10240x128xf32, #tpu.memory_space<hbm>> -> memref<10240x128xf32, #tpu.memory_space<hbm>>
        tpu.wait_indirect_dma semaphore(%arg13 : memref<!tpu.dma_semaphore, #tpu.memory_space<semaphore_mem>>) src(%dma_wait3A_102 : memref<10240x128xf32, #tpu.memory_space<hbm>>) dst(%arg10 : memref<128x128xf32, #tpu.memory_space<vmem>>)
        "tpu.region"() ({
          %run_scoped3A_111 = tpu.sem_alloc : memref<!tpu.dma_semaphore, #tpu.memory_space<semaphore_mem>>
          %dma_start3A_112 = arith.constant 0 : i32
          %dma_start3A_113 = tpu.memref_slice %arg8[%add3A_82, %dma_start3A_112] : memref<40x128xi32, #tpu.memory_space<vmem>> -> memref<1x128xi32, #tpu.memory_space<vmem>>
          %dma_start3A_114 = tpu.memref_squeeze %dma_start3A_113 : memref<1x128xi32, #tpu.memory_space<vmem>> -> memref<128xi32, #tpu.memory_space<vmem>>
          %dma_start3A_115 = arith.constant 0 : i32
          %dma_start3A_116 = arith.constant 0 : i32
          %dma_start3A_117 = tpu.memref_slice %arg11[%dma_start3A_115, %dma_start3A_116] : memref<10240x128xf32, #tpu.memory_space<vmem_shared>> -> memref<10240x128xf32, #tpu.memory_space<vmem_shared>>
          tpu.enqueue_indirect_dma source(%arg10 : memref<128x128xf32, #tpu.memory_space<vmem>>) target(%dma_start3A_117 : memref<10240x128xf32, #tpu.memory_space<vmem_shared>>) offsets(%dma_start3A_114 : memref<128xi32, #tpu.memory_space<vmem>>) semaphore(%run_scoped3A_111 : memref<!tpu.dma_semaphore, #tpu.memory_space<semaphore_mem>>) {add = true}
          %dma_wait3A_118 = arith.constant 0 : i32
          %dma_wait3A_119 = tpu.memref_slice %arg8[%add3A_82, %dma_wait3A_118] : memref<40x128xi32, #tpu.memory_space<vmem>> -> memref<1x128xi32, #tpu.memory_space<vmem>>
          %dma_wait3A_120 = tpu.memref_squeeze %dma_wait3A_119 : memref<1x128xi32, #tpu.memory_space<vmem>> -> memref<128xi32, #tpu.memory_space<vmem>>
          %dma_wait3A_121 = arith.constant 0 : i32
          %dma_wait3A_122 = arith.constant 0 : i32
          %dma_wait3A_123 = tpu.memref_slice %arg11[%dma_wait3A_121, %dma_wait3A_122] : memref<10240x128xf32, #tpu.memory_space<vmem_shared>> -> memref<10240x128xf32, #tpu.memory_space<vmem_shared>>
          tpu.wait_indirect_dma semaphore(%run_scoped3A_111 : memref<!tpu.dma_semaphore, #tpu.memory_space<semaphore_mem>>) src(%arg10 : memref<128x128xf32, #tpu.memory_space<vmem>>) dst(%dma_wait3A_123 : memref<10240x128xf32, #tpu.memory_space<vmem_shared>>)
          tpu.yield
        }) : () -> ()
        %add3A_103 = arith.constant 2 : i32
        %add3A_104 = arith.addi %add3A_82, %add3A_103 : i32
        %dma_start3A_105 = arith.constant 0 : i32
        %dma_start3A_106 = tpu.memref_slice %arg7[%add3A_104, %dma_start3A_105] : memref<40x128xi32, #tpu.memory_space<vmem>> -> memref<1x128xi32, #tpu.memory_space<vmem>>
        %dma_start3A_107 = tpu.memref_squeeze %dma_start3A_106 : memref<1x128xi32, #tpu.memory_space<vmem>> -> memref<128xi32, #tpu.memory_space<vmem>>
        %dma_start3A_108 = arith.constant 0 : i32
        %dma_start3A_109 = arith.constant 0 : i32
        %dma_start3A_110 = tpu.memref_slice %arg2[%dma_start3A_108, %dma_start3A_109] : memref<10240x128xf32, #tpu.memory_space<hbm>> -> memref<10240x128xf32, #tpu.memory_space<hbm>>
        tpu.enqueue_indirect_dma source(%dma_start3A_110 : memref<10240x128xf32, #tpu.memory_space<hbm>>) target(%arg10 : memref<128x128xf32, #tpu.memory_space<vmem>>) offsets(%dma_start3A_107 : memref<128xi32, #tpu.memory_space<vmem>>) semaphore(%arg13 : memref<!tpu.dma_semaphore, #tpu.memory_space<semaphore_mem>>)
      }
      %scan3A_63 = arith.constant 19 : i32
      %dma_wait3A = arith.constant 38 : i32
      %dma_wait3A_64 = arith.constant 0 : i32
      %dma_wait3A_65 = tpu.memref_slice %arg7[%dma_wait3A, %dma_wait3A_64] : memref<40x128xi32, #tpu.memory_space<vmem>> -> memref<1x128xi32, #tpu.memory_space<vmem>>
      %dma_wait3A_66 = tpu.memref_squeeze %dma_wait3A_65 : memref<1x128xi32, #tpu.memory_space<vmem>> -> memref<128xi32, #tpu.memory_space<vmem>>
      %dma_wait3A_67 = arith.constant 0 : i32
      %dma_wait3A_68 = arith.constant 0 : i32
      %dma_wait3A_69 = tpu.memref_slice %arg2[%dma_wait3A_67, %dma_wait3A_68] : memref<10240x128xf32, #tpu.memory_space<hbm>> -> memref<10240x128xf32, #tpu.memory_space<hbm>>
      tpu.wait_indirect_dma semaphore(%arg12 : memref<!tpu.dma_semaphore, #tpu.memory_space<semaphore_mem>>) src(%dma_wait3A_69 : memref<10240x128xf32, #tpu.memory_space<hbm>>) dst(%arg9 : memref<128x128xf32, #tpu.memory_space<vmem>>)
      %run_scoped3A = arith.constant 38 : i32
      "tpu.region"() ({
        %run_scoped3A_78 = tpu.sem_alloc : memref<!tpu.dma_semaphore, #tpu.memory_space<semaphore_mem>>
        %dma_start3A_79 = arith.constant 0 : i32
        %dma_start3A_80 = tpu.memref_slice %arg8[%run_scoped3A, %dma_start3A_79] : memref<40x128xi32, #tpu.memory_space<vmem>> -> memref<1x128xi32, #tpu.memory_space<vmem>>
        %dma_start3A_81 = tpu.memref_squeeze %dma_start3A_80 : memref<1x128xi32, #tpu.memory_space<vmem>> -> memref<128xi32, #tpu.memory_space<vmem>>
        %dma_start3A_82 = arith.constant 0 : i32
        %dma_start3A_83 = arith.constant 0 : i32
        %dma_start3A_84 = tpu.memref_slice %arg11[%dma_start3A_82, %dma_start3A_83] : memref<10240x128xf32, #tpu.memory_space<vmem_shared>> -> memref<10240x128xf32, #tpu.memory_space<vmem_shared>>
        tpu.enqueue_indirect_dma source(%arg9 : memref<128x128xf32, #tpu.memory_space<vmem>>) target(%dma_start3A_84 : memref<10240x128xf32, #tpu.memory_space<vmem_shared>>) offsets(%dma_start3A_81 : memref<128xi32, #tpu.memory_space<vmem>>) semaphore(%run_scoped3A_78 : memref<!tpu.dma_semaphore, #tpu.memory_space<semaphore_mem>>) {add = true}
        %dma_wait3A_85 = arith.constant 0 : i32
        %dma_wait3A_86 = tpu.memref_slice %arg8[%run_scoped3A, %dma_wait3A_85] : memref<40x128xi32, #tpu.memory_space<vmem>> -> memref<1x128xi32, #tpu.memory_space<vmem>>
        %dma_wait3A_87 = tpu.memref_squeeze %dma_wait3A_86 : memref<1x128xi32, #tpu.memory_space<vmem>> -> memref<128xi32, #tpu.memory_space<vmem>>
        %dma_wait3A_88 = arith.constant 0 : i32
        %dma_wait3A_89 = arith.constant 0 : i32
        %dma_wait3A_90 = tpu.memref_slice %arg11[%dma_wait3A_88, %dma_wait3A_89] : memref<10240x128xf32, #tpu.memory_space<vmem_shared>> -> memref<10240x128xf32, #tpu.memory_space<vmem_shared>>
        tpu.wait_indirect_dma semaphore(%run_scoped3A_78 : memref<!tpu.dma_semaphore, #tpu.memory_space<semaphore_mem>>) src(%arg9 : memref<128x128xf32, #tpu.memory_space<vmem>>) dst(%dma_wait3A_90 : memref<10240x128xf32, #tpu.memory_space<vmem_shared>>)
        tpu.yield
      }) : () -> ()
      %dma_wait3A_70 = arith.constant 39 : i32
      %dma_wait3A_71 = arith.constant 0 : i32
      %dma_wait3A_72 = tpu.memref_slice %arg7[%dma_wait3A_70, %dma_wait3A_71] : memref<40x128xi32, #tpu.memory_space<vmem>> -> memref<1x128xi32, #tpu.memory_space<vmem>>
      %dma_wait3A_73 = tpu.memref_squeeze %dma_wait3A_72 : memref<1x128xi32, #tpu.memory_space<vmem>> -> memref<128xi32, #tpu.memory_space<vmem>>
      %dma_wait3A_74 = arith.constant 0 : i32
      %dma_wait3A_75 = arith.constant 0 : i32
      %dma_wait3A_76 = tpu.memref_slice %arg2[%dma_wait3A_74, %dma_wait3A_75] : memref<10240x128xf32, #tpu.memory_space<hbm>> -> memref<10240x128xf32, #tpu.memory_space<hbm>>
      tpu.wait_indirect_dma semaphore(%arg13 : memref<!tpu.dma_semaphore, #tpu.memory_space<semaphore_mem>>) src(%dma_wait3A_76 : memref<10240x128xf32, #tpu.memory_space<hbm>>) dst(%arg10 : memref<128x128xf32, #tpu.memory_space<vmem>>)
      %run_scoped3A_77 = arith.constant 39 : i32
      "tpu.region"() ({
        %run_scoped3A_78 = tpu.sem_alloc : memref<!tpu.dma_semaphore, #tpu.memory_space<semaphore_mem>>
        %dma_start3A_79 = arith.constant 0 : i32
        %dma_start3A_80 = tpu.memref_slice %arg8[%run_scoped3A_77, %dma_start3A_79] : memref<40x128xi32, #tpu.memory_space<vmem>> -> memref<1x128xi32, #tpu.memory_space<vmem>>
        %dma_start3A_81 = tpu.memref_squeeze %dma_start3A_80 : memref<1x128xi32, #tpu.memory_space<vmem>> -> memref<128xi32, #tpu.memory_space<vmem>>
        %dma_start3A_82 = arith.constant 0 : i32
        %dma_start3A_83 = arith.constant 0 : i32
        %dma_start3A_84 = tpu.memref_slice %arg11[%dma_start3A_82, %dma_start3A_83] : memref<10240x128xf32, #tpu.memory_space<vmem_shared>> -> memref<10240x128xf32, #tpu.memory_space<vmem_shared>>
        tpu.enqueue_indirect_dma source(%arg10 : memref<128x128xf32, #tpu.memory_space<vmem>>) target(%dma_start3A_84 : memref<10240x128xf32, #tpu.memory_space<vmem_shared>>) offsets(%dma_start3A_81 : memref<128xi32, #tpu.memory_space<vmem>>) semaphore(%run_scoped3A_78 : memref<!tpu.dma_semaphore, #tpu.memory_space<semaphore_mem>>) {add = true}
        %dma_wait3A_85 = arith.constant 0 : i32
        %dma_wait3A_86 = tpu.memref_slice %arg8[%run_scoped3A_77, %dma_wait3A_85] : memref<40x128xi32, #tpu.memory_space<vmem>> -> memref<1x128xi32, #tpu.memory_space<vmem>>
        %dma_wait3A_87 = tpu.memref_squeeze %dma_wait3A_86 : memref<1x128xi32, #tpu.memory_space<vmem>> -> memref<128xi32, #tpu.memory_space<vmem>>
        %dma_wait3A_88 = arith.constant 0 : i32
        %dma_wait3A_89 = arith.constant 0 : i32
        %dma_wait3A_90 = tpu.memref_slice %arg11[%dma_wait3A_88, %dma_wait3A_89] : memref<10240x128xf32, #tpu.memory_space<vmem_shared>> -> memref<10240x128xf32, #tpu.memory_space<vmem_shared>>
        tpu.wait_indirect_dma semaphore(%run_scoped3A_78 : memref<!tpu.dma_semaphore, #tpu.memory_space<semaphore_mem>>) src(%arg10 : memref<128x128xf32, #tpu.memory_space<vmem>>) dst(%dma_wait3A_90 : memref<10240x128xf32, #tpu.memory_space<vmem_shared>>)
        tpu.yield
      }) : () -> ()
    }
    %while3A_37 = arith.constant 1 : i32
    scf.for %while3A_39 = %while3A_35 to %while3A_31 step %while3A_37  : i32 {
      %mul3A_40 = arith.constant 40 : i32
      %mul3A_41 = arith.muli %while3A_39, %mul3A_40 : i32
      %add3A_42 = arith.addi %select_n3A_10, %mul3A_41 : i32
      "tpu.region"() ({
        %run_scoped3A_78 = tpu.sem_alloc : memref<!tpu.dma_semaphore, #tpu.memory_space<semaphore_mem>>
        %dma_start3A_79 = arith.constant 0 : i32
        %dma_start3A_80 = tpu.memref_slice %arg3[%add3A_42, %dma_start3A_79] : memref<2560x128xi32, #tpu.memory_space<hbm>> -> memref<40x128xi32, #tpu.memory_space<hbm>>
        %dma_start3A_81 = arith.constant 0 : i32
        %dma_start3A_82 = tpu.memref_slice %arg3[%add3A_42, %dma_start3A_81] : memref<2560x128xi32, #tpu.memory_space<hbm>> -> memref<40x128xi32, #tpu.memory_space<hbm>>
        tpu.enqueue_dma source(%dma_start3A_82 : memref<40x128xi32, #tpu.memory_space<hbm>>) target(%arg7 : memref<40x128xi32, #tpu.memory_space<vmem>>) target_semaphore(%run_scoped3A_78 : memref<!tpu.dma_semaphore, #tpu.memory_space<semaphore_mem>>)
        %dma_wait3A_83 = arith.constant 0 : i32
        %dma_wait3A_84 = tpu.memref_slice %arg3[%add3A_42, %dma_wait3A_83] : memref<2560x128xi32, #tpu.memory_space<hbm>> -> memref<40x128xi32, #tpu.memory_space<hbm>>
        %dma_wait3A_85 = arith.constant 0 : i32
        %dma_wait3A_86 = tpu.memref_slice %arg3[%add3A_42, %dma_wait3A_85] : memref<2560x128xi32, #tpu.memory_space<hbm>> -> memref<40x128xi32, #tpu.memory_space<hbm>>
        tpu.wait_dma2 semaphore(%run_scoped3A_78 : memref<!tpu.dma_semaphore, #tpu.memory_space<semaphore_mem>>) src(%dma_wait3A_86 : memref<40x128xi32, #tpu.memory_space<hbm>>) dst(%arg7 : memref<40x128xi32, #tpu.memory_space<vmem>>)
        tpu.yield
      }) : () -> ()
      %mul3A_43 = arith.constant 40 : i32
      %mul3A_44 = arith.muli %while3A_39, %mul3A_43 : i32
      %add3A_45 = arith.addi %select_n3A_10, %mul3A_44 : i32
      "tpu.region"() ({
        %run_scoped3A_78 = tpu.sem_alloc : memref<!tpu.dma_semaphore, #tpu.memory_space<semaphore_mem>>
        %dma_start3A_79 = arith.constant 0 : i32
        %dma_start3A_80 = tpu.memref_slice %arg4[%add3A_45, %dma_start3A_79] : memref<2560x128xi32, #tpu.memory_space<hbm>> -> memref<40x128xi32, #tpu.memory_space<hbm>>
        %dma_start3A_81 = arith.constant 0 : i32
        %dma_start3A_82 = tpu.memref_slice %arg4[%add3A_45, %dma_start3A_81] : memref<2560x128xi32, #tpu.memory_space<hbm>> -> memref<40x128xi32, #tpu.memory_space<hbm>>
        tpu.enqueue_dma source(%dma_start3A_82 : memref<40x128xi32, #tpu.memory_space<hbm>>) target(%arg8 : memref<40x128xi32, #tpu.memory_space<vmem>>) target_semaphore(%run_scoped3A_78 : memref<!tpu.dma_semaphore, #tpu.memory_space<semaphore_mem>>)
        %dma_wait3A_83 = arith.constant 0 : i32
        %dma_wait3A_84 = tpu.memref_slice %arg4[%add3A_45, %dma_wait3A_83] : memref<2560x128xi32, #tpu.memory_space<hbm>> -> memref<40x128xi32, #tpu.memory_space<hbm>>
        %dma_wait3A_85 = arith.constant 0 : i32
        %dma_wait3A_86 = tpu.memref_slice %arg4[%add3A_45, %dma_wait3A_85] : memref<2560x128xi32, #tpu.memory_space<hbm>> -> memref<40x128xi32, #tpu.memory_space<hbm>>
        tpu.wait_dma2 semaphore(%run_scoped3A_78 : memref<!tpu.dma_semaphore, #tpu.memory_space<semaphore_mem>>) src(%dma_wait3A_86 : memref<40x128xi32, #tpu.memory_space<hbm>>) dst(%arg8 : memref<40x128xi32, #tpu.memory_space<vmem>>)
        tpu.yield
      }) : () -> ()
      %dma_start3A = arith.constant 0 : i32
      %dma_start3A_46 = arith.constant 0 : i32
      %dma_start3A_47 = tpu.memref_slice %arg7[%dma_start3A, %dma_start3A_46] : memref<40x128xi32, #tpu.memory_space<vmem>> -> memref<1x128xi32, #tpu.memory_space<vmem>>
      %dma_start3A_48 = tpu.memref_squeeze %dma_start3A_47 : memref<1x128xi32, #tpu.memory_space<vmem>> -> memref<128xi32, #tpu.memory_space<vmem>>
      %dma_start3A_49 = arith.constant 0 : i32
      %dma_start3A_50 = arith.constant 0 : i32
      %dma_start3A_51 = tpu.memref_slice %arg2[%dma_start3A_49, %dma_start3A_50] : memref<10240x128xf32, #tpu.memory_space<hbm>> -> memref<10240x128xf32, #tpu.memory_space<hbm>>
      tpu.enqueue_indirect_dma source(%dma_start3A_51 : memref<10240x128xf32, #tpu.memory_space<hbm>>) target(%arg9 : memref<128x128xf32, #tpu.memory_space<vmem>>) offsets(%dma_start3A_48 : memref<128xi32, #tpu.memory_space<vmem>>) semaphore(%arg12 : memref<!tpu.dma_semaphore, #tpu.memory_space<semaphore_mem>>)
      %dma_start3A_52 = arith.constant 1 : i32
      %dma_start3A_53 = arith.constant 0 : i32
      %dma_start3A_54 = tpu.memref_slice %arg7[%dma_start3A_52, %dma_start3A_53] : memref<40x128xi32, #tpu.memory_space<vmem>> -> memref<1x128xi32, #tpu.memory_space<vmem>>
      %dma_start3A_55 = tpu.memref_squeeze %dma_start3A_54 : memref<1x128xi32, #tpu.memory_space<vmem>> -> memref<128xi32, #tpu.memory_space<vmem>>
      %dma_start3A_56 = arith.constant 0 : i32
      %dma_start3A_57 = arith.constant 0 : i32
      %dma_start3A_58 = tpu.memref_slice %arg2[%dma_start3A_56, %dma_start3A_57] : memref<10240x128xf32, #tpu.memory_space<hbm>> -> memref<10240x128xf32, #tpu.memory_space<hbm>>
      tpu.enqueue_indirect_dma source(%dma_start3A_58 : memref<10240x128xf32, #tpu.memory_space<hbm>>) target(%arg10 : memref<128x128xf32, #tpu.memory_space<vmem>>) offsets(%dma_start3A_55 : memref<128xi32, #tpu.memory_space<vmem>>) semaphore(%arg13 : memref<!tpu.dma_semaphore, #tpu.memory_space<semaphore_mem>>)
      %scan3A = arith.constant 0 : i32
      %scan3A_59 = arith.constant 0 : i32
      %scan3A_60 = arith.constant 19 : i32
      %scan3A_61 = arith.addi %scan3A_59, %scan3A_60 : i32
      %scan3A_62 = arith.constant 1 : i32
      scf.for %scan3A_78 = %scan3A_59 to %scan3A_61 step %scan3A_62  : i32 {
        %mul3A_79 = arith.constant 2 : i32
        %mul3A_80 = arith.muli %scan3A_78, %mul3A_79 : i32
        %add3A_81 = arith.constant 1 : i32
        %add3A_82 = arith.addi %mul3A_80, %add3A_81 : i32
        %dma_wait3A_83 = arith.constant 0 : i32
        %dma_wait3A_84 = tpu.memref_slice %arg7[%mul3A_80, %dma_wait3A_83] : memref<40x128xi32, #tpu.memory_space<vmem>> -> memref<1x128xi32, #tpu.memory_space<vmem>>
        %dma_wait3A_85 = tpu.memref_squeeze %dma_wait3A_84 : memref<1x128xi32, #tpu.memory_space<vmem>> -> memref<128xi32, #tpu.memory_space<vmem>>
        %dma_wait3A_86 = arith.constant 0 : i32
        %dma_wait3A_87 = arith.constant 0 : i32
        %dma_wait3A_88 = tpu.memref_slice %arg2[%dma_wait3A_86, %dma_wait3A_87] : memref<10240x128xf32, #tpu.memory_space<hbm>> -> memref<10240x128xf32, #tpu.memory_space<hbm>>
        tpu.wait_indirect_dma semaphore(%arg12 : memref<!tpu.dma_semaphore, #tpu.memory_space<semaphore_mem>>) src(%dma_wait3A_88 : memref<10240x128xf32, #tpu.memory_space<hbm>>) dst(%arg9 : memref<128x128xf32, #tpu.memory_space<vmem>>)
        "tpu.region"() ({
          %run_scoped3A_111 = tpu.sem_alloc : memref<!tpu.dma_semaphore, #tpu.memory_space<semaphore_mem>>
          %dma_start3A_112 = arith.constant 0 : i32
          %dma_start3A_113 = tpu.memref_slice %arg8[%mul3A_80, %dma_start3A_112] : memref<40x128xi32, #tpu.memory_space<vmem>> -> memref<1x128xi32, #tpu.memory_space<vmem>>
          %dma_start3A_114 = tpu.memref_squeeze %dma_start3A_113 : memref<1x128xi32, #tpu.memory_space<vmem>> -> memref<128xi32, #tpu.memory_space<vmem>>
          %dma_start3A_115 = arith.constant 0 : i32
          %dma_start3A_116 = arith.constant 0 : i32
          %dma_start3A_117 = tpu.memref_slice %arg11[%dma_start3A_115, %dma_start3A_116] : memref<10240x128xf32, #tpu.memory_space<vmem_shared>> -> memref<10240x128xf32, #tpu.memory_space<vmem_shared>>
          tpu.enqueue_indirect_dma source(%arg9 : memref<128x128xf32, #tpu.memory_space<vmem>>) target(%dma_start3A_117 : memref<10240x128xf32, #tpu.memory_space<vmem_shared>>) offsets(%dma_start3A_114 : memref<128xi32, #tpu.memory_space<vmem>>) semaphore(%run_scoped3A_111 : memref<!tpu.dma_semaphore, #tpu.memory_space<semaphore_mem>>) {add = true}
          %dma_wait3A_118 = arith.constant 0 : i32
          %dma_wait3A_119 = tpu.memref_slice %arg8[%mul3A_80, %dma_wait3A_118] : memref<40x128xi32, #tpu.memory_space<vmem>> -> memref<1x128xi32, #tpu.memory_space<vmem>>
          %dma_wait3A_120 = tpu.memref_squeeze %dma_wait3A_119 : memref<1x128xi32, #tpu.memory_space<vmem>> -> memref<128xi32, #tpu.memory_space<vmem>>
          %dma_wait3A_121 = arith.constant 0 : i32
          %dma_wait3A_122 = arith.constant 0 : i32
          %dma_wait3A_123 = tpu.memref_slice %arg11[%dma_wait3A_121, %dma_wait3A_122] : memref<10240x128xf32, #tpu.memory_space<vmem_shared>> -> memref<10240x128xf32, #tpu.memory_space<vmem_shared>>
          tpu.wait_indirect_dma semaphore(%run_scoped3A_111 : memref<!tpu.dma_semaphore, #tpu.memory_space<semaphore_mem>>) src(%arg9 : memref<128x128xf32, #tpu.memory_space<vmem>>) dst(%dma_wait3A_123 : memref<10240x128xf32, #tpu.memory_space<vmem_shared>>)
          tpu.yield
        }) : () -> ()
        %add3A_89 = arith.constant 2 : i32
        %add3A_90 = arith.addi %mul3A_80, %add3A_89 : i32
        %dma_start3A_91 = arith.constant 0 : i32
        %dma_start3A_92 = tpu.memref_slice %arg7[%add3A_90, %dma_start3A_91] : memref<40x128xi32, #tpu.memory_space<vmem>> -> memref<1x128xi32, #tpu.memory_space<vmem>>
        %dma_start3A_93 = tpu.memref_squeeze %dma_start3A_92 : memref<1x128xi32, #tpu.memory_space<vmem>> -> memref<128xi32, #tpu.memory_space<vmem>>
        %dma_start3A_94 = arith.constant 0 : i32
        %dma_start3A_95 = arith.constant 0 : i32
        %dma_start3A_96 = tpu.memref_slice %arg2[%dma_start3A_94, %dma_start3A_95] : memref<10240x128xf32, #tpu.memory_space<hbm>> -> memref<10240x128xf32, #tpu.memory_space<hbm>>
        tpu.enqueue_indirect_dma source(%dma_start3A_96 : memref<10240x128xf32, #tpu.memory_space<hbm>>) target(%arg9 : memref<128x128xf32, #tpu.memory_space<vmem>>) offsets(%dma_start3A_93 : memref<128xi32, #tpu.memory_space<vmem>>) semaphore(%arg12 : memref<!tpu.dma_semaphore, #tpu.memory_space<semaphore_mem>>)
        %dma_wait3A_97 = arith.constant 0 : i32
        %dma_wait3A_98 = tpu.memref_slice %arg7[%add3A_82, %dma_wait3A_97] : memref<40x128xi32, #tpu.memory_space<vmem>> -> memref<1x128xi32, #tpu.memory_space<vmem>>
        %dma_wait3A_99 = tpu.memref_squeeze %dma_wait3A_98 : memref<1x128xi32, #tpu.memory_space<vmem>> -> memref<128xi32, #tpu.memory_space<vmem>>
        %dma_wait3A_100 = arith.constant 0 : i32
        %dma_wait3A_101 = arith.constant 0 : i32
        %dma_wait3A_102 = tpu.memref_slice %arg2[%dma_wait3A_100, %dma_wait3A_101] : memref<10240x128xf32, #tpu.memory_space<hbm>> -> memref<10240x128xf32, #tpu.memory_space<hbm>>
        tpu.wait_indirect_dma semaphore(%arg13 : memref<!tpu.dma_semaphore, #tpu.memory_space<semaphore_mem>>) src(%dma_wait3A_102 : memref<10240x128xf32, #tpu.memory_space<hbm>>) dst(%arg10 : memref<128x128xf32, #tpu.memory_space<vmem>>)
        "tpu.region"() ({
          %run_scoped3A_111 = tpu.sem_alloc : memref<!tpu.dma_semaphore, #tpu.memory_space<semaphore_mem>>
          %dma_start3A_112 = arith.constant 0 : i32
          %dma_start3A_113 = tpu.memref_slice %arg8[%add3A_82, %dma_start3A_112] : memref<40x128xi32, #tpu.memory_space<vmem>> -> memref<1x128xi32, #tpu.memory_space<vmem>>
          %dma_start3A_114 = tpu.memref_squeeze %dma_start3A_113 : memref<1x128xi32, #tpu.memory_space<vmem>> -> memref<128xi32, #tpu.memory_space<vmem>>
          %dma_start3A_115 = arith.constant 0 : i32
          %dma_start3A_116 = arith.constant 0 : i32
          %dma_start3A_117 = tpu.memref_slice %arg11[%dma_start3A_115, %dma_start3A_116] : memref<10240x128xf32, #tpu.memory_space<vmem_shared>> -> memref<10240x128xf32, #tpu.memory_space<vmem_shared>>
          tpu.enqueue_indirect_dma source(%arg10 : memref<128x128xf32, #tpu.memory_space<vmem>>) target(%dma_start3A_117 : memref<10240x128xf32, #tpu.memory_space<vmem_shared>>) offsets(%dma_start3A_114 : memref<128xi32, #tpu.memory_space<vmem>>) semaphore(%run_scoped3A_111 : memref<!tpu.dma_semaphore, #tpu.memory_space<semaphore_mem>>) {add = true}
          %dma_wait3A_118 = arith.constant 0 : i32
          %dma_wait3A_119 = tpu.memref_slice %arg8[%add3A_82, %dma_wait3A_118] : memref<40x128xi32, #tpu.memory_space<vmem>> -> memref<1x128xi32, #tpu.memory_space<vmem>>
          %dma_wait3A_120 = tpu.memref_squeeze %dma_wait3A_119 : memref<1x128xi32, #tpu.memory_space<vmem>> -> memref<128xi32, #tpu.memory_space<vmem>>
          %dma_wait3A_121 = arith.constant 0 : i32
          %dma_wait3A_122 = arith.constant 0 : i32
          %dma_wait3A_123 = tpu.memref_slice %arg11[%dma_wait3A_121, %dma_wait3A_122] : memref<10240x128xf32, #tpu.memory_space<vmem_shared>> -> memref<10240x128xf32, #tpu.memory_space<vmem_shared>>
          tpu.wait_indirect_dma semaphore(%run_scoped3A_111 : memref<!tpu.dma_semaphore, #tpu.memory_space<semaphore_mem>>) src(%arg10 : memref<128x128xf32, #tpu.memory_space<vmem>>) dst(%dma_wait3A_123 : memref<10240x128xf32, #tpu.memory_space<vmem_shared>>)
          tpu.yield
        }) : () -> ()
        %add3A_103 = arith.constant 2 : i32
        %add3A_104 = arith.addi %add3A_82, %add3A_103 : i32
        %dma_start3A_105 = arith.constant 0 : i32
        %dma_start3A_106 = tpu.memref_slice %arg7[%add3A_104, %dma_start3A_105] : memref<40x128xi32, #tpu.memory_space<vmem>> -> memref<1x128xi32, #tpu.memory_space<vmem>>
        %dma_start3A_107 = tpu.memref_squeeze %dma_start3A_106 : memref<1x128xi32, #tpu.memory_space<vmem>> -> memref<128xi32, #tpu.memory_space<vmem>>
        %dma_start3A_108 = arith.constant 0 : i32
        %dma_start3A_109 = arith.constant 0 : i32
        %dma_start3A_110 = tpu.memref_slice %arg2[%dma_start3A_108, %dma_start3A_109] : memref<10240x128xf32, #tpu.memory_space<hbm>> -> memref<10240x128xf32, #tpu.memory_space<hbm>>
        tpu.enqueue_indirect_dma source(%dma_start3A_110 : memref<10240x128xf32, #tpu.memory_space<hbm>>) target(%arg10 : memref<128x128xf32, #tpu.memory_space<vmem>>) offsets(%dma_start3A_107 : memref<128xi32, #tpu.memory_space<vmem>>) semaphore(%arg13 : memref<!tpu.dma_semaphore, #tpu.memory_space<semaphore_mem>>)
      }
      %scan3A_63 = arith.constant 19 : i32
      %dma_wait3A = arith.constant 38 : i32
      %dma_wait3A_64 = arith.constant 0 : i32
      %dma_wait3A_65 = tpu.memref_slice %arg7[%dma_wait3A, %dma_wait3A_64] : memref<40x128xi32, #tpu.memory_space<vmem>> -> memref<1x128xi32, #tpu.memory_space<vmem>>
      %dma_wait3A_66 = tpu.memref_squeeze %dma_wait3A_65 : memref<1x128xi32, #tpu.memory_space<vmem>> -> memref<128xi32, #tpu.memory_space<vmem>>
      %dma_wait3A_67 = arith.constant 0 : i32
      %dma_wait3A_68 = arith.constant 0 : i32
      %dma_wait3A_69 = tpu.memref_slice %arg2[%dma_wait3A_67, %dma_wait3A_68] : memref<10240x128xf32, #tpu.memory_space<hbm>> -> memref<10240x128xf32, #tpu.memory_space<hbm>>
      tpu.wait_indirect_dma semaphore(%arg12 : memref<!tpu.dma_semaphore, #tpu.memory_space<semaphore_mem>>) src(%dma_wait3A_69 : memref<10240x128xf32, #tpu.memory_space<hbm>>) dst(%arg9 : memref<128x128xf32, #tpu.memory_space<vmem>>)
      %run_scoped3A = arith.constant 38 : i32
      "tpu.region"() ({
        %run_scoped3A_78 = tpu.sem_alloc : memref<!tpu.dma_semaphore, #tpu.memory_space<semaphore_mem>>
        %dma_start3A_79 = arith.constant 0 : i32
        %dma_start3A_80 = tpu.memref_slice %arg8[%run_scoped3A, %dma_start3A_79] : memref<40x128xi32, #tpu.memory_space<vmem>> -> memref<1x128xi32, #tpu.memory_space<vmem>>
        %dma_start3A_81 = tpu.memref_squeeze %dma_start3A_80 : memref<1x128xi32, #tpu.memory_space<vmem>> -> memref<128xi32, #tpu.memory_space<vmem>>
        %dma_start3A_82 = arith.constant 0 : i32
        %dma_start3A_83 = arith.constant 0 : i32
        %dma_start3A_84 = tpu.memref_slice %arg11[%dma_start3A_82, %dma_start3A_83] : memref<10240x128xf32, #tpu.memory_space<vmem_shared>> -> memref<10240x128xf32, #tpu.memory_space<vmem_shared>>
        tpu.enqueue_indirect_dma source(%arg9 : memref<128x128xf32, #tpu.memory_space<vmem>>) target(%dma_start3A_84 : memref<10240x128xf32, #tpu.memory_space<vmem_shared>>) offsets(%dma_start3A_81 : memref<128xi32, #tpu.memory_space<vmem>>) semaphore(%run_scoped3A_78 : memref<!tpu.dma_semaphore, #tpu.memory_space<semaphore_mem>>) {add = true}
        %dma_wait3A_85 = arith.constant 0 : i32
        %dma_wait3A_86 = tpu.memref_slice %arg8[%run_scoped3A, %dma_wait3A_85] : memref<40x128xi32, #tpu.memory_space<vmem>> -> memref<1x128xi32, #tpu.memory_space<vmem>>
        %dma_wait3A_87 = tpu.memref_squeeze %dma_wait3A_86 : memref<1x128xi32, #tpu.memory_space<vmem>> -> memref<128xi32, #tpu.memory_space<vmem>>
        %dma_wait3A_88 = arith.constant 0 : i32
        %dma_wait3A_89 = arith.constant 0 : i32
        %dma_wait3A_90 = tpu.memref_slice %arg11[%dma_wait3A_88, %dma_wait3A_89] : memref<10240x128xf32, #tpu.memory_space<vmem_shared>> -> memref<10240x128xf32, #tpu.memory_space<vmem_shared>>
        tpu.wait_indirect_dma semaphore(%run_scoped3A_78 : memref<!tpu.dma_semaphore, #tpu.memory_space<semaphore_mem>>) src(%arg9 : memref<128x128xf32, #tpu.memory_space<vmem>>) dst(%dma_wait3A_90 : memref<10240x128xf32, #tpu.memory_space<vmem_shared>>)
        tpu.yield
      }) : () -> ()
      %dma_wait3A_70 = arith.constant 39 : i32
      %dma_wait3A_71 = arith.constant 0 : i32
      %dma_wait3A_72 = tpu.memref_slice %arg7[%dma_wait3A_70, %dma_wait3A_71] : memref<40x128xi32, #tpu.memory_space<vmem>> -> memref<1x128xi32, #tpu.memory_space<vmem>>
      %dma_wait3A_73 = tpu.memref_squeeze %dma_wait3A_72 : memref<1x128xi32, #tpu.memory_space<vmem>> -> memref<128xi32, #tpu.memory_space<vmem>>
      %dma_wait3A_74 = arith.constant 0 : i32
      %dma_wait3A_75 = arith.constant 0 : i32
      %dma_wait3A_76 = tpu.memref_slice %arg2[%dma_wait3A_74, %dma_wait3A_75] : memref<10240x128xf32, #tpu.memory_space<hbm>> -> memref<10240x128xf32, #tpu.memory_space<hbm>>
      tpu.wait_indirect_dma semaphore(%arg13 : memref<!tpu.dma_semaphore, #tpu.memory_space<semaphore_mem>>) src(%dma_wait3A_76 : memref<10240x128xf32, #tpu.memory_space<hbm>>) dst(%arg10 : memref<128x128xf32, #tpu.memory_space<vmem>>)
      %run_scoped3A_77 = arith.constant 39 : i32
      "tpu.region"() ({
        %run_scoped3A_78 = tpu.sem_alloc : memref<!tpu.dma_semaphore, #tpu.memory_space<semaphore_mem>>
        %dma_start3A_79 = arith.constant 0 : i32
        %dma_start3A_80 = tpu.memref_slice %arg8[%run_scoped3A_77, %dma_start3A_79] : memref<40x128xi32, #tpu.memory_space<vmem>> -> memref<1x128xi32, #tpu.memory_space<vmem>>
        %dma_start3A_81 = tpu.memref_squeeze %dma_start3A_80 : memref<1x128xi32, #tpu.memory_space<vmem>> -> memref<128xi32, #tpu.memory_space<vmem>>
        %dma_start3A_82 = arith.constant 0 : i32
        %dma_start3A_83 = arith.constant 0 : i32
        %dma_start3A_84 = tpu.memref_slice %arg11[%dma_start3A_82, %dma_start3A_83] : memref<10240x128xf32, #tpu.memory_space<vmem_shared>> -> memref<10240x128xf32, #tpu.memory_space<vmem_shared>>
        tpu.enqueue_indirect_dma source(%arg10 : memref<128x128xf32, #tpu.memory_space<vmem>>) target(%dma_start3A_84 : memref<10240x128xf32, #tpu.memory_space<vmem_shared>>) offsets(%dma_start3A_81 : memref<128xi32, #tpu.memory_space<vmem>>) semaphore(%run_scoped3A_78 : memref<!tpu.dma_semaphore, #tpu.memory_space<semaphore_mem>>) {add = true}
        %dma_wait3A_85 = arith.constant 0 : i32
        %dma_wait3A_86 = tpu.memref_slice %arg8[%run_scoped3A_77, %dma_wait3A_85] : memref<40x128xi32, #tpu.memory_space<vmem>> -> memref<1x128xi32, #tpu.memory_space<vmem>>
        %dma_wait3A_87 = tpu.memref_squeeze %dma_wait3A_86 : memref<1x128xi32, #tpu.memory_space<vmem>> -> memref<128xi32, #tpu.memory_space<vmem>>
        %dma_wait3A_88 = arith.constant 0 : i32
        %dma_wait3A_89 = arith.constant 0 : i32
        %dma_wait3A_90 = tpu.memref_slice %arg11[%dma_wait3A_88, %dma_wait3A_89] : memref<10240x128xf32, #tpu.memory_space<vmem_shared>> -> memref<10240x128xf32, #tpu.memory_space<vmem_shared>>
        tpu.wait_indirect_dma semaphore(%run_scoped3A_78 : memref<!tpu.dma_semaphore, #tpu.memory_space<semaphore_mem>>) src(%arg10 : memref<128x128xf32, #tpu.memory_space<vmem>>) dst(%dma_wait3A_90 : memref<10240x128xf32, #tpu.memory_space<vmem_shared>>)
        tpu.yield
      }) : () -> ()
    }
    %barrier3A_38 = arith.constant 0 : index
    tpu.barrier barrier_id(%barrier3A_38)
    "tpu.region"() ({
      %run_scoped3A = tpu.sem_alloc : memref<!tpu.dma_semaphore, #tpu.memory_space<semaphore_mem>>
      %dma_start3A = arith.constant 0 : i32
      %dma_start3A_39 = tpu.memref_slice %arg6[%arg0, %mul3A_0, %dma_start3A] : memref<2x10240x128xf32, #tpu.memory_space<hbm>> -> memref<1x640x128xf32, #tpu.memory_space<hbm>>
      %dma_start3A_40 = tpu.memref_squeeze %dma_start3A_39 : memref<1x640x128xf32, #tpu.memory_space<hbm>> -> memref<640x128xf32, #tpu.memory_space<hbm>>
      %dma_start3A_41 = arith.constant 0 : i32
      %dma_start3A_42 = tpu.memref_slice %arg11[%mul3A_0, %dma_start3A_41] : memref<10240x128xf32, #tpu.memory_space<vmem_shared>> -> memref<640x128xf32, #tpu.memory_space<vmem_shared>>
      tpu.enqueue_dma source(%dma_start3A_42 : memref<640x128xf32, #tpu.memory_space<vmem_shared>>) target(%dma_start3A_40 : memref<640x128xf32, #tpu.memory_space<hbm>>) target_semaphore(%run_scoped3A : memref<!tpu.dma_semaphore, #tpu.memory_space<semaphore_mem>>)
      %dma_wait3A = arith.constant 0 : i32
      %dma_wait3A_43 = tpu.memref_slice %arg6[%arg0, %mul3A_0, %dma_wait3A] : memref<2x10240x128xf32, #tpu.memory_space<hbm>> -> memref<1x640x128xf32, #tpu.memory_space<hbm>>
      %dma_wait3A_44 = tpu.memref_squeeze %dma_wait3A_43 : memref<1x640x128xf32, #tpu.memory_space<hbm>> -> memref<640x128xf32, #tpu.memory_space<hbm>>
      %dma_wait3A_45 = arith.constant 0 : i32
      %dma_wait3A_46 = tpu.memref_slice %arg11[%mul3A_0, %dma_wait3A_45] : memref<10240x128xf32, #tpu.memory_space<vmem_shared>> -> memref<640x128xf32, #tpu.memory_space<vmem_shared>>
      tpu.wait_dma2 semaphore(%run_scoped3A : memref<!tpu.dma_semaphore, #tpu.memory_space<semaphore_mem>>) src(%dma_wait3A_46 : memref<640x128xf32, #tpu.memory_space<vmem_shared>>) dst(%dma_wait3A_44 : memref<640x128xf32, #tpu.memory_space<hbm>>)
      tpu.yield
    }) : () -> ()
    return
  }
}

#map = affine_map<(d0, d1) -> (0, 0)>
#map1 = affine_map<(d0, d1) -> (0, 0, 0)>
module attributes {stable_mosaic.version = 14 : i64} {
  func.func @sc_agg(%arg0: i32, %arg1: i32, %arg2: memref<10240x128xf32, #tpu.memory_space<hbm>>, %arg3: memref<2560x128xi32, #tpu.memory_space<hbm>>, %arg4: memref<2560x128xi32, #tpu.memory_space<hbm>>, %arg5: memref<640x128xf32, #tpu.memory_space<hbm>>, %arg6: memref<2x10240x128xf32, #tpu.memory_space<hbm>>, %arg7: memref<40x128xi32, #tpu.memory_space<vmem>>, %arg8: memref<40x128xi32, #tpu.memory_space<vmem>>, %arg9: memref<128x128xf32, #tpu.memory_space<vmem>>, %arg10: memref<128x128xf32, #tpu.memory_space<vmem>>, %arg11: memref<10240x128xf32, #tpu.memory_space<vmem_shared>>, %arg12: memref<!tpu.dma_semaphore, #tpu.memory_space<semaphore_mem>>, %arg13: memref<!tpu.dma_semaphore, #tpu.memory_space<semaphore_mem>>) attributes {dimension_semantics = [#tpu.dimension_semantics<core_parallel>, #tpu.dimension_semantics<subcore_parallel>], iteration_bounds = array<i64: 2, 16>, scalar_prefetch = 0 : i64, scratch_operands = 7 : i64, tpu.core_type = #tpu.core_type<sc_vector_subcore>, window_params = [{transform_indices = #map}, {transform_indices = #map}, {transform_indices = #map}, {transform_indices = #map}, {transform_indices = #map1}]} {
    %mul3A = arith.constant 640 : i32
    %mul3A_0 = arith.muli %arg1, %mul3A : i32
    %eq3A = arith.constant 0 : i32
    %eq3A_1 = arith.cmpi eq, %arg0, %eq3A : i32
    %jit3A = arith.constant 80 : i32
    %jit3A_2 = arith.constant 80 : i32
    %select_n3A = arith.select %eq3A_1, %jit3A, %jit3A_2 : i32
    %eq3A_3 = arith.constant 0 : i32
    %eq3A_4 = arith.cmpi eq, %arg0, %eq3A_3 : i32
    %mul3A_5 = arith.constant 80 : i32
    %mul3A_6 = arith.muli %arg1, %mul3A_5 : i32
    %mul3A_7 = arith.constant 80 : i32
    %mul3A_8 = arith.muli %arg1, %mul3A_7 : i32
    %add3A = arith.constant 1280 : i32
    %add3A_9 = arith.addi %add3A, %mul3A_8 : i32
    %select_n3A_10 = arith.select %eq3A_4, %mul3A_6, %add3A_9 : i32
    "tpu.region"() ({
      %run_scoped3A = tpu.sem_alloc : memref<!tpu.dma_semaphore, #tpu.memory_space<semaphore_mem>>
      %dma_start3A = arith.constant 0 : i32
      %dma_start3A_39 = tpu.memref_slice %arg11[%mul3A_0, %dma_start3A] : memref<10240x128xf32, #tpu.memory_space<vmem_shared>> -> memref<640x128xf32, #tpu.memory_space<vmem_shared>>
      tpu.enqueue_dma source(%arg5 : memref<640x128xf32, #tpu.memory_space<hbm>>) target(%dma_start3A_39 : memref<640x128xf32, #tpu.memory_space<vmem_shared>>) target_semaphore(%run_scoped3A : memref<!tpu.dma_semaphore, #tpu.memory_space<semaphore_mem>>)
      %dma_wait3A = arith.constant 0 : i32
      %dma_wait3A_40 = tpu.memref_slice %arg11[%mul3A_0, %dma_wait3A] : memref<10240x128xf32, #tpu.memory_space<vmem_shared>> -> memref<640x128xf32, #tpu.memory_space<vmem_shared>>
      tpu.wait_dma2 semaphore(%run_scoped3A : memref<!tpu.dma_semaphore, #tpu.memory_space<semaphore_mem>>) src(%arg5 : memref<640x128xf32, #tpu.memory_space<hbm>>) dst(%dma_wait3A_40 : memref<640x128xf32, #tpu.memory_space<vmem_shared>>)
      tpu.yield
    }) : () -> ()
    %barrier3A = arith.constant 0 : index
    tpu.barrier barrier_id(%barrier3A)
    %jit3A_11 = arith.constant 40 : i32
    %div3A = arith.divsi %select_n3A, %jit3A_11 : i32
    %sign3A = arith.constant 0 : i32
    %sign3A_12 = arith.cmpi sgt, %select_n3A, %sign3A : i32
    %sign3A_13 = arith.extui %sign3A_12 : i1 to i32
    %sign3A_14 = arith.constant 0 : i32
    %sign3A_15 = arith.cmpi slt, %select_n3A, %sign3A_14 : i32
    %sign3A_16 = arith.extui %sign3A_15 : i1 to i32
    %sign3A_17 = arith.subi %sign3A_13, %sign3A_16 : i32
    %sign3A_18 = arith.constant 0 : i32
    %sign3A_19 = arith.cmpi sgt, %jit3A_11, %sign3A_18 : i32
    %sign3A_20 = arith.extui %sign3A_19 : i1 to i32
    %sign3A_21 = arith.constant 0 : i32
    %sign3A_22 = arith.cmpi slt, %jit3A_11, %sign3A_21 : i32
    %sign3A_23 = arith.extui %sign3A_22 : i1 to i32
    %sign3A_24 = arith.subi %sign3A_20, %sign3A_23 : i32
    %ne3A = arith.cmpi ne, %sign3A_17, %sign3A_24 : i32
    %rem3A = arith.remsi %select_n3A, %jit3A_11 : i32
    %ne3A_25 = arith.constant 0 : i32
    %ne3A_26 = arith.cmpi ne, %rem3A, %ne3A_25 : i32
    %and3A = arith.andi %ne3A, %ne3A_26 : i1
    %sub3A = arith.constant 1 : i32
    %sub3A_27 = arith.subi %div3A, %sub3A : i32
    %select_n3A_28 = arith.select %and3A, %sub3A_27, %div3A : i32
    %while3A = arith.constant 0 : i32
    %while3A_29 = arith.constant 0 : i32
    %while3A_30 = arith.subi %select_n3A_28, %while3A_29 : i32
    %while3A_31 = arith.addi %while3A_29, %while3A_30 : i32
    %while3A_32 = arith.constant 1 : i32
    %while3A_33 = arith.divsi %while3A_30, %while3A_32 : i32
    %while3A_34 = arith.muli %while3A_33, %while3A_32 : i32
    %while3A_35 = arith.addi %while3A_29, %while3A_34 : i32
    %while3A_36 = arith.constant 1 : i32
    scf.for %while3A_39 = %while3A_29 to %while3A_35 step %while3A_36  : i32 {
      %mul3A_40 = arith.constant 40 : i32
      %mul3A_41 = arith.muli %while3A_39, %mul3A_40 : i32
      %add3A_42 = arith.addi %select_n3A_10, %mul3A_41 : i32
      "tpu.region"() ({
        %run_scoped3A_78 = tpu.sem_alloc : memref<!tpu.dma_semaphore, #tpu.memory_space<semaphore_mem>>
        %dma_start3A_79 = arith.constant 0 : i32
        %dma_start3A_80 = tpu.memref_slice %arg3[%add3A_42, %dma_start3A_79] : memref<2560x128xi32, #tpu.memory_space<hbm>> -> memref<40x128xi32, #tpu.memory_space<hbm>>
        %dma_start3A_81 = arith.constant 0 : i32
        %dma_start3A_82 = tpu.memref_slice %arg3[%add3A_42, %dma_start3A_81] : memref<2560x128xi32, #tpu.memory_space<hbm>> -> memref<40x128xi32, #tpu.memory_space<hbm>>
        tpu.enqueue_dma source(%dma_start3A_82 : memref<40x128xi32, #tpu.memory_space<hbm>>) target(%arg7 : memref<40x128xi32, #tpu.memory_space<vmem>>) target_semaphore(%run_scoped3A_78 : memref<!tpu.dma_semaphore, #tpu.memory_space<semaphore_mem>>)
        %dma_wait3A_83 = arith.constant 0 : i32
        %dma_wait3A_84 = tpu.memref_slice %arg3[%add3A_42, %dma_wait3A_83] : memref<2560x128xi32, #tpu.memory_space<hbm>> -> memref<40x128xi32, #tpu.memory_space<hbm>>
        %dma_wait3A_85 = arith.constant 0 : i32
        %dma_wait3A_86 = tpu.memref_slice %arg3[%add3A_42, %dma_wait3A_85] : memref<2560x128xi32, #tpu.memory_space<hbm>> -> memref<40x128xi32, #tpu.memory_space<hbm>>
        tpu.wait_dma2 semaphore(%run_scoped3A_78 : memref<!tpu.dma_semaphore, #tpu.memory_space<semaphore_mem>>) src(%dma_wait3A_86 : memref<40x128xi32, #tpu.memory_space<hbm>>) dst(%arg7 : memref<40x128xi32, #tpu.memory_space<vmem>>)
        tpu.yield
      }) : () -> ()
      %mul3A_43 = arith.constant 40 : i32
      %mul3A_44 = arith.muli %while3A_39, %mul3A_43 : i32
      %add3A_45 = arith.addi %select_n3A_10, %mul3A_44 : i32
      "tpu.region"() ({
        %run_scoped3A_78 = tpu.sem_alloc : memref<!tpu.dma_semaphore, #tpu.memory_space<semaphore_mem>>
        %dma_start3A_79 = arith.constant 0 : i32
        %dma_start3A_80 = tpu.memref_slice %arg4[%add3A_45, %dma_start3A_79] : memref<2560x128xi32, #tpu.memory_space<hbm>> -> memref<40x128xi32, #tpu.memory_space<hbm>>
        %dma_start3A_81 = arith.constant 0 : i32
        %dma_start3A_82 = tpu.memref_slice %arg4[%add3A_45, %dma_start3A_81] : memref<2560x128xi32, #tpu.memory_space<hbm>> -> memref<40x128xi32, #tpu.memory_space<hbm>>
        tpu.enqueue_dma source(%dma_start3A_82 : memref<40x128xi32, #tpu.memory_space<hbm>>) target(%arg8 : memref<40x128xi32, #tpu.memory_space<vmem>>) target_semaphore(%run_scoped3A_78 : memref<!tpu.dma_semaphore, #tpu.memory_space<semaphore_mem>>)
        %dma_wait3A_83 = arith.constant 0 : i32
        %dma_wait3A_84 = tpu.memref_slice %arg4[%add3A_45, %dma_wait3A_83] : memref<2560x128xi32, #tpu.memory_space<hbm>> -> memref<40x128xi32, #tpu.memory_space<hbm>>
        %dma_wait3A_85 = arith.constant 0 : i32
        %dma_wait3A_86 = tpu.memref_slice %arg4[%add3A_45, %dma_wait3A_85] : memref<2560x128xi32, #tpu.memory_space<hbm>> -> memref<40x128xi32, #tpu.memory_space<hbm>>
        tpu.wait_dma2 semaphore(%run_scoped3A_78 : memref<!tpu.dma_semaphore, #tpu.memory_space<semaphore_mem>>) src(%dma_wait3A_86 : memref<40x128xi32, #tpu.memory_space<hbm>>) dst(%arg8 : memref<40x128xi32, #tpu.memory_space<vmem>>)
        tpu.yield
      }) : () -> ()
      %dma_start3A = arith.constant 0 : i32
      %dma_start3A_46 = arith.constant 0 : i32
      %dma_start3A_47 = tpu.memref_slice %arg7[%dma_start3A, %dma_start3A_46] : memref<40x128xi32, #tpu.memory_space<vmem>> -> memref<1x128xi32, #tpu.memory_space<vmem>>
      %dma_start3A_48 = tpu.memref_squeeze %dma_start3A_47 : memref<1x128xi32, #tpu.memory_space<vmem>> -> memref<128xi32, #tpu.memory_space<vmem>>
      %dma_start3A_49 = arith.constant 0 : i32
      %dma_start3A_50 = arith.constant 0 : i32
      %dma_start3A_51 = tpu.memref_slice %arg2[%dma_start3A_49, %dma_start3A_50] : memref<10240x128xf32, #tpu.memory_space<hbm>> -> memref<10240x128xf32, #tpu.memory_space<hbm>>
      tpu.enqueue_indirect_dma source(%dma_start3A_51 : memref<10240x128xf32, #tpu.memory_space<hbm>>) target(%arg9 : memref<128x128xf32, #tpu.memory_space<vmem>>) offsets(%dma_start3A_48 : memref<128xi32, #tpu.memory_space<vmem>>) semaphore(%arg12 : memref<!tpu.dma_semaphore, #tpu.memory_space<semaphore_mem>>)
      %dma_start3A_52 = arith.constant 1 : i32
      %dma_start3A_53 = arith.constant 0 : i32
      %dma_start3A_54 = tpu.memref_slice %arg7[%dma_start3A_52, %dma_start3A_53] : memref<40x128xi32, #tpu.memory_space<vmem>> -> memref<1x128xi32, #tpu.memory_space<vmem>>
      %dma_start3A_55 = tpu.memref_squeeze %dma_start3A_54 : memref<1x128xi32, #tpu.memory_space<vmem>> -> memref<128xi32, #tpu.memory_space<vmem>>
      %dma_start3A_56 = arith.constant 0 : i32
      %dma_start3A_57 = arith.constant 0 : i32
      %dma_start3A_58 = tpu.memref_slice %arg2[%dma_start3A_56, %dma_start3A_57] : memref<10240x128xf32, #tpu.memory_space<hbm>> -> memref<10240x128xf32, #tpu.memory_space<hbm>>
      tpu.enqueue_indirect_dma source(%dma_start3A_58 : memref<10240x128xf32, #tpu.memory_space<hbm>>) target(%arg10 : memref<128x128xf32, #tpu.memory_space<vmem>>) offsets(%dma_start3A_55 : memref<128xi32, #tpu.memory_space<vmem>>) semaphore(%arg13 : memref<!tpu.dma_semaphore, #tpu.memory_space<semaphore_mem>>)
      %scan3A = arith.constant 0 : i32
      %scan3A_59 = arith.constant 0 : i32
      %scan3A_60 = arith.constant 19 : i32
      %scan3A_61 = arith.addi %scan3A_59, %scan3A_60 : i32
      %scan3A_62 = arith.constant 1 : i32
      scf.for %scan3A_78 = %scan3A_59 to %scan3A_61 step %scan3A_62  : i32 {
        %mul3A_79 = arith.constant 2 : i32
        %mul3A_80 = arith.muli %scan3A_78, %mul3A_79 : i32
        %add3A_81 = arith.constant 1 : i32
        %add3A_82 = arith.addi %mul3A_80, %add3A_81 : i32
        %dma_wait3A_83 = arith.constant 0 : i32
        %dma_wait3A_84 = tpu.memref_slice %arg7[%mul3A_80, %dma_wait3A_83] : memref<40x128xi32, #tpu.memory_space<vmem>> -> memref<1x128xi32, #tpu.memory_space<vmem>>
        %dma_wait3A_85 = tpu.memref_squeeze %dma_wait3A_84 : memref<1x128xi32, #tpu.memory_space<vmem>> -> memref<128xi32, #tpu.memory_space<vmem>>
        %dma_wait3A_86 = arith.constant 0 : i32
        %dma_wait3A_87 = arith.constant 0 : i32
        %dma_wait3A_88 = tpu.memref_slice %arg2[%dma_wait3A_86, %dma_wait3A_87] : memref<10240x128xf32, #tpu.memory_space<hbm>> -> memref<10240x128xf32, #tpu.memory_space<hbm>>
        tpu.wait_indirect_dma semaphore(%arg12 : memref<!tpu.dma_semaphore, #tpu.memory_space<semaphore_mem>>) src(%dma_wait3A_88 : memref<10240x128xf32, #tpu.memory_space<hbm>>) dst(%arg9 : memref<128x128xf32, #tpu.memory_space<vmem>>)
        "tpu.region"() ({
          %run_scoped3A_111 = tpu.sem_alloc : memref<!tpu.dma_semaphore, #tpu.memory_space<semaphore_mem>>
          %dma_start3A_112 = arith.constant 0 : i32
          %dma_start3A_113 = tpu.memref_slice %arg8[%mul3A_80, %dma_start3A_112] : memref<40x128xi32, #tpu.memory_space<vmem>> -> memref<1x128xi32, #tpu.memory_space<vmem>>
          %dma_start3A_114 = tpu.memref_squeeze %dma_start3A_113 : memref<1x128xi32, #tpu.memory_space<vmem>> -> memref<128xi32, #tpu.memory_space<vmem>>
          %dma_start3A_115 = arith.constant 0 : i32
          %dma_start3A_116 = arith.constant 0 : i32
          %dma_start3A_117 = tpu.memref_slice %arg11[%dma_start3A_115, %dma_start3A_116] : memref<10240x128xf32, #tpu.memory_space<vmem_shared>> -> memref<10240x128xf32, #tpu.memory_space<vmem_shared>>
          tpu.enqueue_indirect_dma source(%arg9 : memref<128x128xf32, #tpu.memory_space<vmem>>) target(%dma_start3A_117 : memref<10240x128xf32, #tpu.memory_space<vmem_shared>>) offsets(%dma_start3A_114 : memref<128xi32, #tpu.memory_space<vmem>>) semaphore(%run_scoped3A_111 : memref<!tpu.dma_semaphore, #tpu.memory_space<semaphore_mem>>) {add = true}
          %dma_wait3A_118 = arith.constant 0 : i32
          %dma_wait3A_119 = tpu.memref_slice %arg8[%mul3A_80, %dma_wait3A_118] : memref<40x128xi32, #tpu.memory_space<vmem>> -> memref<1x128xi32, #tpu.memory_space<vmem>>
          %dma_wait3A_120 = tpu.memref_squeeze %dma_wait3A_119 : memref<1x128xi32, #tpu.memory_space<vmem>> -> memref<128xi32, #tpu.memory_space<vmem>>
          %dma_wait3A_121 = arith.constant 0 : i32
          %dma_wait3A_122 = arith.constant 0 : i32
          %dma_wait3A_123 = tpu.memref_slice %arg11[%dma_wait3A_121, %dma_wait3A_122] : memref<10240x128xf32, #tpu.memory_space<vmem_shared>> -> memref<10240x128xf32, #tpu.memory_space<vmem_shared>>
          tpu.wait_indirect_dma semaphore(%run_scoped3A_111 : memref<!tpu.dma_semaphore, #tpu.memory_space<semaphore_mem>>) src(%arg9 : memref<128x128xf32, #tpu.memory_space<vmem>>) dst(%dma_wait3A_123 : memref<10240x128xf32, #tpu.memory_space<vmem_shared>>)
          tpu.yield
        }) : () -> ()
        %add3A_89 = arith.constant 2 : i32
        %add3A_90 = arith.addi %mul3A_80, %add3A_89 : i32
        %dma_start3A_91 = arith.constant 0 : i32
        %dma_start3A_92 = tpu.memref_slice %arg7[%add3A_90, %dma_start3A_91] : memref<40x128xi32, #tpu.memory_space<vmem>> -> memref<1x128xi32, #tpu.memory_space<vmem>>
        %dma_start3A_93 = tpu.memref_squeeze %dma_start3A_92 : memref<1x128xi32, #tpu.memory_space<vmem>> -> memref<128xi32, #tpu.memory_space<vmem>>
        %dma_start3A_94 = arith.constant 0 : i32
        %dma_start3A_95 = arith.constant 0 : i32
        %dma_start3A_96 = tpu.memref_slice %arg2[%dma_start3A_94, %dma_start3A_95] : memref<10240x128xf32, #tpu.memory_space<hbm>> -> memref<10240x128xf32, #tpu.memory_space<hbm>>
        tpu.enqueue_indirect_dma source(%dma_start3A_96 : memref<10240x128xf32, #tpu.memory_space<hbm>>) target(%arg9 : memref<128x128xf32, #tpu.memory_space<vmem>>) offsets(%dma_start3A_93 : memref<128xi32, #tpu.memory_space<vmem>>) semaphore(%arg12 : memref<!tpu.dma_semaphore, #tpu.memory_space<semaphore_mem>>)
        %dma_wait3A_97 = arith.constant 0 : i32
        %dma_wait3A_98 = tpu.memref_slice %arg7[%add3A_82, %dma_wait3A_97] : memref<40x128xi32, #tpu.memory_space<vmem>> -> memref<1x128xi32, #tpu.memory_space<vmem>>
        %dma_wait3A_99 = tpu.memref_squeeze %dma_wait3A_98 : memref<1x128xi32, #tpu.memory_space<vmem>> -> memref<128xi32, #tpu.memory_space<vmem>>
        %dma_wait3A_100 = arith.constant 0 : i32
        %dma_wait3A_101 = arith.constant 0 : i32
        %dma_wait3A_102 = tpu.memref_slice %arg2[%dma_wait3A_100, %dma_wait3A_101] : memref<10240x128xf32, #tpu.memory_space<hbm>> -> memref<10240x128xf32, #tpu.memory_space<hbm>>
        tpu.wait_indirect_dma semaphore(%arg13 : memref<!tpu.dma_semaphore, #tpu.memory_space<semaphore_mem>>) src(%dma_wait3A_102 : memref<10240x128xf32, #tpu.memory_space<hbm>>) dst(%arg10 : memref<128x128xf32, #tpu.memory_space<vmem>>)
        "tpu.region"() ({
          %run_scoped3A_111 = tpu.sem_alloc : memref<!tpu.dma_semaphore, #tpu.memory_space<semaphore_mem>>
          %dma_start3A_112 = arith.constant 0 : i32
          %dma_start3A_113 = tpu.memref_slice %arg8[%add3A_82, %dma_start3A_112] : memref<40x128xi32, #tpu.memory_space<vmem>> -> memref<1x128xi32, #tpu.memory_space<vmem>>
          %dma_start3A_114 = tpu.memref_squeeze %dma_start3A_113 : memref<1x128xi32, #tpu.memory_space<vmem>> -> memref<128xi32, #tpu.memory_space<vmem>>
          %dma_start3A_115 = arith.constant 0 : i32
          %dma_start3A_116 = arith.constant 0 : i32
          %dma_start3A_117 = tpu.memref_slice %arg11[%dma_start3A_115, %dma_start3A_116] : memref<10240x128xf32, #tpu.memory_space<vmem_shared>> -> memref<10240x128xf32, #tpu.memory_space<vmem_shared>>
          tpu.enqueue_indirect_dma source(%arg10 : memref<128x128xf32, #tpu.memory_space<vmem>>) target(%dma_start3A_117 : memref<10240x128xf32, #tpu.memory_space<vmem_shared>>) offsets(%dma_start3A_114 : memref<128xi32, #tpu.memory_space<vmem>>) semaphore(%run_scoped3A_111 : memref<!tpu.dma_semaphore, #tpu.memory_space<semaphore_mem>>) {add = true}
          %dma_wait3A_118 = arith.constant 0 : i32
          %dma_wait3A_119 = tpu.memref_slice %arg8[%add3A_82, %dma_wait3A_118] : memref<40x128xi32, #tpu.memory_space<vmem>> -> memref<1x128xi32, #tpu.memory_space<vmem>>
          %dma_wait3A_120 = tpu.memref_squeeze %dma_wait3A_119 : memref<1x128xi32, #tpu.memory_space<vmem>> -> memref<128xi32, #tpu.memory_space<vmem>>
          %dma_wait3A_121 = arith.constant 0 : i32
          %dma_wait3A_122 = arith.constant 0 : i32
          %dma_wait3A_123 = tpu.memref_slice %arg11[%dma_wait3A_121, %dma_wait3A_122] : memref<10240x128xf32, #tpu.memory_space<vmem_shared>> -> memref<10240x128xf32, #tpu.memory_space<vmem_shared>>
          tpu.wait_indirect_dma semaphore(%run_scoped3A_111 : memref<!tpu.dma_semaphore, #tpu.memory_space<semaphore_mem>>) src(%arg10 : memref<128x128xf32, #tpu.memory_space<vmem>>) dst(%dma_wait3A_123 : memref<10240x128xf32, #tpu.memory_space<vmem_shared>>)
          tpu.yield
        }) : () -> ()
        %add3A_103 = arith.constant 2 : i32
        %add3A_104 = arith.addi %add3A_82, %add3A_103 : i32
        %dma_start3A_105 = arith.constant 0 : i32
        %dma_start3A_106 = tpu.memref_slice %arg7[%add3A_104, %dma_start3A_105] : memref<40x128xi32, #tpu.memory_space<vmem>> -> memref<1x128xi32, #tpu.memory_space<vmem>>
        %dma_start3A_107 = tpu.memref_squeeze %dma_start3A_106 : memref<1x128xi32, #tpu.memory_space<vmem>> -> memref<128xi32, #tpu.memory_space<vmem>>
        %dma_start3A_108 = arith.constant 0 : i32
        %dma_start3A_109 = arith.constant 0 : i32
        %dma_start3A_110 = tpu.memref_slice %arg2[%dma_start3A_108, %dma_start3A_109] : memref<10240x128xf32, #tpu.memory_space<hbm>> -> memref<10240x128xf32, #tpu.memory_space<hbm>>
        tpu.enqueue_indirect_dma source(%dma_start3A_110 : memref<10240x128xf32, #tpu.memory_space<hbm>>) target(%arg10 : memref<128x128xf32, #tpu.memory_space<vmem>>) offsets(%dma_start3A_107 : memref<128xi32, #tpu.memory_space<vmem>>) semaphore(%arg13 : memref<!tpu.dma_semaphore, #tpu.memory_space<semaphore_mem>>)
      }
      %scan3A_63 = arith.constant 19 : i32
      %dma_wait3A = arith.constant 38 : i32
      %dma_wait3A_64 = arith.constant 0 : i32
      %dma_wait3A_65 = tpu.memref_slice %arg7[%dma_wait3A, %dma_wait3A_64] : memref<40x128xi32, #tpu.memory_space<vmem>> -> memref<1x128xi32, #tpu.memory_space<vmem>>
      %dma_wait3A_66 = tpu.memref_squeeze %dma_wait3A_65 : memref<1x128xi32, #tpu.memory_space<vmem>> -> memref<128xi32, #tpu.memory_space<vmem>>
      %dma_wait3A_67 = arith.constant 0 : i32
      %dma_wait3A_68 = arith.constant 0 : i32
      %dma_wait3A_69 = tpu.memref_slice %arg2[%dma_wait3A_67, %dma_wait3A_68] : memref<10240x128xf32, #tpu.memory_space<hbm>> -> memref<10240x128xf32, #tpu.memory_space<hbm>>
      tpu.wait_indirect_dma semaphore(%arg12 : memref<!tpu.dma_semaphore, #tpu.memory_space<semaphore_mem>>) src(%dma_wait3A_69 : memref<10240x128xf32, #tpu.memory_space<hbm>>) dst(%arg9 : memref<128x128xf32, #tpu.memory_space<vmem>>)
      %run_scoped3A = arith.constant 38 : i32
      "tpu.region"() ({
        %run_scoped3A_78 = tpu.sem_alloc : memref<!tpu.dma_semaphore, #tpu.memory_space<semaphore_mem>>
        %dma_start3A_79 = arith.constant 0 : i32
        %dma_start3A_80 = tpu.memref_slice %arg8[%run_scoped3A, %dma_start3A_79] : memref<40x128xi32, #tpu.memory_space<vmem>> -> memref<1x128xi32, #tpu.memory_space<vmem>>
        %dma_start3A_81 = tpu.memref_squeeze %dma_start3A_80 : memref<1x128xi32, #tpu.memory_space<vmem>> -> memref<128xi32, #tpu.memory_space<vmem>>
        %dma_start3A_82 = arith.constant 0 : i32
        %dma_start3A_83 = arith.constant 0 : i32
        %dma_start3A_84 = tpu.memref_slice %arg11[%dma_start3A_82, %dma_start3A_83] : memref<10240x128xf32, #tpu.memory_space<vmem_shared>> -> memref<10240x128xf32, #tpu.memory_space<vmem_shared>>
        tpu.enqueue_indirect_dma source(%arg9 : memref<128x128xf32, #tpu.memory_space<vmem>>) target(%dma_start3A_84 : memref<10240x128xf32, #tpu.memory_space<vmem_shared>>) offsets(%dma_start3A_81 : memref<128xi32, #tpu.memory_space<vmem>>) semaphore(%run_scoped3A_78 : memref<!tpu.dma_semaphore, #tpu.memory_space<semaphore_mem>>) {add = true}
        %dma_wait3A_85 = arith.constant 0 : i32
        %dma_wait3A_86 = tpu.memref_slice %arg8[%run_scoped3A, %dma_wait3A_85] : memref<40x128xi32, #tpu.memory_space<vmem>> -> memref<1x128xi32, #tpu.memory_space<vmem>>
        %dma_wait3A_87 = tpu.memref_squeeze %dma_wait3A_86 : memref<1x128xi32, #tpu.memory_space<vmem>> -> memref<128xi32, #tpu.memory_space<vmem>>
        %dma_wait3A_88 = arith.constant 0 : i32
        %dma_wait3A_89 = arith.constant 0 : i32
        %dma_wait3A_90 = tpu.memref_slice %arg11[%dma_wait3A_88, %dma_wait3A_89] : memref<10240x128xf32, #tpu.memory_space<vmem_shared>> -> memref<10240x128xf32, #tpu.memory_space<vmem_shared>>
        tpu.wait_indirect_dma semaphore(%run_scoped3A_78 : memref<!tpu.dma_semaphore, #tpu.memory_space<semaphore_mem>>) src(%arg9 : memref<128x128xf32, #tpu.memory_space<vmem>>) dst(%dma_wait3A_90 : memref<10240x128xf32, #tpu.memory_space<vmem_shared>>)
        tpu.yield
      }) : () -> ()
      %dma_wait3A_70 = arith.constant 39 : i32
      %dma_wait3A_71 = arith.constant 0 : i32
      %dma_wait3A_72 = tpu.memref_slice %arg7[%dma_wait3A_70, %dma_wait3A_71] : memref<40x128xi32, #tpu.memory_space<vmem>> -> memref<1x128xi32, #tpu.memory_space<vmem>>
      %dma_wait3A_73 = tpu.memref_squeeze %dma_wait3A_72 : memref<1x128xi32, #tpu.memory_space<vmem>> -> memref<128xi32, #tpu.memory_space<vmem>>
      %dma_wait3A_74 = arith.constant 0 : i32
      %dma_wait3A_75 = arith.constant 0 : i32
      %dma_wait3A_76 = tpu.memref_slice %arg2[%dma_wait3A_74, %dma_wait3A_75] : memref<10240x128xf32, #tpu.memory_space<hbm>> -> memref<10240x128xf32, #tpu.memory_space<hbm>>
      tpu.wait_indirect_dma semaphore(%arg13 : memref<!tpu.dma_semaphore, #tpu.memory_space<semaphore_mem>>) src(%dma_wait3A_76 : memref<10240x128xf32, #tpu.memory_space<hbm>>) dst(%arg10 : memref<128x128xf32, #tpu.memory_space<vmem>>)
      %run_scoped3A_77 = arith.constant 39 : i32
      "tpu.region"() ({
        %run_scoped3A_78 = tpu.sem_alloc : memref<!tpu.dma_semaphore, #tpu.memory_space<semaphore_mem>>
        %dma_start3A_79 = arith.constant 0 : i32
        %dma_start3A_80 = tpu.memref_slice %arg8[%run_scoped3A_77, %dma_start3A_79] : memref<40x128xi32, #tpu.memory_space<vmem>> -> memref<1x128xi32, #tpu.memory_space<vmem>>
        %dma_start3A_81 = tpu.memref_squeeze %dma_start3A_80 : memref<1x128xi32, #tpu.memory_space<vmem>> -> memref<128xi32, #tpu.memory_space<vmem>>
        %dma_start3A_82 = arith.constant 0 : i32
        %dma_start3A_83 = arith.constant 0 : i32
        %dma_start3A_84 = tpu.memref_slice %arg11[%dma_start3A_82, %dma_start3A_83] : memref<10240x128xf32, #tpu.memory_space<vmem_shared>> -> memref<10240x128xf32, #tpu.memory_space<vmem_shared>>
        tpu.enqueue_indirect_dma source(%arg10 : memref<128x128xf32, #tpu.memory_space<vmem>>) target(%dma_start3A_84 : memref<10240x128xf32, #tpu.memory_space<vmem_shared>>) offsets(%dma_start3A_81 : memref<128xi32, #tpu.memory_space<vmem>>) semaphore(%run_scoped3A_78 : memref<!tpu.dma_semaphore, #tpu.memory_space<semaphore_mem>>) {add = true}
        %dma_wait3A_85 = arith.constant 0 : i32
        %dma_wait3A_86 = tpu.memref_slice %arg8[%run_scoped3A_77, %dma_wait3A_85] : memref<40x128xi32, #tpu.memory_space<vmem>> -> memref<1x128xi32, #tpu.memory_space<vmem>>
        %dma_wait3A_87 = tpu.memref_squeeze %dma_wait3A_86 : memref<1x128xi32, #tpu.memory_space<vmem>> -> memref<128xi32, #tpu.memory_space<vmem>>
        %dma_wait3A_88 = arith.constant 0 : i32
        %dma_wait3A_89 = arith.constant 0 : i32
        %dma_wait3A_90 = tpu.memref_slice %arg11[%dma_wait3A_88, %dma_wait3A_89] : memref<10240x128xf32, #tpu.memory_space<vmem_shared>> -> memref<10240x128xf32, #tpu.memory_space<vmem_shared>>
        tpu.wait_indirect_dma semaphore(%run_scoped3A_78 : memref<!tpu.dma_semaphore, #tpu.memory_space<semaphore_mem>>) src(%arg10 : memref<128x128xf32, #tpu.memory_space<vmem>>) dst(%dma_wait3A_90 : memref<10240x128xf32, #tpu.memory_space<vmem_shared>>)
        tpu.yield
      }) : () -> ()
    }
    %while3A_37 = arith.constant 1 : i32
    scf.for %while3A_39 = %while3A_35 to %while3A_31 step %while3A_37  : i32 {
      %mul3A_40 = arith.constant 40 : i32
      %mul3A_41 = arith.muli %while3A_39, %mul3A_40 : i32
      %add3A_42 = arith.addi %select_n3A_10, %mul3A_41 : i32
      "tpu.region"() ({
        %run_scoped3A_78 = tpu.sem_alloc : memref<!tpu.dma_semaphore, #tpu.memory_space<semaphore_mem>>
        %dma_start3A_79 = arith.constant 0 : i32
        %dma_start3A_80 = tpu.memref_slice %arg3[%add3A_42, %dma_start3A_79] : memref<2560x128xi32, #tpu.memory_space<hbm>> -> memref<40x128xi32, #tpu.memory_space<hbm>>
        %dma_start3A_81 = arith.constant 0 : i32
        %dma_start3A_82 = tpu.memref_slice %arg3[%add3A_42, %dma_start3A_81] : memref<2560x128xi32, #tpu.memory_space<hbm>> -> memref<40x128xi32, #tpu.memory_space<hbm>>
        tpu.enqueue_dma source(%dma_start3A_82 : memref<40x128xi32, #tpu.memory_space<hbm>>) target(%arg7 : memref<40x128xi32, #tpu.memory_space<vmem>>) target_semaphore(%run_scoped3A_78 : memref<!tpu.dma_semaphore, #tpu.memory_space<semaphore_mem>>)
        %dma_wait3A_83 = arith.constant 0 : i32
        %dma_wait3A_84 = tpu.memref_slice %arg3[%add3A_42, %dma_wait3A_83] : memref<2560x128xi32, #tpu.memory_space<hbm>> -> memref<40x128xi32, #tpu.memory_space<hbm>>
        %dma_wait3A_85 = arith.constant 0 : i32
        %dma_wait3A_86 = tpu.memref_slice %arg3[%add3A_42, %dma_wait3A_85] : memref<2560x128xi32, #tpu.memory_space<hbm>> -> memref<40x128xi32, #tpu.memory_space<hbm>>
        tpu.wait_dma2 semaphore(%run_scoped3A_78 : memref<!tpu.dma_semaphore, #tpu.memory_space<semaphore_mem>>) src(%dma_wait3A_86 : memref<40x128xi32, #tpu.memory_space<hbm>>) dst(%arg7 : memref<40x128xi32, #tpu.memory_space<vmem>>)
        tpu.yield
      }) : () -> ()
      %mul3A_43 = arith.constant 40 : i32
      %mul3A_44 = arith.muli %while3A_39, %mul3A_43 : i32
      %add3A_45 = arith.addi %select_n3A_10, %mul3A_44 : i32
      "tpu.region"() ({
        %run_scoped3A_78 = tpu.sem_alloc : memref<!tpu.dma_semaphore, #tpu.memory_space<semaphore_mem>>
        %dma_start3A_79 = arith.constant 0 : i32
        %dma_start3A_80 = tpu.memref_slice %arg4[%add3A_45, %dma_start3A_79] : memref<2560x128xi32, #tpu.memory_space<hbm>> -> memref<40x128xi32, #tpu.memory_space<hbm>>
        %dma_start3A_81 = arith.constant 0 : i32
        %dma_start3A_82 = tpu.memref_slice %arg4[%add3A_45, %dma_start3A_81] : memref<2560x128xi32, #tpu.memory_space<hbm>> -> memref<40x128xi32, #tpu.memory_space<hbm>>
        tpu.enqueue_dma source(%dma_start3A_82 : memref<40x128xi32, #tpu.memory_space<hbm>>) target(%arg8 : memref<40x128xi32, #tpu.memory_space<vmem>>) target_semaphore(%run_scoped3A_78 : memref<!tpu.dma_semaphore, #tpu.memory_space<semaphore_mem>>)
        %dma_wait3A_83 = arith.constant 0 : i32
        %dma_wait3A_84 = tpu.memref_slice %arg4[%add3A_45, %dma_wait3A_83] : memref<2560x128xi32, #tpu.memory_space<hbm>> -> memref<40x128xi32, #tpu.memory_space<hbm>>
        %dma_wait3A_85 = arith.constant 0 : i32
        %dma_wait3A_86 = tpu.memref_slice %arg4[%add3A_45, %dma_wait3A_85] : memref<2560x128xi32, #tpu.memory_space<hbm>> -> memref<40x128xi32, #tpu.memory_space<hbm>>
        tpu.wait_dma2 semaphore(%run_scoped3A_78 : memref<!tpu.dma_semaphore, #tpu.memory_space<semaphore_mem>>) src(%dma_wait3A_86 : memref<40x128xi32, #tpu.memory_space<hbm>>) dst(%arg8 : memref<40x128xi32, #tpu.memory_space<vmem>>)
        tpu.yield
      }) : () -> ()
      %dma_start3A = arith.constant 0 : i32
      %dma_start3A_46 = arith.constant 0 : i32
      %dma_start3A_47 = tpu.memref_slice %arg7[%dma_start3A, %dma_start3A_46] : memref<40x128xi32, #tpu.memory_space<vmem>> -> memref<1x128xi32, #tpu.memory_space<vmem>>
      %dma_start3A_48 = tpu.memref_squeeze %dma_start3A_47 : memref<1x128xi32, #tpu.memory_space<vmem>> -> memref<128xi32, #tpu.memory_space<vmem>>
      %dma_start3A_49 = arith.constant 0 : i32
      %dma_start3A_50 = arith.constant 0 : i32
      %dma_start3A_51 = tpu.memref_slice %arg2[%dma_start3A_49, %dma_start3A_50] : memref<10240x128xf32, #tpu.memory_space<hbm>> -> memref<10240x128xf32, #tpu.memory_space<hbm>>
      tpu.enqueue_indirect_dma source(%dma_start3A_51 : memref<10240x128xf32, #tpu.memory_space<hbm>>) target(%arg9 : memref<128x128xf32, #tpu.memory_space<vmem>>) offsets(%dma_start3A_48 : memref<128xi32, #tpu.memory_space<vmem>>) semaphore(%arg12 : memref<!tpu.dma_semaphore, #tpu.memory_space<semaphore_mem>>)
      %dma_start3A_52 = arith.constant 1 : i32
      %dma_start3A_53 = arith.constant 0 : i32
      %dma_start3A_54 = tpu.memref_slice %arg7[%dma_start3A_52, %dma_start3A_53] : memref<40x128xi32, #tpu.memory_space<vmem>> -> memref<1x128xi32, #tpu.memory_space<vmem>>
      %dma_start3A_55 = tpu.memref_squeeze %dma_start3A_54 : memref<1x128xi32, #tpu.memory_space<vmem>> -> memref<128xi32, #tpu.memory_space<vmem>>
      %dma_start3A_56 = arith.constant 0 : i32
      %dma_start3A_57 = arith.constant 0 : i32
      %dma_start3A_58 = tpu.memref_slice %arg2[%dma_start3A_56, %dma_start3A_57] : memref<10240x128xf32, #tpu.memory_space<hbm>> -> memref<10240x128xf32, #tpu.memory_space<hbm>>
      tpu.enqueue_indirect_dma source(%dma_start3A_58 : memref<10240x128xf32, #tpu.memory_space<hbm>>) target(%arg10 : memref<128x128xf32, #tpu.memory_space<vmem>>) offsets(%dma_start3A_55 : memref<128xi32, #tpu.memory_space<vmem>>) semaphore(%arg13 : memref<!tpu.dma_semaphore, #tpu.memory_space<semaphore_mem>>)
      %scan3A = arith.constant 0 : i32
      %scan3A_59 = arith.constant 0 : i32
      %scan3A_60 = arith.constant 19 : i32
      %scan3A_61 = arith.addi %scan3A_59, %scan3A_60 : i32
      %scan3A_62 = arith.constant 1 : i32
      scf.for %scan3A_78 = %scan3A_59 to %scan3A_61 step %scan3A_62  : i32 {
        %mul3A_79 = arith.constant 2 : i32
        %mul3A_80 = arith.muli %scan3A_78, %mul3A_79 : i32
        %add3A_81 = arith.constant 1 : i32
        %add3A_82 = arith.addi %mul3A_80, %add3A_81 : i32
        %dma_wait3A_83 = arith.constant 0 : i32
        %dma_wait3A_84 = tpu.memref_slice %arg7[%mul3A_80, %dma_wait3A_83] : memref<40x128xi32, #tpu.memory_space<vmem>> -> memref<1x128xi32, #tpu.memory_space<vmem>>
        %dma_wait3A_85 = tpu.memref_squeeze %dma_wait3A_84 : memref<1x128xi32, #tpu.memory_space<vmem>> -> memref<128xi32, #tpu.memory_space<vmem>>
        %dma_wait3A_86 = arith.constant 0 : i32
        %dma_wait3A_87 = arith.constant 0 : i32
        %dma_wait3A_88 = tpu.memref_slice %arg2[%dma_wait3A_86, %dma_wait3A_87] : memref<10240x128xf32, #tpu.memory_space<hbm>> -> memref<10240x128xf32, #tpu.memory_space<hbm>>
        tpu.wait_indirect_dma semaphore(%arg12 : memref<!tpu.dma_semaphore, #tpu.memory_space<semaphore_mem>>) src(%dma_wait3A_88 : memref<10240x128xf32, #tpu.memory_space<hbm>>) dst(%arg9 : memref<128x128xf32, #tpu.memory_space<vmem>>)
        "tpu.region"() ({
          %run_scoped3A_111 = tpu.sem_alloc : memref<!tpu.dma_semaphore, #tpu.memory_space<semaphore_mem>>
          %dma_start3A_112 = arith.constant 0 : i32
          %dma_start3A_113 = tpu.memref_slice %arg8[%mul3A_80, %dma_start3A_112] : memref<40x128xi32, #tpu.memory_space<vmem>> -> memref<1x128xi32, #tpu.memory_space<vmem>>
          %dma_start3A_114 = tpu.memref_squeeze %dma_start3A_113 : memref<1x128xi32, #tpu.memory_space<vmem>> -> memref<128xi32, #tpu.memory_space<vmem>>
          %dma_start3A_115 = arith.constant 0 : i32
          %dma_start3A_116 = arith.constant 0 : i32
          %dma_start3A_117 = tpu.memref_slice %arg11[%dma_start3A_115, %dma_start3A_116] : memref<10240x128xf32, #tpu.memory_space<vmem_shared>> -> memref<10240x128xf32, #tpu.memory_space<vmem_shared>>
          tpu.enqueue_indirect_dma source(%arg9 : memref<128x128xf32, #tpu.memory_space<vmem>>) target(%dma_start3A_117 : memref<10240x128xf32, #tpu.memory_space<vmem_shared>>) offsets(%dma_start3A_114 : memref<128xi32, #tpu.memory_space<vmem>>) semaphore(%run_scoped3A_111 : memref<!tpu.dma_semaphore, #tpu.memory_space<semaphore_mem>>) {add = true}
          %dma_wait3A_118 = arith.constant 0 : i32
          %dma_wait3A_119 = tpu.memref_slice %arg8[%mul3A_80, %dma_wait3A_118] : memref<40x128xi32, #tpu.memory_space<vmem>> -> memref<1x128xi32, #tpu.memory_space<vmem>>
          %dma_wait3A_120 = tpu.memref_squeeze %dma_wait3A_119 : memref<1x128xi32, #tpu.memory_space<vmem>> -> memref<128xi32, #tpu.memory_space<vmem>>
          %dma_wait3A_121 = arith.constant 0 : i32
          %dma_wait3A_122 = arith.constant 0 : i32
          %dma_wait3A_123 = tpu.memref_slice %arg11[%dma_wait3A_121, %dma_wait3A_122] : memref<10240x128xf32, #tpu.memory_space<vmem_shared>> -> memref<10240x128xf32, #tpu.memory_space<vmem_shared>>
          tpu.wait_indirect_dma semaphore(%run_scoped3A_111 : memref<!tpu.dma_semaphore, #tpu.memory_space<semaphore_mem>>) src(%arg9 : memref<128x128xf32, #tpu.memory_space<vmem>>) dst(%dma_wait3A_123 : memref<10240x128xf32, #tpu.memory_space<vmem_shared>>)
          tpu.yield
        }) : () -> ()
        %add3A_89 = arith.constant 2 : i32
        %add3A_90 = arith.addi %mul3A_80, %add3A_89 : i32
        %dma_start3A_91 = arith.constant 0 : i32
        %dma_start3A_92 = tpu.memref_slice %arg7[%add3A_90, %dma_start3A_91] : memref<40x128xi32, #tpu.memory_space<vmem>> -> memref<1x128xi32, #tpu.memory_space<vmem>>
        %dma_start3A_93 = tpu.memref_squeeze %dma_start3A_92 : memref<1x128xi32, #tpu.memory_space<vmem>> -> memref<128xi32, #tpu.memory_space<vmem>>
        %dma_start3A_94 = arith.constant 0 : i32
        %dma_start3A_95 = arith.constant 0 : i32
        %dma_start3A_96 = tpu.memref_slice %arg2[%dma_start3A_94, %dma_start3A_95] : memref<10240x128xf32, #tpu.memory_space<hbm>> -> memref<10240x128xf32, #tpu.memory_space<hbm>>
        tpu.enqueue_indirect_dma source(%dma_start3A_96 : memref<10240x128xf32, #tpu.memory_space<hbm>>) target(%arg9 : memref<128x128xf32, #tpu.memory_space<vmem>>) offsets(%dma_start3A_93 : memref<128xi32, #tpu.memory_space<vmem>>) semaphore(%arg12 : memref<!tpu.dma_semaphore, #tpu.memory_space<semaphore_mem>>)
        %dma_wait3A_97 = arith.constant 0 : i32
        %dma_wait3A_98 = tpu.memref_slice %arg7[%add3A_82, %dma_wait3A_97] : memref<40x128xi32, #tpu.memory_space<vmem>> -> memref<1x128xi32, #tpu.memory_space<vmem>>
        %dma_wait3A_99 = tpu.memref_squeeze %dma_wait3A_98 : memref<1x128xi32, #tpu.memory_space<vmem>> -> memref<128xi32, #tpu.memory_space<vmem>>
        %dma_wait3A_100 = arith.constant 0 : i32
        %dma_wait3A_101 = arith.constant 0 : i32
        %dma_wait3A_102 = tpu.memref_slice %arg2[%dma_wait3A_100, %dma_wait3A_101] : memref<10240x128xf32, #tpu.memory_space<hbm>> -> memref<10240x128xf32, #tpu.memory_space<hbm>>
        tpu.wait_indirect_dma semaphore(%arg13 : memref<!tpu.dma_semaphore, #tpu.memory_space<semaphore_mem>>) src(%dma_wait3A_102 : memref<10240x128xf32, #tpu.memory_space<hbm>>) dst(%arg10 : memref<128x128xf32, #tpu.memory_space<vmem>>)
        "tpu.region"() ({
          %run_scoped3A_111 = tpu.sem_alloc : memref<!tpu.dma_semaphore, #tpu.memory_space<semaphore_mem>>
          %dma_start3A_112 = arith.constant 0 : i32
          %dma_start3A_113 = tpu.memref_slice %arg8[%add3A_82, %dma_start3A_112] : memref<40x128xi32, #tpu.memory_space<vmem>> -> memref<1x128xi32, #tpu.memory_space<vmem>>
          %dma_start3A_114 = tpu.memref_squeeze %dma_start3A_113 : memref<1x128xi32, #tpu.memory_space<vmem>> -> memref<128xi32, #tpu.memory_space<vmem>>
          %dma_start3A_115 = arith.constant 0 : i32
          %dma_start3A_116 = arith.constant 0 : i32
          %dma_start3A_117 = tpu.memref_slice %arg11[%dma_start3A_115, %dma_start3A_116] : memref<10240x128xf32, #tpu.memory_space<vmem_shared>> -> memref<10240x128xf32, #tpu.memory_space<vmem_shared>>
          tpu.enqueue_indirect_dma source(%arg10 : memref<128x128xf32, #tpu.memory_space<vmem>>) target(%dma_start3A_117 : memref<10240x128xf32, #tpu.memory_space<vmem_shared>>) offsets(%dma_start3A_114 : memref<128xi32, #tpu.memory_space<vmem>>) semaphore(%run_scoped3A_111 : memref<!tpu.dma_semaphore, #tpu.memory_space<semaphore_mem>>) {add = true}
          %dma_wait3A_118 = arith.constant 0 : i32
          %dma_wait3A_119 = tpu.memref_slice %arg8[%add3A_82, %dma_wait3A_118] : memref<40x128xi32, #tpu.memory_space<vmem>> -> memref<1x128xi32, #tpu.memory_space<vmem>>
          %dma_wait3A_120 = tpu.memref_squeeze %dma_wait3A_119 : memref<1x128xi32, #tpu.memory_space<vmem>> -> memref<128xi32, #tpu.memory_space<vmem>>
          %dma_wait3A_121 = arith.constant 0 : i32
          %dma_wait3A_122 = arith.constant 0 : i32
          %dma_wait3A_123 = tpu.memref_slice %arg11[%dma_wait3A_121, %dma_wait3A_122] : memref<10240x128xf32, #tpu.memory_space<vmem_shared>> -> memref<10240x128xf32, #tpu.memory_space<vmem_shared>>
          tpu.wait_indirect_dma semaphore(%run_scoped3A_111 : memref<!tpu.dma_semaphore, #tpu.memory_space<semaphore_mem>>) src(%arg10 : memref<128x128xf32, #tpu.memory_space<vmem>>) dst(%dma_wait3A_123 : memref<10240x128xf32, #tpu.memory_space<vmem_shared>>)
          tpu.yield
        }) : () -> ()
        %add3A_103 = arith.constant 2 : i32
        %add3A_104 = arith.addi %add3A_82, %add3A_103 : i32
        %dma_start3A_105 = arith.constant 0 : i32
        %dma_start3A_106 = tpu.memref_slice %arg7[%add3A_104, %dma_start3A_105] : memref<40x128xi32, #tpu.memory_space<vmem>> -> memref<1x128xi32, #tpu.memory_space<vmem>>
        %dma_start3A_107 = tpu.memref_squeeze %dma_start3A_106 : memref<1x128xi32, #tpu.memory_space<vmem>> -> memref<128xi32, #tpu.memory_space<vmem>>
        %dma_start3A_108 = arith.constant 0 : i32
        %dma_start3A_109 = arith.constant 0 : i32
        %dma_start3A_110 = tpu.memref_slice %arg2[%dma_start3A_108, %dma_start3A_109] : memref<10240x128xf32, #tpu.memory_space<hbm>> -> memref<10240x128xf32, #tpu.memory_space<hbm>>
        tpu.enqueue_indirect_dma source(%dma_start3A_110 : memref<10240x128xf32, #tpu.memory_space<hbm>>) target(%arg10 : memref<128x128xf32, #tpu.memory_space<vmem>>) offsets(%dma_start3A_107 : memref<128xi32, #tpu.memory_space<vmem>>) semaphore(%arg13 : memref<!tpu.dma_semaphore, #tpu.memory_space<semaphore_mem>>)
      }
      %scan3A_63 = arith.constant 19 : i32
      %dma_wait3A = arith.constant 38 : i32
      %dma_wait3A_64 = arith.constant 0 : i32
      %dma_wait3A_65 = tpu.memref_slice %arg7[%dma_wait3A, %dma_wait3A_64] : memref<40x128xi32, #tpu.memory_space<vmem>> -> memref<1x128xi32, #tpu.memory_space<vmem>>
      %dma_wait3A_66 = tpu.memref_squeeze %dma_wait3A_65 : memref<1x128xi32, #tpu.memory_space<vmem>> -> memref<128xi32, #tpu.memory_space<vmem>>
      %dma_wait3A_67 = arith.constant 0 : i32
      %dma_wait3A_68 = arith.constant 0 : i32
      %dma_wait3A_69 = tpu.memref_slice %arg2[%dma_wait3A_67, %dma_wait3A_68] : memref<10240x128xf32, #tpu.memory_space<hbm>> -> memref<10240x128xf32, #tpu.memory_space<hbm>>
      tpu.wait_indirect_dma semaphore(%arg12 : memref<!tpu.dma_semaphore, #tpu.memory_space<semaphore_mem>>) src(%dma_wait3A_69 : memref<10240x128xf32, #tpu.memory_space<hbm>>) dst(%arg9 : memref<128x128xf32, #tpu.memory_space<vmem>>)
      %run_scoped3A = arith.constant 38 : i32
      "tpu.region"() ({
        %run_scoped3A_78 = tpu.sem_alloc : memref<!tpu.dma_semaphore, #tpu.memory_space<semaphore_mem>>
        %dma_start3A_79 = arith.constant 0 : i32
        %dma_start3A_80 = tpu.memref_slice %arg8[%run_scoped3A, %dma_start3A_79] : memref<40x128xi32, #tpu.memory_space<vmem>> -> memref<1x128xi32, #tpu.memory_space<vmem>>
        %dma_start3A_81 = tpu.memref_squeeze %dma_start3A_80 : memref<1x128xi32, #tpu.memory_space<vmem>> -> memref<128xi32, #tpu.memory_space<vmem>>
        %dma_start3A_82 = arith.constant 0 : i32
        %dma_start3A_83 = arith.constant 0 : i32
        %dma_start3A_84 = tpu.memref_slice %arg11[%dma_start3A_82, %dma_start3A_83] : memref<10240x128xf32, #tpu.memory_space<vmem_shared>> -> memref<10240x128xf32, #tpu.memory_space<vmem_shared>>
        tpu.enqueue_indirect_dma source(%arg9 : memref<128x128xf32, #tpu.memory_space<vmem>>) target(%dma_start3A_84 : memref<10240x128xf32, #tpu.memory_space<vmem_shared>>) offsets(%dma_start3A_81 : memref<128xi32, #tpu.memory_space<vmem>>) semaphore(%run_scoped3A_78 : memref<!tpu.dma_semaphore, #tpu.memory_space<semaphore_mem>>) {add = true}
        %dma_wait3A_85 = arith.constant 0 : i32
        %dma_wait3A_86 = tpu.memref_slice %arg8[%run_scoped3A, %dma_wait3A_85] : memref<40x128xi32, #tpu.memory_space<vmem>> -> memref<1x128xi32, #tpu.memory_space<vmem>>
        %dma_wait3A_87 = tpu.memref_squeeze %dma_wait3A_86 : memref<1x128xi32, #tpu.memory_space<vmem>> -> memref<128xi32, #tpu.memory_space<vmem>>
        %dma_wait3A_88 = arith.constant 0 : i32
        %dma_wait3A_89 = arith.constant 0 : i32
        %dma_wait3A_90 = tpu.memref_slice %arg11[%dma_wait3A_88, %dma_wait3A_89] : memref<10240x128xf32, #tpu.memory_space<vmem_shared>> -> memref<10240x128xf32, #tpu.memory_space<vmem_shared>>
        tpu.wait_indirect_dma semaphore(%run_scoped3A_78 : memref<!tpu.dma_semaphore, #tpu.memory_space<semaphore_mem>>) src(%arg9 : memref<128x128xf32, #tpu.memory_space<vmem>>) dst(%dma_wait3A_90 : memref<10240x128xf32, #tpu.memory_space<vmem_shared>>)
        tpu.yield
      }) : () -> ()
      %dma_wait3A_70 = arith.constant 39 : i32
      %dma_wait3A_71 = arith.constant 0 : i32
      %dma_wait3A_72 = tpu.memref_slice %arg7[%dma_wait3A_70, %dma_wait3A_71] : memref<40x128xi32, #tpu.memory_space<vmem>> -> memref<1x128xi32, #tpu.memory_space<vmem>>
      %dma_wait3A_73 = tpu.memref_squeeze %dma_wait3A_72 : memref<1x128xi32, #tpu.memory_space<vmem>> -> memref<128xi32, #tpu.memory_space<vmem>>
      %dma_wait3A_74 = arith.constant 0 : i32
      %dma_wait3A_75 = arith.constant 0 : i32
      %dma_wait3A_76 = tpu.memref_slice %arg2[%dma_wait3A_74, %dma_wait3A_75] : memref<10240x128xf32, #tpu.memory_space<hbm>> -> memref<10240x128xf32, #tpu.memory_space<hbm>>
      tpu.wait_indirect_dma semaphore(%arg13 : memref<!tpu.dma_semaphore, #tpu.memory_space<semaphore_mem>>) src(%dma_wait3A_76 : memref<10240x128xf32, #tpu.memory_space<hbm>>) dst(%arg10 : memref<128x128xf32, #tpu.memory_space<vmem>>)
      %run_scoped3A_77 = arith.constant 39 : i32
      "tpu.region"() ({
        %run_scoped3A_78 = tpu.sem_alloc : memref<!tpu.dma_semaphore, #tpu.memory_space<semaphore_mem>>
        %dma_start3A_79 = arith.constant 0 : i32
        %dma_start3A_80 = tpu.memref_slice %arg8[%run_scoped3A_77, %dma_start3A_79] : memref<40x128xi32, #tpu.memory_space<vmem>> -> memref<1x128xi32, #tpu.memory_space<vmem>>
        %dma_start3A_81 = tpu.memref_squeeze %dma_start3A_80 : memref<1x128xi32, #tpu.memory_space<vmem>> -> memref<128xi32, #tpu.memory_space<vmem>>
        %dma_start3A_82 = arith.constant 0 : i32
        %dma_start3A_83 = arith.constant 0 : i32
        %dma_start3A_84 = tpu.memref_slice %arg11[%dma_start3A_82, %dma_start3A_83] : memref<10240x128xf32, #tpu.memory_space<vmem_shared>> -> memref<10240x128xf32, #tpu.memory_space<vmem_shared>>
        tpu.enqueue_indirect_dma source(%arg10 : memref<128x128xf32, #tpu.memory_space<vmem>>) target(%dma_start3A_84 : memref<10240x128xf32, #tpu.memory_space<vmem_shared>>) offsets(%dma_start3A_81 : memref<128xi32, #tpu.memory_space<vmem>>) semaphore(%run_scoped3A_78 : memref<!tpu.dma_semaphore, #tpu.memory_space<semaphore_mem>>) {add = true}
        %dma_wait3A_85 = arith.constant 0 : i32
        %dma_wait3A_86 = tpu.memref_slice %arg8[%run_scoped3A_77, %dma_wait3A_85] : memref<40x128xi32, #tpu.memory_space<vmem>> -> memref<1x128xi32, #tpu.memory_space<vmem>>
        %dma_wait3A_87 = tpu.memref_squeeze %dma_wait3A_86 : memref<1x128xi32, #tpu.memory_space<vmem>> -> memref<128xi32, #tpu.memory_space<vmem>>
        %dma_wait3A_88 = arith.constant 0 : i32
        %dma_wait3A_89 = arith.constant 0 : i32
        %dma_wait3A_90 = tpu.memref_slice %arg11[%dma_wait3A_88, %dma_wait3A_89] : memref<10240x128xf32, #tpu.memory_space<vmem_shared>> -> memref<10240x128xf32, #tpu.memory_space<vmem_shared>>
        tpu.wait_indirect_dma semaphore(%run_scoped3A_78 : memref<!tpu.dma_semaphore, #tpu.memory_space<semaphore_mem>>) src(%arg10 : memref<128x128xf32, #tpu.memory_space<vmem>>) dst(%dma_wait3A_90 : memref<10240x128xf32, #tpu.memory_space<vmem_shared>>)
        tpu.yield
      }) : () -> ()
    }
    %barrier3A_38 = arith.constant 0 : index
    tpu.barrier barrier_id(%barrier3A_38)
    "tpu.region"() ({
      %run_scoped3A = tpu.sem_alloc : memref<!tpu.dma_semaphore, #tpu.memory_space<semaphore_mem>>
      %dma_start3A = arith.constant 0 : i32
      %dma_start3A_39 = tpu.memref_slice %arg6[%arg0, %mul3A_0, %dma_start3A] : memref<2x10240x128xf32, #tpu.memory_space<hbm>> -> memref<1x640x128xf32, #tpu.memory_space<hbm>>
      %dma_start3A_40 = tpu.memref_squeeze %dma_start3A_39 : memref<1x640x128xf32, #tpu.memory_space<hbm>> -> memref<640x128xf32, #tpu.memory_space<hbm>>
      %dma_start3A_41 = arith.constant 0 : i32
      %dma_start3A_42 = tpu.memref_slice %arg11[%mul3A_0, %dma_start3A_41] : memref<10240x128xf32, #tpu.memory_space<vmem_shared>> -> memref<640x128xf32, #tpu.memory_space<vmem_shared>>
      tpu.enqueue_dma source(%dma_start3A_42 : memref<640x128xf32, #tpu.memory_space<vmem_shared>>) target(%dma_start3A_40 : memref<640x128xf32, #tpu.memory_space<hbm>>) target_semaphore(%run_scoped3A : memref<!tpu.dma_semaphore, #tpu.memory_space<semaphore_mem>>)
      %dma_wait3A = arith.constant 0 : i32
      %dma_wait3A_43 = tpu.memref_slice %arg6[%arg0, %mul3A_0, %dma_wait3A] : memref<2x10240x128xf32, #tpu.memory_space<hbm>> -> memref<1x640x128xf32, #tpu.memory_space<hbm>>
      %dma_wait3A_44 = tpu.memref_squeeze %dma_wait3A_43 : memref<1x640x128xf32, #tpu.memory_space<hbm>> -> memref<640x128xf32, #tpu.memory_space<hbm>>
      %dma_wait3A_45 = arith.constant 0 : i32
      %dma_wait3A_46 = tpu.memref_slice %arg11[%mul3A_0, %dma_wait3A_45] : memref<10240x128xf32, #tpu.memory_space<vmem_shared>> -> memref<640x128xf32, #tpu.memory_space<vmem_shared>>
      tpu.wait_dma2 semaphore(%run_scoped3A : memref<!tpu.dma_semaphore, #tpu.memory_space<semaphore_mem>>) src(%dma_wait3A_46 : memref<640x128xf32, #tpu.memory_space<vmem_shared>>) dst(%dma_wait3A_44 : memref<640x128xf32, #tpu.memory_space<hbm>>)
      tpu.yield
    }) : () -> ()
    return
  }
}

module attributes {stable_mosaic.version = 14 : i64} {
  func.func @body(%arg0: i32, %arg1: memref<1024x128xf32, #tpu.memory_space<vmem>>, %arg2: memref<1024x128xf32, #tpu.memory_space<vmem>>, %arg3: memref<128x128xf32, #tpu.memory_space<vmem>>, %arg4: memref<1x128xf32, #tpu.memory_space<vmem>>, %arg5: memref<1024x128xf32, #tpu.memory_space<vmem>>) attributes {dimension_semantics = [#tpu.dimension_semantics<arbitrary>], iteration_bounds = array<i64: 10>, scalar_prefetch = 0 : i64, scratch_operands = 0 : i64, tpu.core_type = #tpu.core_type<tc>, window_params = [{transform_indices = @transform_0, window_bounds = array<i64: 1024, 128>}, {transform_indices = @transform_1, window_bounds = array<i64: 1024, 128>}, {pipeline_mode = #tpu.pipeline_mode<synchronous>, transform_indices = @transform_2, window_bounds = array<i64: 128, 128>}, {pipeline_mode = #tpu.pipeline_mode<synchronous>, transform_indices = @transform_3, window_bounds = array<i64: 1, 128>}, {transform_indices = @transform_4, window_bounds = array<i64: 1024, 128>}]} {
    %get3A = arith.constant 0 : index
    %get3A_0 = arith.constant 0 : index
    %get3A_1 = vector.load %arg2[%get3A, %get3A_0] : memref<1024x128xf32, #tpu.memory_space<vmem>>, vector<1024x128xf32>
    %get3A_2 = arith.constant 0 : index
    %get3A_3 = arith.constant 0 : index
    %get3A_4 = vector.load %arg3[%get3A_2, %get3A_3] : memref<128x128xf32, #tpu.memory_space<vmem>>, vector<128x128xf32>
    %dot_general3A = arith.constant dense<0.000000e+00> : vector<1024x128xf32>
    %dot_general3A_5 = tpu.matmul %get3A_1, %get3A_4, %dot_general3A {dimension_numbers = #tpu.dot_dimension_numbers<[1], [1], [0], [0], [0, 0, 1, 0], [], []>, transpose_lhs_hint = false} : vector<1024x128xf32>, vector<128x128xf32>, vector<1024x128xf32> -> vector<1024x128xf32>
    %iota3A = tpu.iota {dimensions = array<i32: 0>} : vector<1024x1xi32>
    %mul3A = arith.constant 1024 : i32
    %mul3A_6 = arith.muli %arg0, %mul3A : i32
    %add3A = vector.broadcast %mul3A_6 : i32 to vector<1024x1xi32>
    %add3A_7 = arith.addi %iota3A, %add3A : vector<1024x1xi32>
    %ge3A = arith.constant 2000 : i32
    %ge3A_8 = vector.broadcast %ge3A : i32 to vector<1024x1xi32>
    %ge3A_9 = arith.cmpi sge, %add3A_7, %ge3A_8 : vector<1024x1xi32>
    %lt3A = arith.constant 10000 : i32
    %lt3A_10 = vector.broadcast %lt3A : i32 to vector<1024x1xi32>
    %lt3A_11 = arith.cmpi slt, %add3A_7, %lt3A_10 : vector<1024x1xi32>
    %and3A = arith.andi %ge3A_9, %lt3A_11 : vector<1024x1xi1>
    %get3A_12 = arith.constant 0 : index
    %get3A_13 = arith.constant 0 : index
    %get3A_14 = vector.load %arg1[%get3A_12, %get3A_13] : memref<1024x128xf32, #tpu.memory_space<vmem>>, vector<1024x128xf32>
    %get3A_15 = arith.constant 0 : index
    %get3A_16 = arith.constant 0 : index
    %get3A_17 = vector.load %arg4[%get3A_15, %get3A_16] : memref<1x128xf32, #tpu.memory_space<vmem>>, vector<1x128xf32>
    %add3A_18 = vector.broadcast %get3A_17 : vector<1x128xf32> to vector<1024x128xf32>
    %add3A_19 = arith.addf %dot_general3A_5, %add3A_18 : vector<1024x128xf32>
    %jit3A = arith.constant 0.000000e+00 : f32
    %broadcast_in_dim3A = vector.shape_cast %and3A : vector<1024x1xi1> to vector<1024x1xi1>
    %broadcast_in_dim3A_20 = vector.broadcast %broadcast_in_dim3A : vector<1024x1xi1> to vector<1024x128xi1>
    %broadcast_in_dim3A_21 = vector.broadcast %jit3A : f32 to vector<1024x128xf32>
    %select_n3A = arith.select %broadcast_in_dim3A_20, %add3A_19, %broadcast_in_dim3A_21 : vector<1024x128xi1>, vector<1024x128xf32>
    %add3A_22 = arith.addf %get3A_14, %select_n3A : vector<1024x128xf32>
    %mul3A_23 = arith.mulf %add3A_22, %add3A_22 : vector<1024x128xf32>
    %reduce_sum3A = arith.constant dense<0.000000e+00> : vector<1024xf32>
    %reduce_sum3A_24 = vector.multi_reduction <add>, %mul3A_23, %reduce_sum3A [1] : vector<1024x128xf32> to vector<1024xf32>
    %broadcast_in_dim3A_25 = vector.shape_cast %reduce_sum3A_24 : vector<1024xf32> to vector<1024x1xf32>
    %sqrt3A = math.sqrt %broadcast_in_dim3A_25 : vector<1024x1xf32>
    %max3A = arith.constant 9.99999996E-13 : f32
    %max3A_26 = vector.broadcast %max3A : f32 to vector<1024x1xf32>
    %max3A_27 = arith.maximumf %sqrt3A, %max3A_26 : vector<1024x1xf32>
    %div3A = vector.broadcast %max3A_27 : vector<1024x1xf32> to vector<1024x128xf32>
    %div3A_28 = arith.divf %add3A_22, %div3A : vector<1024x128xf32>
    %swap3A = arith.constant 0 : index
    %swap3A_29 = arith.constant 0 : index
    %swap3A_30 = vector.load %arg5[%swap3A, %swap3A_29] : memref<1024x128xf32, #tpu.memory_space<vmem>>, vector<1024x128xf32>
    tpu.vector_store %arg5[%swap3A, %swap3A_29], %div3A_28 {strides = array<i32>} : memref<1024x128xf32, #tpu.memory_space<vmem>>, vector<1024x128xf32>,
    return
  }
  func.func @transform_0(%arg0: i32) -> (i32, i32) {
    %c0_i32 = arith.constant 0 : i32
    %c0_i32_0 = arith.constant 0 : i32
    return %arg0, %c0_i32 : i32, i32
  }
  func.func @transform_1(%arg0: i32) -> (i32, i32) {
    %c0_i32 = arith.constant 0 : i32
    %c0_i32_0 = arith.constant 0 : i32
    return %arg0, %c0_i32 : i32, i32
  }
  func.func @transform_2(%arg0: i32) -> (i32, i32) {
    %c0_i32 = arith.constant 0 : i32
    %c0_i32_0 = arith.constant 0 : i32
    %c0_i32_1 = arith.constant 0 : i32
    return %c0_i32, %c0_i32_0 : i32, i32
  }
  func.func @transform_3(%arg0: i32) -> (i32, i32) {
    %c0_i32 = arith.constant 0 : i32
    %c0_i32_0 = arith.constant 0 : i32
    %c0_i32_1 = arith.constant 0 : i32
    return %c0_i32, %c0_i32_0 : i32, i32
  }
  func.func @transform_4(%arg0: i32) -> (i32, i32) {
    %c0_i32 = arith.constant 0 : i32
    %c0_i32_0 = arith.constant 0 : i32
    return %arg0, %c0_i32 : i32, i32
  }
}

module attributes {stable_mosaic.version = 14 : i64} {
  func.func @body(%arg0: i32, %arg1: memref<1024x128xf32, #tpu.memory_space<vmem>>, %arg2: memref<2x1024x128xf32, #tpu.memory_space<vmem>>, %arg3: memref<1024x128xf32, #tpu.memory_space<vmem>>, %arg4: memref<1024x128xf32, #tpu.memory_space<vmem>>) attributes {dimension_semantics = [#tpu.dimension_semantics<arbitrary>], iteration_bounds = array<i64: 10>, scalar_prefetch = 0 : i64, scratch_operands = 0 : i64, tpu.core_type = #tpu.core_type<tc>, window_params = [{transform_indices = @transform_0, window_bounds = array<i64: 1024, 128>}, {transform_indices = @transform_1, window_bounds = array<i64: 2, 1024, 128>}, {transform_indices = @transform_2, window_bounds = array<i64: 1024, 128>}, {transform_indices = @transform_3, window_bounds = array<i64: 1024, 128>}]} {
    %get3A = arith.constant 0 : index
    %get3A_0 = arith.constant 0 : index
    %get3A_1 = arith.constant 0 : index
    %get3A_2 = vector.load %arg2[%get3A, %get3A_0, %get3A_1] : memref<2x1024x128xf32, #tpu.memory_space<vmem>>, vector<2x1024x128xf32>
    %reduce_sum3A = arith.constant dense<0.000000e+00> : vector<1024xf32>
    %reduce_sum3A_3 = vector.multi_reduction <add>, %get3A_2, %reduce_sum3A [0, 2] : vector<2x1024x128xf32> to vector<1024xf32>
    %mul3A = arith.constant 7.812500e-03 : f32
    %mul3A_4 = vector.broadcast %mul3A : f32 to vector<1024xf32>
    %mul3A_5 = arith.mulf %reduce_sum3A_3, %mul3A_4 : vector<1024xf32>
    %max3A = arith.constant 1.000000e+00 : f32
    %max3A_6 = vector.broadcast %max3A : f32 to vector<1024xf32>
    %max3A_7 = arith.maximumf %mul3A_5, %max3A_6 : vector<1024xf32>
    %rsqrt3A = math.rsqrt %max3A_7 : vector<1024xf32>
    %get3A_8 = arith.constant 0 : index
    %get3A_9 = arith.constant 0 : index
    %get3A_10 = vector.load %arg1[%get3A_8, %get3A_9] : memref<1024x128xf32, #tpu.memory_space<vmem>>, vector<1024x128xf32>
    %broadcast_in_dim3A = vector.shape_cast %rsqrt3A : vector<1024xf32> to vector<1024x1xf32>
    %mul3A_11 = vector.broadcast %broadcast_in_dim3A : vector<1024x1xf32> to vector<1024x128xf32>
    %mul3A_12 = arith.mulf %get3A_10, %mul3A_11 : vector<1024x128xf32>
    %swap3A = arith.constant 0 : index
    %swap3A_13 = arith.constant 0 : index
    %swap3A_14 = vector.load %arg3[%swap3A, %swap3A_13] : memref<1024x128xf32, #tpu.memory_space<vmem>>, vector<1024x128xf32>
    tpu.vector_store %arg3[%swap3A, %swap3A_13], %mul3A_12 {strides = array<i32>} : memref<1024x128xf32, #tpu.memory_space<vmem>>, vector<1024x128xf32>,
    %broadcast_in_dim3A_15 = vector.shape_cast %rsqrt3A : vector<1024xf32> to vector<1024x1xf32>
    %broadcast_in_dim3A_16 = vector.shape_cast %broadcast_in_dim3A_15 : vector<1024x1xf32> to vector<1024x1xf32>
    %broadcast_in_dim3A_17 = vector.broadcast %broadcast_in_dim3A_16 : vector<1024x1xf32> to vector<1024x128xf32>
    %swap3A_18 = arith.constant 0 : index
    %swap3A_19 = arith.constant 0 : index
    %swap3A_20 = vector.load %arg4[%swap3A_18, %swap3A_19] : memref<1024x128xf32, #tpu.memory_space<vmem>>, vector<1024x128xf32>
    tpu.vector_store %arg4[%swap3A_18, %swap3A_19], %broadcast_in_dim3A_17 {strides = array<i32>} : memref<1024x128xf32, #tpu.memory_space<vmem>>, vector<1024x128xf32>,
    return
  }
  func.func @transform_0(%arg0: i32) -> (i32, i32) {
    %c0_i32 = arith.constant 0 : i32
    %c0_i32_0 = arith.constant 0 : i32
    return %arg0, %c0_i32 : i32, i32
  }
  func.func @transform_1(%arg0: i32) -> (i32, i32, i32) {
    %c0_i32 = arith.constant 0 : i32
    %c0_i32_0 = arith.constant 0 : i32
    %c0_i32_1 = arith.constant 0 : i32
    return %c0_i32, %arg0, %c0_i32_0 : i32, i32, i32
  }
  func.func @transform_2(%arg0: i32) -> (i32, i32) {
    %c0_i32 = arith.constant 0 : i32
    %c0_i32_0 = arith.constant 0 : i32
    return %arg0, %c0_i32 : i32, i32
  }
  func.func @transform_3(%arg0: i32) -> (i32, i32) {
    %c0_i32 = arith.constant 0 : i32
    %c0_i32_0 = arith.constant 0 : i32
    return %arg0, %c0_i32 : i32, i32
  }
}

module attributes {stable_mosaic.version = 14 : i64} {
  func.func @body(%arg0: i32, %arg1: memref<2x1024x128xf32, #tpu.memory_space<vmem>>, %arg2: memref<1024x128xf32, #tpu.memory_space<vmem>>, %arg3: memref<1024x128xf32, #tpu.memory_space<vmem>>, %arg4: memref<128x128xf32, #tpu.memory_space<vmem>>, %arg5: memref<128x128xf32, #tpu.memory_space<vmem>>, %arg6: memref<1x128xf32, #tpu.memory_space<vmem>>, %arg7: memref<128x128xf32, #tpu.memory_space<vmem>>, %arg8: memref<1x128xf32, #tpu.memory_space<vmem>>, %arg9: memref<1024x128xf32, #tpu.memory_space<vmem>>, %arg10: memref<1024x128xf32, #tpu.memory_space<vmem>>) attributes {dimension_semantics = [#tpu.dimension_semantics<arbitrary>], iteration_bounds = array<i64: 10>, scalar_prefetch = 0 : i64, scratch_operands = 0 : i64, tpu.core_type = #tpu.core_type<tc>, window_params = [{transform_indices = @transform_0, window_bounds = array<i64: 2, 1024, 128>}, {transform_indices = @transform_1, window_bounds = array<i64: 1024, 128>}, {transform_indices = @transform_2, window_bounds = array<i64: 1024, 128>}, {pipeline_mode = #tpu.pipeline_mode<synchronous>, transform_indices = @transform_3, window_bounds = array<i64: 128, 128>}, {pipeline_mode = #tpu.pipeline_mode<synchronous>, transform_indices = @transform_4, window_bounds = array<i64: 128, 128>}, {pipeline_mode = #tpu.pipeline_mode<synchronous>, transform_indices = @transform_5, window_bounds = array<i64: 1, 128>}, {pipeline_mode = #tpu.pipeline_mode<synchronous>, transform_indices = @transform_6, window_bounds = array<i64: 128, 128>}, {pipeline_mode = #tpu.pipeline_mode<synchronous>, transform_indices = @transform_7, window_bounds = array<i64: 1, 128>}, {transform_indices = @transform_8, window_bounds = array<i64: 1024, 128>}, {transform_indices = @transform_9, window_bounds = array<i64: 1024, 128>}]} {
    %get3A = arith.constant 0 : index
    %get3A_0 = arith.constant 0 : index
    %get3A_1 = vector.load %arg2[%get3A, %get3A_0] : memref<1024x128xf32, #tpu.memory_space<vmem>>, vector<1024x128xf32>
    %get3A_2 = arith.constant 0 : index
    %get3A_3 = arith.constant 0 : index
    %get3A_4 = arith.constant 0 : index
    %get3A_5 = vector.load %arg1[%get3A_2, %get3A_3, %get3A_4] : memref<2x1024x128xf32, #tpu.memory_space<vmem>>, vector<2x1024x128xf32>
    %reduce_sum3A = arith.constant dense<0.000000e+00> : vector<1024x128xf32>
    %reduce_sum3A_6 = vector.multi_reduction <add>, %get3A_5, %reduce_sum3A [0] : vector<2x1024x128xf32> to vector<1024x128xf32>
    %mul3A = arith.mulf %reduce_sum3A_6, %get3A_1 : vector<1024x128xf32>
    %get3A_7 = arith.constant 0 : index
    %get3A_8 = arith.constant 0 : index
    %get3A_9 = vector.load %arg4[%get3A_7, %get3A_8] : memref<128x128xf32, #tpu.memory_space<vmem>>, vector<128x128xf32>
    %dot_general3A = arith.constant dense<0.000000e+00> : vector<1024x128xf32>
    %dot_general3A_10 = tpu.matmul %mul3A, %get3A_9, %dot_general3A {dimension_numbers = #tpu.dot_dimension_numbers<[1], [0], [0], [1], [0, 0, 1, 1], [], []>, transpose_lhs_hint = false} : vector<1024x128xf32>, vector<128x128xf32>, vector<1024x128xf32> -> vector<1024x128xf32>
    %ge3A = arith.constant 0.000000e+00 : f32
    %ge3A_11 = vector.broadcast %ge3A : f32 to vector<1024x128xf32>
    %ge3A_12 = arith.cmpf oge, %dot_general3A_10, %ge3A_11 : vector<1024x128xf32>
    %mul3A_13 = arith.constant 0.00999999977 : f32
    %mul3A_14 = vector.broadcast %mul3A_13 : f32 to vector<1024x128xf32>
    %mul3A_15 = arith.mulf %dot_general3A_10, %mul3A_14 : vector<1024x128xf32>
    %select_n3A = arith.select %ge3A_12, %dot_general3A_10, %mul3A_15 : vector<1024x128xi1>, vector<1024x128xf32>
    %get3A_16 = arith.constant 0 : index
    %get3A_17 = arith.constant 0 : index
    %get3A_18 = vector.load %arg5[%get3A_16, %get3A_17] : memref<128x128xf32, #tpu.memory_space<vmem>>, vector<128x128xf32>
    %dot_general3A_19 = arith.constant dense<0.000000e+00> : vector<1024x128xf32>
    %dot_general3A_20 = tpu.matmul %select_n3A, %get3A_18, %dot_general3A_19 {dimension_numbers = #tpu.dot_dimension_numbers<[1], [1], [0], [0], [0, 0, 1, 0], [], []>, transpose_lhs_hint = false} : vector<1024x128xf32>, vector<128x128xf32>, vector<1024x128xf32> -> vector<1024x128xf32>
    %get3A_21 = arith.constant 0 : index
    %get3A_22 = arith.constant 0 : index
    %get3A_23 = vector.load %arg6[%get3A_21, %get3A_22] : memref<1x128xf32, #tpu.memory_space<vmem>>, vector<1x128xf32>
    %add3A = vector.broadcast %get3A_23 : vector<1x128xf32> to vector<1024x128xf32>
    %add3A_24 = arith.addf %dot_general3A_20, %add3A : vector<1024x128xf32>
    %get3A_25 = arith.constant 0 : index
    %get3A_26 = arith.constant 0 : index
    %get3A_27 = vector.load %arg3[%get3A_25, %get3A_26] : memref<1024x128xf32, #tpu.memory_space<vmem>>, vector<1024x128xf32>
    %add3A_28 = arith.addf %add3A_24, %get3A_27 : vector<1024x128xf32>
    %ge3A_29 = arith.constant 0.000000e+00 : f32
    %ge3A_30 = vector.broadcast %ge3A_29 : f32 to vector<1024x128xf32>
    %ge3A_31 = arith.cmpf oge, %add3A_28, %ge3A_30 : vector<1024x128xf32>
    %mul3A_32 = arith.constant 0.00999999977 : f32
    %mul3A_33 = vector.broadcast %mul3A_32 : f32 to vector<1024x128xf32>
    %mul3A_34 = arith.mulf %add3A_28, %mul3A_33 : vector<1024x128xf32>
    %select_n3A_35 = arith.select %ge3A_31, %add3A_28, %mul3A_34 : vector<1024x128xi1>, vector<1024x128xf32>
    %get3A_36 = arith.constant 0 : index
    %get3A_37 = arith.constant 0 : index
    %get3A_38 = vector.load %arg7[%get3A_36, %get3A_37] : memref<128x128xf32, #tpu.memory_space<vmem>>, vector<128x128xf32>
    %dot_general3A_39 = arith.constant dense<0.000000e+00> : vector<1024x128xf32>
    %dot_general3A_40 = tpu.matmul %select_n3A, %get3A_38, %dot_general3A_39 {dimension_numbers = #tpu.dot_dimension_numbers<[1], [1], [0], [0], [0, 0, 1, 0], [], []>, transpose_lhs_hint = false} : vector<1024x128xf32>, vector<128x128xf32>, vector<1024x128xf32> -> vector<1024x128xf32>
    %get3A_41 = arith.constant 0 : index
    %get3A_42 = arith.constant 0 : index
    %get3A_43 = vector.load %arg8[%get3A_41, %get3A_42] : memref<1x128xf32, #tpu.memory_space<vmem>>, vector<1x128xf32>
    %add3A_44 = vector.broadcast %get3A_43 : vector<1x128xf32> to vector<1024x128xf32>
    %add3A_45 = arith.addf %dot_general3A_40, %add3A_44 : vector<1024x128xf32>
    %add3A_46 = arith.addf %add3A_45, %select_n3A_35 : vector<1024x128xf32>
    %ge3A_47 = arith.constant 0.000000e+00 : f32
    %ge3A_48 = vector.broadcast %ge3A_47 : f32 to vector<1024x128xf32>
    %ge3A_49 = arith.cmpf oge, %add3A_46, %ge3A_48 : vector<1024x128xf32>
    %mul3A_50 = arith.constant 0.00999999977 : f32
    %mul3A_51 = vector.broadcast %mul3A_50 : f32 to vector<1024x128xf32>
    %mul3A_52 = arith.mulf %add3A_46, %mul3A_51 : vector<1024x128xf32>
    %select_n3A_53 = arith.select %ge3A_49, %add3A_46, %mul3A_52 : vector<1024x128xi1>, vector<1024x128xf32>
    %swap3A = arith.constant 0 : index
    %swap3A_54 = arith.constant 0 : index
    %swap3A_55 = vector.load %arg9[%swap3A, %swap3A_54] : memref<1024x128xf32, #tpu.memory_space<vmem>>, vector<1024x128xf32>
    tpu.vector_store %arg9[%swap3A, %swap3A_54], %select_n3A_53 {strides = array<i32>} : memref<1024x128xf32, #tpu.memory_space<vmem>>, vector<1024x128xf32>,
    %mul3A_56 = arith.mulf %select_n3A_53, %get3A_1 : vector<1024x128xf32>
    %swap3A_57 = arith.constant 0 : index
    %swap3A_58 = arith.constant 0 : index
    %swap3A_59 = vector.load %arg10[%swap3A_57, %swap3A_58] : memref<1024x128xf32, #tpu.memory_space<vmem>>, vector<1024x128xf32>
    tpu.vector_store %arg10[%swap3A_57, %swap3A_58], %mul3A_56 {strides = array<i32>} : memref<1024x128xf32, #tpu.memory_space<vmem>>, vector<1024x128xf32>,
    return
  }
  func.func @transform_0(%arg0: i32) -> (i32, i32, i32) {
    %c0_i32 = arith.constant 0 : i32
    %c0_i32_0 = arith.constant 0 : i32
    %c0_i32_1 = arith.constant 0 : i32
    return %c0_i32, %arg0, %c0_i32_0 : i32, i32, i32
  }
  func.func @transform_1(%arg0: i32) -> (i32, i32) {
    %c0_i32 = arith.constant 0 : i32
    %c0_i32_0 = arith.constant 0 : i32
    return %arg0, %c0_i32 : i32, i32
  }
  func.func @transform_2(%arg0: i32) -> (i32, i32) {
    %c0_i32 = arith.constant 0 : i32
    %c0_i32_0 = arith.constant 0 : i32
    return %arg0, %c0_i32 : i32, i32
  }
  func.func @transform_3(%arg0: i32) -> (i32, i32) {
    %c0_i32 = arith.constant 0 : i32
    %c0_i32_0 = arith.constant 0 : i32
    %c0_i32_1 = arith.constant 0 : i32
    return %c0_i32, %c0_i32_0 : i32, i32
  }
  func.func @transform_4(%arg0: i32) -> (i32, i32) {
    %c0_i32 = arith.constant 0 : i32
    %c0_i32_0 = arith.constant 0 : i32
    %c0_i32_1 = arith.constant 0 : i32
    return %c0_i32, %c0_i32_0 : i32, i32
  }
  func.func @transform_5(%arg0: i32) -> (i32, i32) {
    %c0_i32 = arith.constant 0 : i32
    %c0_i32_0 = arith.constant 0 : i32
    %c0_i32_1 = arith.constant 0 : i32
    return %c0_i32, %c0_i32_0 : i32, i32
  }
  func.func @transform_6(%arg0: i32) -> (i32, i32) {
    %c0_i32 = arith.constant 0 : i32
    %c0_i32_0 = arith.constant 0 : i32
    %c0_i32_1 = arith.constant 0 : i32
    return %c0_i32, %c0_i32_0 : i32, i32
  }
  func.func @transform_7(%arg0: i32) -> (i32, i32) {
    %c0_i32 = arith.constant 0 : i32
    %c0_i32_0 = arith.constant 0 : i32
    %c0_i32_1 = arith.constant 0 : i32
    return %c0_i32, %c0_i32_0 : i32, i32
  }
  func.func @transform_8(%arg0: i32) -> (i32, i32) {
    %c0_i32 = arith.constant 0 : i32
    %c0_i32_0 = arith.constant 0 : i32
    return %arg0, %c0_i32 : i32, i32
  }
  func.func @transform_9(%arg0: i32) -> (i32, i32) {
    %c0_i32 = arith.constant 0 : i32
    %c0_i32_0 = arith.constant 0 : i32
    return %arg0, %c0_i32 : i32, i32
  }
}

module attributes {stable_mosaic.version = 14 : i64} {
  func.func @body(%arg0: i32, %arg1: memref<2x1000x128xf32, #tpu.memory_space<vmem>>, %arg2: memref<1000x128xf32, #tpu.memory_space<vmem>>, %arg3: memref<1000x128xf32, #tpu.memory_space<vmem>>, %arg4: memref<128x128xf32, #tpu.memory_space<vmem>>, %arg5: memref<128x128xf32, #tpu.memory_space<vmem>>, %arg6: memref<1x128xf32, #tpu.memory_space<vmem>>, %arg7: memref<128x128xf32, #tpu.memory_space<vmem>>, %arg8: memref<1x128xf32, #tpu.memory_space<vmem>>, %arg9: memref<1000x128xf32, #tpu.memory_space<vmem>>, %arg10: memref<1000x128xf32, #tpu.memory_space<vmem>>) attributes {dimension_semantics = [#tpu.dimension_semantics<arbitrary>], iteration_bounds = array<i64: 10>, scalar_prefetch = 0 : i64, scratch_operands = 0 : i64, tpu.core_type = #tpu.core_type<tc>, window_params = [{transform_indices = @transform_0, window_bounds = array<i64: 2, 1000, 128>}, {transform_indices = @transform_1, window_bounds = array<i64: 1000, 128>}, {transform_indices = @transform_2, window_bounds = array<i64: 1000, 128>}, {pipeline_mode = #tpu.pipeline_mode<synchronous>, transform_indices = @transform_3, window_bounds = array<i64: 128, 128>}, {pipeline_mode = #tpu.pipeline_mode<synchronous>, transform_indices = @transform_4, window_bounds = array<i64: 128, 128>}, {pipeline_mode = #tpu.pipeline_mode<synchronous>, transform_indices = @transform_5, window_bounds = array<i64: 1, 128>}, {pipeline_mode = #tpu.pipeline_mode<synchronous>, transform_indices = @transform_6, window_bounds = array<i64: 128, 128>}, {pipeline_mode = #tpu.pipeline_mode<synchronous>, transform_indices = @transform_7, window_bounds = array<i64: 1, 128>}, {transform_indices = @transform_8, window_bounds = array<i64: 1000, 128>}, {transform_indices = @transform_9, window_bounds = array<i64: 1000, 128>}]} {
    %get3A = arith.constant 0 : index
    %get3A_0 = arith.constant 0 : index
    %get3A_1 = vector.load %arg2[%get3A, %get3A_0] : memref<1000x128xf32, #tpu.memory_space<vmem>>, vector<1000x128xf32>
    %get3A_2 = arith.constant 0 : index
    %get3A_3 = arith.constant 0 : index
    %get3A_4 = arith.constant 0 : index
    %get3A_5 = vector.load %arg1[%get3A_2, %get3A_3, %get3A_4] : memref<2x1000x128xf32, #tpu.memory_space<vmem>>, vector<2x1000x128xf32>
    %reduce_sum3A = arith.constant dense<0.000000e+00> : vector<1000x128xf32>
    %reduce_sum3A_6 = vector.multi_reduction <add>, %get3A_5, %reduce_sum3A [0] : vector<2x1000x128xf32> to vector<1000x128xf32>
    %mul3A = arith.mulf %reduce_sum3A_6, %get3A_1 : vector<1000x128xf32>
    %get3A_7 = arith.constant 0 : index
    %get3A_8 = arith.constant 0 : index
    %get3A_9 = vector.load %arg4[%get3A_7, %get3A_8] : memref<128x128xf32, #tpu.memory_space<vmem>>, vector<128x128xf32>
    %dot_general3A = arith.constant dense<0.000000e+00> : vector<1000x128xf32>
    %dot_general3A_10 = tpu.matmul %mul3A, %get3A_9, %dot_general3A {dimension_numbers = #tpu.dot_dimension_numbers<[1], [0], [0], [1], [0, 0, 1, 1], [], []>, transpose_lhs_hint = false} : vector<1000x128xf32>, vector<128x128xf32>, vector<1000x128xf32> -> vector<1000x128xf32>
    %ge3A = arith.constant 0.000000e+00 : f32
    %ge3A_11 = vector.broadcast %ge3A : f32 to vector<1000x128xf32>
    %ge3A_12 = arith.cmpf oge, %dot_general3A_10, %ge3A_11 : vector<1000x128xf32>
    %mul3A_13 = arith.constant 0.00999999977 : f32
    %mul3A_14 = vector.broadcast %mul3A_13 : f32 to vector<1000x128xf32>
    %mul3A_15 = arith.mulf %dot_general3A_10, %mul3A_14 : vector<1000x128xf32>
    %select_n3A = arith.select %ge3A_12, %dot_general3A_10, %mul3A_15 : vector<1000x128xi1>, vector<1000x128xf32>
    %get3A_16 = arith.constant 0 : index
    %get3A_17 = arith.constant 0 : index
    %get3A_18 = vector.load %arg5[%get3A_16, %get3A_17] : memref<128x128xf32, #tpu.memory_space<vmem>>, vector<128x128xf32>
    %dot_general3A_19 = arith.constant dense<0.000000e+00> : vector<1000x128xf32>
    %dot_general3A_20 = tpu.matmul %select_n3A, %get3A_18, %dot_general3A_19 {dimension_numbers = #tpu.dot_dimension_numbers<[1], [1], [0], [0], [0, 0, 1, 0], [], []>, transpose_lhs_hint = false} : vector<1000x128xf32>, vector<128x128xf32>, vector<1000x128xf32> -> vector<1000x128xf32>
    %get3A_21 = arith.constant 0 : index
    %get3A_22 = arith.constant 0 : index
    %get3A_23 = vector.load %arg6[%get3A_21, %get3A_22] : memref<1x128xf32, #tpu.memory_space<vmem>>, vector<1x128xf32>
    %add3A = vector.broadcast %get3A_23 : vector<1x128xf32> to vector<1000x128xf32>
    %add3A_24 = arith.addf %dot_general3A_20, %add3A : vector<1000x128xf32>
    %get3A_25 = arith.constant 0 : index
    %get3A_26 = arith.constant 0 : index
    %get3A_27 = vector.load %arg3[%get3A_25, %get3A_26] : memref<1000x128xf32, #tpu.memory_space<vmem>>, vector<1000x128xf32>
    %add3A_28 = arith.addf %add3A_24, %get3A_27 : vector<1000x128xf32>
    %ge3A_29 = arith.constant 0.000000e+00 : f32
    %ge3A_30 = vector.broadcast %ge3A_29 : f32 to vector<1000x128xf32>
    %ge3A_31 = arith.cmpf oge, %add3A_28, %ge3A_30 : vector<1000x128xf32>
    %mul3A_32 = arith.constant 0.00999999977 : f32
    %mul3A_33 = vector.broadcast %mul3A_32 : f32 to vector<1000x128xf32>
    %mul3A_34 = arith.mulf %add3A_28, %mul3A_33 : vector<1000x128xf32>
    %select_n3A_35 = arith.select %ge3A_31, %add3A_28, %mul3A_34 : vector<1000x128xi1>, vector<1000x128xf32>
    %get3A_36 = arith.constant 0 : index
    %get3A_37 = arith.constant 0 : index
    %get3A_38 = vector.load %arg7[%get3A_36, %get3A_37] : memref<128x128xf32, #tpu.memory_space<vmem>>, vector<128x128xf32>
    %dot_general3A_39 = arith.constant dense<0.000000e+00> : vector<1000x128xf32>
    %dot_general3A_40 = tpu.matmul %select_n3A, %get3A_38, %dot_general3A_39 {dimension_numbers = #tpu.dot_dimension_numbers<[1], [1], [0], [0], [0, 0, 1, 0], [], []>, transpose_lhs_hint = false} : vector<1000x128xf32>, vector<128x128xf32>, vector<1000x128xf32> -> vector<1000x128xf32>
    %get3A_41 = arith.constant 0 : index
    %get3A_42 = arith.constant 0 : index
    %get3A_43 = vector.load %arg8[%get3A_41, %get3A_42] : memref<1x128xf32, #tpu.memory_space<vmem>>, vector<1x128xf32>
    %add3A_44 = vector.broadcast %get3A_43 : vector<1x128xf32> to vector<1000x128xf32>
    %add3A_45 = arith.addf %dot_general3A_40, %add3A_44 : vector<1000x128xf32>
    %add3A_46 = arith.addf %add3A_45, %select_n3A_35 : vector<1000x128xf32>
    %ge3A_47 = arith.constant 0.000000e+00 : f32
    %ge3A_48 = vector.broadcast %ge3A_47 : f32 to vector<1000x128xf32>
    %ge3A_49 = arith.cmpf oge, %add3A_46, %ge3A_48 : vector<1000x128xf32>
    %mul3A_50 = arith.constant 0.00999999977 : f32
    %mul3A_51 = vector.broadcast %mul3A_50 : f32 to vector<1000x128xf32>
    %mul3A_52 = arith.mulf %add3A_46, %mul3A_51 : vector<1000x128xf32>
    %select_n3A_53 = arith.select %ge3A_49, %add3A_46, %mul3A_52 : vector<1000x128xi1>, vector<1000x128xf32>
    %swap3A = arith.constant 0 : index
    %swap3A_54 = arith.constant 0 : index
    %swap3A_55 = vector.load %arg9[%swap3A, %swap3A_54] : memref<1000x128xf32, #tpu.memory_space<vmem>>, vector<1000x128xf32>
    tpu.vector_store %arg9[%swap3A, %swap3A_54], %select_n3A_53 {strides = array<i32>} : memref<1000x128xf32, #tpu.memory_space<vmem>>, vector<1000x128xf32>,
    %mul3A_56 = arith.mulf %select_n3A_53, %get3A_1 : vector<1000x128xf32>
    %swap3A_57 = arith.constant 0 : index
    %swap3A_58 = arith.constant 0 : index
    %swap3A_59 = vector.load %arg10[%swap3A_57, %swap3A_58] : memref<1000x128xf32, #tpu.memory_space<vmem>>, vector<1000x128xf32>
    tpu.vector_store %arg10[%swap3A_57, %swap3A_58], %mul3A_56 {strides = array<i32>} : memref<1000x128xf32, #tpu.memory_space<vmem>>, vector<1000x128xf32>,
    return
  }
  func.func @transform_0(%arg0: i32) -> (i32, i32, i32) {
    %c0_i32 = arith.constant 0 : i32
    %c0_i32_0 = arith.constant 0 : i32
    %c0_i32_1 = arith.constant 0 : i32
    return %c0_i32, %arg0, %c0_i32_0 : i32, i32, i32
  }
  func.func @transform_1(%arg0: i32) -> (i32, i32) {
    %c0_i32 = arith.constant 0 : i32
    %c0_i32_0 = arith.constant 0 : i32
    return %arg0, %c0_i32 : i32, i32
  }
  func.func @transform_2(%arg0: i32) -> (i32, i32) {
    %c0_i32 = arith.constant 0 : i32
    %c0_i32_0 = arith.constant 0 : i32
    return %arg0, %c0_i32 : i32, i32
  }
  func.func @transform_3(%arg0: i32) -> (i32, i32) {
    %c0_i32 = arith.constant 0 : i32
    %c0_i32_0 = arith.constant 0 : i32
    %c0_i32_1 = arith.constant 0 : i32
    return %c0_i32, %c0_i32_0 : i32, i32
  }
  func.func @transform_4(%arg0: i32) -> (i32, i32) {
    %c0_i32 = arith.constant 0 : i32
    %c0_i32_0 = arith.constant 0 : i32
    %c0_i32_1 = arith.constant 0 : i32
    return %c0_i32, %c0_i32_0 : i32, i32
  }
  func.func @transform_5(%arg0: i32) -> (i32, i32) {
    %c0_i32 = arith.constant 0 : i32
    %c0_i32_0 = arith.constant 0 : i32
    %c0_i32_1 = arith.constant 0 : i32
    return %c0_i32, %c0_i32_0 : i32, i32
  }
  func.func @transform_6(%arg0: i32) -> (i32, i32) {
    %c0_i32 = arith.constant 0 : i32
    %c0_i32_0 = arith.constant 0 : i32
    %c0_i32_1 = arith.constant 0 : i32
    return %c0_i32, %c0_i32_0 : i32, i32
  }
  func.func @transform_7(%arg0: i32) -> (i32, i32) {
    %c0_i32 = arith.constant 0 : i32
    %c0_i32_0 = arith.constant 0 : i32
    %c0_i32_1 = arith.constant 0 : i32
    return %c0_i32, %c0_i32_0 : i32, i32
  }
  func.func @transform_8(%arg0: i32) -> (i32, i32) {
    %c0_i32 = arith.constant 0 : i32
    %c0_i32_0 = arith.constant 0 : i32
    return %arg0, %c0_i32 : i32, i32
  }
  func.func @transform_9(%arg0: i32) -> (i32, i32) {
    %c0_i32 = arith.constant 0 : i32
    %c0_i32_0 = arith.constant 0 : i32
    return %arg0, %c0_i32 : i32, i32
  }
}

</mosaic_0001>

<sc_bundles>
// kernel: kernel.11.cloned.1.call-start
scs
__scs_entry_jumppad:
0x0: {  	(pc) =	sbr.rel $0x88, $3  }
0x1: {  	(tag) =	ssettag $0x0;
	lr =	simm.s32 $0x1  }
0x2: {  	[smem:$0x3F8C] =	sst lr;
	_ =	strace $0xD0000000  }
0x3: {  	_ = 	snop  }
0x4: {  	_ = 	snop  }
0x5: {  	_ = 	snop  }
0x6: {  	_ = 	snop  }
0x7: {  	_ = 	snop  }
__scs_overlays_trampoline_lowered:
0x8: {  	[smem:$0x3F9B] =	sst s0  }
0x9: {  	[smem:$0x3F9C] =	sst s1  }
0xa: {  	[smem:$0x3F9D] =	sst s2  }
0xb: {  	[smem:$0x3F9E] =	sst s3  }
0xc: {  	[smem:$0x3F9F] =	sst s4  }
0xd: {  	[smem:$0x3FA0] =	sst s5  }
0xe: {  	[smem:$0x3FA1] =	sst s6  }
0xf: {  	[smem:$0x3FA2] =	sst s7  }
0x10: {  	[smem:$0x3FA3] =	sst s8  }
0x11: {  	[smem:$0x3FA4] =	sst s9;
	s0 =	simm.s32 @!p0 $0x0  }
0x12: {  	s1 =	sld [smem:$0x3F8A];
	s0 =	simm.s32 @p0 $0x1  }
0x13: {  	[smem:$0x3FA5] =	sst s0;
	s0 =	simm.s32 @!p1 $0x0  }
0x14: {  	s2 =	sld [smem:$0x3F89];
	s0 =	simm.s32 @p1 $0x1  }
0x15: {  	[smem:$0x3FA6] =	sst s0;
	s0 =	simm.s32 @!p2 $0x0  }
0x16: {  	s3 =	sld [smem:$0x3FDB];
	s0 =	simm.s32 @p2 $0x1  }
0x17: {  	s4 =	simm.s32 $0x1BF5;
	[smem:$0x3FA8] =	sst s0  }
0x18: {  	s0 =	sld [smem:$0x3F8B];
	_ =	swait.ge [sflag:s4], $0x0  }
0x19: {  	s7 =	sld [smem:$0x3F8C]  }
0x1a: {  	s8 =	sadd.s32 $0xFFFFE003, lr  }
0x1b: {  	s9 =	sadd.s32 $0xFFFFFEF7, lr;
	s5 =	simm.s32 $0xFFFFFFFF;
	p2 =	slt.u32 s8, $0xFFFFF086  }
0x1c: {  	p1 =	slt.u32 s9, $0xF7A;
	s5 =	simm.s32 @!p2 $0x0  }
0x1d: {  	s5 =	simm.s32 @p1 $0x1;
	p0 =	seq.s32 s7, s2  }
0x1e: {  	s7 =	smul.u32 @!p0 $0xF7A, s2;
	p2 =	seq.s32 @!p0 s5, $0x0  }
0x1f: {  	s9 =	smul.u32 $0xF7A, s1;
	s8 =	simm.s32 @!p0 $0x1BF5;
	p2 =	por !p2, p0  }
0x20: {  	[sflag:s8] =	ssyncset.s32 @!p0 $0xFFFFF086;
	s6 =	sadd.s32 @!p0 s3, s7;
	s7 =	simm.s32 @!p0 $0x108  }
0x21: {  	s3 =	sadd.s32 s3, s9;
	s6 =	sadd.s32 @!p0 $0x88, s6;
	s7 =	simm.s32 @p2 $0x1082  }
0x22: {  	[simem:s7], [sflag:s8] =	dma.local @!p0 [hbm:s6], $0xF7A  }
0x23: {  	s9 =	sor.u32 $0xD0000000, s2;
	s6 =	simm.s32 $0x108;
	_ =	swait.ge @!p0 [sflag:s8], $0x0  }
0x24: {  	s3 =	sadd.s32 $0x88, s3;
	s6 =	simm.s32 @!p1 $0x1082;
	[sflag:s4] =	ssyncset.s32 $0xFFFFF086  }
0x25: {  	[simem:s6], [sflag:s4] =	dma.local [hbm:s3], $0xF7A  }
0x26: {  	[smem:$0x3F8C] =	sst s1;
	(tag) =	ssettag s2;
	_ =	strace s9  }
0x27: {  	s1 =	sld [smem:$0x3F9C]  }
0x28: {  	s2 =	sld [smem:$0x3F9D]  }
0x29: {  	s4 =	sld [smem:$0x3F9F]  }
0x2a: {  	p0 =	seq.s32 s5, $0x0;
	s5 =	sld [smem:$0x3FA0]  }
0x2b: {  	s6 =	sld [smem:$0x3FA1]  }
0x2c: {  	s7 =	sld [smem:$0x3FA2]  }
0x2d: {  	s3 =	simm.s32 $0x108;
	s8 =	sld [smem:$0x3FA3]  }
0x2e: {  	s3 =	simm.s32 @!p0 $0x1082;
	s9 =	sld [smem:$0x3FA4]  }
0x2f: {  	lr =	sadd.s32 s0, s3;
	s0 =	sld [smem:$0x3F9B]  }
0x30: {  	s3 =	sld [smem:$0x3F9E]  }
0x31: {  	[smem:$0x3FA7] =	sst s10  }
0x32: {  	s10 =	sld [smem:$0x3FA5];
	_ =	sdelay $0x3  }
0x33: {  	p0 =	seq.s32 s10, $0x1;
	s10 =	sld [smem:$0x3FA7];
	_ =	sdelay $0x3  }
0x34: {  	[smem:$0x3FA7] =	sst s10  }
0x35: {  	s10 =	sld [smem:$0x3FA6];
	_ =	sdelay $0x3  }
0x36: {  	p1 =	seq.s32 s10, $0x1;
	s10 =	sld [smem:$0x3FA7];
	_ =	sdelay $0x3  }
0x37: {  	[smem:$0x3FA7] =	sst s10  }
0x38: {  	s10 =	sld [smem:$0x3FA8]  }
0x39: {  	_ = 	snop;
	(pc) =	sbr.ind lr, $3  }
0x3a: {  	_ = 	snop  }
0x3b: {  	_ = 	snop  }
0x3c: {  	p2 =	seq.s32 s10, $0x1;
	s10 =	sld [smem:$0x3FA7]  }
0x3d: {  	_ =	shalt  }
0x3e: {  	_ =	shalt  }
0x3f: {  	_ =	shalt  }
0x40: {  	_ =	shalt  }
0x41: {  	_ =	shalt  }
0x42: {  	_ =	shalt  }
0x43: {  	_ =	shalt  }
0x44: {  	_ =	shalt  }
0x45: {  	_ =	shalt  }
0x46: {  	_ =	shalt  }
0x47: {  	_ =	shalt  }
0x48: {  	_ =	shalt  }
0x49: {  	_ =	shalt  }
0x4a: {  	_ =	shalt  }
0x4b: {  	_ =	shalt  }
0x4c: {  	_ =	shalt  }
0x4d: {  	_ =	shalt  }
0x4e: {  	_ =	shalt  }
0x4f: {  	_ =	shalt  }
0x50: {  	_ =	shalt  }
0x51: {  	_ =	shalt  }
0x52: {  	_ =	shalt  }
0x53: {  	_ =	shalt  }
0x54: {  	_ =	shalt  }
0x55: {  	_ =	shalt  }
0x56: {  	_ =	shalt  }
0x57: {  	_ =	shalt  }
0x58: {  	_ =	shalt  }
0x59: {  	_ =	shalt  }
0x5a: {  	_ =	shalt  }
0x5b: {  	_ =	shalt  }
0x5c: {  	_ =	shalt  }
0x5d: {  	_ =	shalt  }
0x5e: {  	_ =	shalt  }
0x5f: {  	_ =	shalt  }
0x60: {  	_ =	shalt  }
0x61: {  	_ =	shalt  }
0x62: {  	_ =	shalt  }
0x63: {  	_ =	shalt  }
0x64: {  	_ =	shalt  }
0x65: {  	_ =	shalt  }
0x66: {  	_ =	shalt  }
0x67: {  	_ =	shalt  }
0x68: {  	_ =	shalt  }
0x69: {  	_ =	shalt  }
0x6a: {  	_ =	shalt  }
0x6b: {  	_ =	shalt  }
0x6c: {  	_ =	shalt  }
0x6d: {  	_ =	shalt  }
0x6e: {  	_ =	shalt  }
0x6f: {  	_ =	shalt  }
0x70: {  	_ =	shalt  }
0x71: {  	_ =	shalt  }
0x72: {  	_ =	shalt  }
0x73: {  	_ =	shalt  }
0x74: {  	_ =	shalt  }
0x75: {  	_ =	shalt  }
0x76: {  	_ =	shalt  }
0x77: {  	_ =	shalt  }
0x78: {  	_ =	shalt  }
0x79: {  	_ =	shalt  }
0x7a: {  	_ =	shalt  }
0x7b: {  	_ =	shalt  }
0x7c: {  	_ =	shalt  }
0x7d: {  	_ =	shalt  }
0x7e: {  	_ =	shalt  }
0x7f: {  	_ =	shalt  }
0x80: {  	_ =	shalt  }
0x81: {  	_ =	shalt  }
0x82: {  	_ =	shalt  }
0x83: {  	_ =	shalt  }
0x84: {  	_ =	shalt  }
0x85: {  	_ =	shalt  }
0x86: {  	_ =	shalt  }
0x87: {  	_ =	shalt  }
.Lfunc_end0:
.L_simem_size_0:
called_computation_lowered:
.L_overlay_start_0:
0x88: {  	s2 =	sld [smem:$0x3FD9]  }
0x89: {  	s3 =	sld [smem:$0x3FFE];
	_ =	sdelay $0x1  }
0x8a: {  	s1 =	srdreg.scid  }
0x8b: {  	s0 =	sand.u32 $0x1, s1  }
0x8c: {  	s14 =	sshll.u32 s0, $0xA;
	s2 =	sadd.s32 s3, s2  }
0x8d: {  	s2 =	sadd.s32 s2, s14  }
0x8e: {  	[smem:$0x3FB3] =	sst s2  }
0x8f: {  	_ = 	snop  }
0x90: {  	s2 =	sld [smem:$0x3FD0];
	_ =	sdelay $0x2  }
0x91: {  	s15 =	simm.s32 $0xA;
	s4 =	simm.s32 $0x10  }
0x92: {  	[smem:s4], [sflag:s15] =	dma.local [hbm:s2], $0x1  }
0x93: {  	_ =	swait.eq [sflag:s15], $0x1  }
0x94: {  	[sflag:s15] =	ssyncset.done $0x0  }
0x95: {  	[sflag:s15] =	ssyncadd.s32 $0xFFFFFFFF  }
0x96: {  	s16 =	sld [smem:$0x11];
	(tm) =	ssettm $0x1  }
0x97: {  	s17 =	sld [smem:$0x3FFB];
	_ =	sdelay $0x3  }
0x98: {  	_ =	strace s17  }
0x99: {  	s3 =	sld [smem:$0x3FFC];
	_ =	sdelay $0x3  }
0x9a: {  	_ =	strace s3  }
0x9b: {  	s3 =	sld [smem:$0x3FFD];
	_ =	sdelay $0x3  }
0x9c: {  	_ =	strace s3  }
0x9d: {  	_ =	strace $0x8FFFFFFF  }
0x9e: {  	s18 =	sld [smem:$0x3FDB];
	_ =	sdelay $0x1  }
0x9f: {  	s19 =	simm.s32 $_scs_section_size  }
0xa0: {  	s5 =	simm.s32 $_size__tile_overlayer_lowered;
	s6 =	simm.s32 $_tile_overlayer_lowered  }
0xa1: {  	s22 =	simm.s32 $0x1BFF;
	s21 =	sshll.u32 s6, $0x1;
	s3 =	sadd.s32 s19, s18  }
0xa2: {  	s7 =	simm.s32 $0x0;
	s20 =	sshll.u32 s5, $0x1;
	s5 =	sadd.s32 s21, s3  }
0xa3: {  	[timem:s7], [sflag:s22] =	dma.local [hbm:s5], s20  }
0xa4: {  	_ =	swait.ge [sflag:s22], s20  }
0xa5: {  	s4 =	ssub.s32 $0x0, s20;
	[sflag:s22] =	ssyncset.done $0x0  }
0xa6: {  	[sflag:s22] =	ssyncadd.s32 s4;
	_ =	sdelay $0x1  }
0xa7: {  	s23 =	simm.s32 $0x1B8B  }
0xa8: {  	_ =	swait.ge [sflag:s23], $0x1  }
0xa9: {  	[sflag:s23] =	ssyncset.done $0x0  }
0xaa: {  	s25 =	simm.s32 $0x1B8E;
	s24 =	sld [smem:$0x3FFE];
	[sflag:s23] =	ssyncadd.s32 $0xFFFFFFFF  }
0xab: {  	s26 =	simm.s32 $execute0_lowered;
	[smem:$0x3FD2] =	sst s25  }
0xac: {  	s5 =	sshll.u32 s26, $0x1;
	_ =	strace $0x80000046;
	[dreg:$0x1] =	wrdreg $0xFFFFFFFF  }
0xad: {  	s28 =	simm.s32 $_size_execute0_lowered;
	s3 =	sadd.s32 s3, s5;
	[dreg:$0x0] =	wrdreg $0x0  }
0xae: {  	s5 =	sshll.u32 s28, $0x1;
	[dreg:$0x2] =	wrdreg s3  }
0xaf: {  	[dreg:$0x3] =	wrdreg s5  }
0xb0: {  	[dreg:$0x4] =	wrdreg $0xC0  }
0xb1: {  	_ =	task [dreg:s7], $0x5FFFF  }
0xb2: {  	[dreg:$0x1] =	wrdreg $0xFFFFFFFF  }
0xb3: {  	[dreg:$0x0] =	wrdreg $0x60  }
0xb4: {  	[dreg:$0x2] =	wrdreg s24  }
0xb5: {  	[dreg:$0x3] =	wrdreg s16  }
0xb6: {  	[dreg:$0x4] =	wrdreg $0x68000  }
0xb7: {  	[dreg:$0x5] =	wrdreg $0x9  }
0xb8: {  	_ =	task.clear_ibuf [dreg:s7], $0x6FFFF;
	_ =	strace $0x90000046  }
0xb9: {  	s29 =	simm.s32 $0x9;
	_ =	strace $0x80000048  }
0xba: {  	_ =	swait.ge [sflag:s29], $0x1  }
0xbb: {  	[sflag:s29] =	ssyncadd.s32 $0xFFFFFFFF  }
0xbc: {  	_ =	strace $0x90000048  }
0xbd: {  	_ =	sfence  }
0xbe: {  	s30 =	sld [smem:$0x0];
	_ =	sdelay $0x2  }
0xbf: {  	s31 =	sshll.u32 s1, $0xD;
	s1 =	sshrl.u32 s1, $0x2  }
0xc0: {  	s3 =	sand.u32 $0x4000, s31;
	s1 =	sadd.s32 s1, s30  }
0xc1: {  	s0 =	sor.u32 s3, s0;
	s1 =	sshll.u32 s1, $0x11  }
0xc2: {  	s0 =	sor.u32 s1, s0  }
0xc3: {  	s0 =	sadd.s32 $0x8F2B, s0  }
0xc4: {  	[sflag:s0] =	ssyncadd.remote.s32 $0x1  }
0xc5: {  	_ =	sfence.sel $0xFFFF  }
0xc6: {  	[dreg:$0x0] =	wrdreg $0xFFFFFFFF;
	(pc) =	sbr.abs _section_cstart, $3  }
0xc7: {  	[dreg:$0x1] =	wrdreg $0xFFFFFFFF  }
0xc8: {  	_ =	task.clear_ibuf [dreg:s7], $0x2FFFF;
	_ =	strace $0x9FFFFFFF  }
0xc9: {  	(tm) =	ssettm $0x7FFFFFFF  }
tec
execute0_lowered:
.L_overlay_start_1:
0x0: {  	(tag) =	ssettag $0x1  }
0x1: {  	s6 =	rddreg [dreg:$0x0]  }
0x2: {  	s1 =	rddreg [dreg:$0x1]  }
0x3: {  	s3 =	rddreg [dreg:$0x2];
	s2 =	srdreg.scid  }
0x4: {  	s0 =	rddreg [dreg:$0x3];
	s4 =	simm.s32 $0x0;
	s13 =	simm.s32 $0x80  }
0x5: {  	s14 =	simm.s32 $0x1;
	s7 =	sand.u32 $0x1, s2;
	s2 =	stileid.u32  }
0x6: {  	s15 =	simm.s32 $0x0;
	[smem:$0x7FF] =	sst s4;
	s8 =	smul.u32 $0x140000, s7  }
0x7: {  	s5 =	sshll.u32 s7, $0x4;
	s9 =	smul.u32 $0x14000, s2;
	_ =	strace $0x80000047  }
0x8: {  	s10 =	smul.u32 $0x50000, s2;
	s31 =	ssub.s32 $0x2, s7;
	s5 =	sor.u32 s2, s5  }
0x9: {  	s11 =	sshll.u32 s2, $0x6;
	s7 =	sshrl.u32 s31, $0x1;
	s5 =	smul.u32 $0x500, s5  }
0xa: {  	s8 =	sadd.s32 s9, s8;
	s10 =	sshrl.u32 s10, $0x2;
	s12 =	ssub.s32 s31, s7  }
0xb: {  	s8 =	sshrl.u32 s8, $0x3;
	s10 =	sadd.s32 s10, s3;
	s9 =	smax.u32 s12, $0x1  }
0xc: {  	s12 =	simm.s32 $0x2800;
	s30 =	sadd.s32 s5, s6;
	s5 =	sadd.s32 $0xE600, s6  }
0xd: {  	s8 =	sadd.s32 s8, s6;
	s6 =	sor.u32 $0x1C02, s11;
	s10 =	sshrl.u32 s10, $0x3  }
0xe: {  	s11 =	simm.s32 $0x2;
	s7 =	sadd.s32 $0x4600, s30;
	s8 =	sadd.s32 $0xEE00, s8  }
.LBB2_1:
0xf: {  	[spmem:s10], [sflag:s6] =	dma.local [hbm:s1], $0x2800  }
0x10: {  	_ =	swait.ge [sflag:s11], $0x2800  }
0x11: {  	[sflag:s11] =	ssyncset.done $0x0  }
0x12: {  	[sflag:s11] =	ssyncadd.s32 $0xFFFFD800  }
0x13: {  	[tilespmem:s4], [sflag:$0x2] =	stream.linear.gather [hbm4b:s7+s4], $0x2800, $0x38;
	[tilespmem:$0x1A800] =	vst v63  }
0x14: {  	_ =	swait.ge [sflag:s11], $0x2800  }
0x15: {  	[sflag:s11] =	ssyncset.done $0x0  }
0x16: {  	[sflag:s11] =	ssyncadd.s32 $0xFFFFD800  }
0x17: {  	[tilespmem:s12], [sflag:$0x2] =	stream.linear.gather [hbm4b:s5+s4], $0x4000, $0x38;
	[tilespmem:$0x1A800] =	vst v63  }
0x18: {  	_ =	swait.ge [sflag:s11], $0x4000  }
0x19: {  	[sflag:s11] =	ssyncset.done $0x0  }
0x1a: {  	[sflag:s11] =	ssyncadd.s32 $0xFFFFC000  }
0x1b: {  	s16 =	simm.s32 $0x0;
	[bflag:$0x0] =	sbarrier.arrive $0xFFFF  }
0x1c: {  	[spmem:s3] =	stream.indirect.scatter.add.f32 [tilespmem:s12], [sflag:$0x1], $0x80, s16, s13, $0xb8;
	[tilespmem:$0x1A800] =	vst v63  }
0x1d: {  	s24 =	simm.s32 $0x80  }
0x1e: {  	[spmem:s3] =	stream.indirect.scatter.add.f32 [tilespmem:s12], [sflag:$0x1], $0x80, s24, s13, $0xb8;
	[tilespmem:$0x1A800] =	vst v63  }
0x1f: {  	s25 =	simm.s32 $0x100  }
0x20: {  	[spmem:s3] =	stream.indirect.scatter.add.f32 [tilespmem:s12], [sflag:$0x1], $0x80, s25, s13, $0xb8;
	[tilespmem:$0x1A800] =	vst v63  }
0x21: {  	s26 =	simm.s32 $0x180  }
0x22: {  	[spmem:s3] =	stream.indirect.scatter.add.f32 [tilespmem:s12], [sflag:$0x1], $0x80, s26, s13, $0xb8;
	[tilespmem:$0x1A800] =	vst v63  }
0x23: {  	s28 =	simm.s32 $0x200  }
0x24: {  	[spmem:s3] =	stream.indirect.scatter.add.f32 [tilespmem:s12], [sflag:$0x1], $0x80, s28, s13, $0xb8;
	[tilespmem:$0x1A800] =	vst v63  }
0x25: {  	s29 =	simm.s32 $0x280  }
0x26: {  	[spmem:s3] =	stream.indirect.scatter.add.f32 [tilespmem:s12], [sflag:$0x1], $0x80, s29, s13, $0xb8;
	[tilespmem:$0x1A800] =	vst v63  }
0x27: {  	s30 =	simm.s32 $0x300  }
0x28: {  	[spmem:s3] =	stream.indirect.scatter.add.f32 [tilespmem:s12], [sflag:$0x1], $0x80, s30, s13, $0xb8;
	[tilespmem:$0x1A800] =	vst v63  }
0x29: {  	s31 =	simm.s32 $0x380  }
0x2a: {  	[spmem:s3] =	stream.indirect.scatter.add.f32 [tilespmem:s12], [sflag:$0x1], $0x80, s31, s13, $0xb8;
	[tilespmem:$0x1A800] =	vst v63  }
0x2b: {  	_ =	swait.ge [sflag:s14], $0x4000  }
0x2c: {  	[sflag:s14] =	ssyncset.done $0x0  }
0x2d: {  	[sflag:s14] =	ssyncadd.s32 $0xFFFFC000  }
0x2e: {  	_ =	swait.ge [sflag:s14], $0x4000  }
0x2f: {  	[sflag:s14] =	ssyncset.done $0x0  }
0x30: {  	[sflag:s14] =	ssyncadd.s32 $0xFFFFC000  }
0x31: {  	_ =	swait.ge [sflag:s14], $0x4000  }
0x32: {  	[sflag:s14] =	ssyncset.done $0x0  }
0x33: {  	[sflag:s14] =	ssyncadd.s32 $0xFFFFC000  }
0x34: {  	_ =	swait.ge [sflag:s14], $0x4000  }
0x35: {  	[sflag:s14] =	ssyncset.done $0x0  }
0x36: {  	[sflag:s14] =	ssyncadd.s32 $0xFFFFC000  }
0x37: {  	_ =	swait.ge [sflag:s14], $0x4000  }
0x38: {  	[sflag:s14] =	ssyncset.done $0x0  }
0x39: {  	[sflag:s14] =	ssyncadd.s32 $0xFFFFC000  }
0x3a: {  	_ =	swait.ge [sflag:s14], $0x4000  }
0x3b: {  	[sflag:s14] =	ssyncset.done $0x0  }
0x3c: {  	[sflag:s14] =	ssyncadd.s32 $0xFFFFC000  }
0x3d: {  	_ =	swait.ge [sflag:s14], $0x4000  }
0x3e: {  	[sflag:s14] =	ssyncset.done $0x0  }
0x3f: {  	[sflag:s14] =	ssyncadd.s32 $0xFFFFC000  }
0x40: {  	_ =	swait.ge [sflag:s14], $0x4000  }
0x41: {  	s18 =	simm.s32 $0x2000;
	s16 =	simm.s32 $0x1000;
	[sflag:s14] =	ssyncset.done $0x0  }
.LBB2_2:
0x42: {  	s19 =	sshra.s32 s16, $0x2  }
0x43: {  	[sflag:s14] =	ssyncadd.s32 $0xFFFFC000;
	s16 =	smov.u32 s18;
	s17 =	sadd.s32 $0x1000, s18  }
0x44: {  	[spmem:s3] =	stream.indirect.scatter.add.f32 [tilespmem:s12], [sflag:$0x1], $0x80, s19, s13, $0xb8;
	[tilespmem:$0x1A800] =	vst v63  }
0x45: {  	p0 =	sne.s32 s18, $0x9000;
	s18 =	sadd.s32 $0x80, s19  }
0x46: {  	[spmem:s3] =	stream.indirect.scatter.add.f32 [tilespmem:s12], [sflag:$0x1], $0x80, s18, s13, $0xb8;
	[tilespmem:$0x1A800] =	vst v63  }
0x47: {  	s18 =	sadd.s32 $0x100, s19  }
0x48: {  	[spmem:s3] =	stream.indirect.scatter.add.f32 [tilespmem:s12], [sflag:$0x1], $0x80, s18, s13, $0xb8;
	[tilespmem:$0x1A800] =	vst v63  }
0x49: {  	s18 =	sadd.s32 $0x180, s19  }
0x4a: {  	[spmem:s3] =	stream.indirect.scatter.add.f32 [tilespmem:s12], [sflag:$0x1], $0x80, s18, s13, $0xb8;
	[tilespmem:$0x1A800] =	vst v63  }
0x4b: {  	s18 =	sadd.s32 $0x200, s19  }
0x4c: {  	[spmem:s3] =	stream.indirect.scatter.add.f32 [tilespmem:s12], [sflag:$0x1], $0x80, s18, s13, $0xb8;
	[tilespmem:$0x1A800] =	vst v63  }
0x4d: {  	s18 =	sadd.s32 $0x280, s19  }
0x4e: {  	[spmem:s3] =	stream.indirect.scatter.add.f32 [tilespmem:s12], [sflag:$0x1], $0x80, s18, s13, $0xb8;
	[tilespmem:$0x1A800] =	vst v63  }
0x4f: {  	s18 =	sadd.s32 $0x300, s19  }
0x50: {  	[spmem:s3] =	stream.indirect.scatter.add.f32 [tilespmem:s12], [sflag:$0x1], $0x80, s18, s13, $0xb8;
	[tilespmem:$0x1A800] =	vst v63  }
0x51: {  	s18 =	sadd.s32 $0x380, s19  }
0x52: {  	[spmem:s3] =	stream.indirect.scatter.add.f32 [tilespmem:s12], [sflag:$0x1], $0x80, s18, s13, $0xb8;
	[tilespmem:$0x1A800] =	vst v63  }
0x53: {  	_ =	swait.ge [sflag:s14], $0x4000  }
0x54: {  	[sflag:s14] =	ssyncset.done $0x0  }
0x55: {  	[sflag:s14] =	ssyncadd.s32 $0xFFFFC000  }
0x56: {  	_ =	swait.ge [sflag:s14], $0x4000  }
0x57: {  	[sflag:s14] =	ssyncset.done $0x0  }
0x58: {  	[sflag:s14] =	ssyncadd.s32 $0xFFFFC000  }
0x59: {  	_ =	swait.ge [sflag:s14], $0x4000  }
0x5a: {  	[sflag:s14] =	ssyncset.done $0x0  }
0x5b: {  	[sflag:s14] =	ssyncadd.s32 $0xFFFFC000  }
0x5c: {  	_ =	swait.ge [sflag:s14], $0x4000  }
0x5d: {  	[sflag:s14] =	ssyncset.done $0x0  }
0x5e: {  	[sflag:s14] =	ssyncadd.s32 $0xFFFFC000  }
0x5f: {  	_ =	swait.ge [sflag:s14], $0x4000  }
0x60: {  	[sflag:s14] =	ssyncset.done $0x0  }
0x61: {  	[sflag:s14] =	ssyncadd.s32 $0xFFFFC000  }
0x62: {  	_ =	swait.ge [sflag:s14], $0x4000  }
0x63: {  	[sflag:s14] =	ssyncset.done $0x0  }
0x64: {  	[sflag:s14] =	ssyncadd.s32 $0xFFFFC000  }
.Ltmp0:
0x65: {  	_ =	swait.ge [sflag:s14], $0x4000;
	(pc) =	sbr.rel @p0 .LBB2_2-.Ltmp0, $4  }
0x66: {  	[sflag:s14] =	ssyncset.done $0x0  }
0x67: {  	[sflag:s14] =	ssyncadd.s32 $0xFFFFC000  }
0x68: {  	_ =	swait.ge [sflag:s14], $0x4000  }
0x69: {  	s18 =	smov.u32 s17;
	[sflag:s14] =	ssyncset.done $0x0  }
0x6a: {  	s16 =	sshra.s32 s16, $0x2;
	[sflag:s14] =	ssyncadd.s32 $0xFFFFC000  }
0x6b: {  	[spmem:s3] =	stream.indirect.scatter.add.f32 [tilespmem:s12], [sflag:$0x1], $0x80, s16, s13, $0xb8;
	[tilespmem:$0x1A800] =	vst v63  }
0x6c: {  	s17 =	sadd.s32 $0x80, s16  }
0x6d: {  	[spmem:s3] =	stream.indirect.scatter.add.f32 [tilespmem:s12], [sflag:$0x1], $0x80, s17, s13, $0xb8;
	[tilespmem:$0x1A800] =	vst v63  }
0x6e: {  	s26 =	sadd.s32 $0x100, s16  }
0x6f: {  	[spmem:s3] =	stream.indirect.scatter.add.f32 [tilespmem:s12], [sflag:$0x1], $0x80, s26, s13, $0xb8;
	[tilespmem:$0x1A800] =	vst v63  }
0x70: {  	s28 =	sadd.s32 $0x180, s16  }
0x71: {  	[spmem:s3] =	stream.indirect.scatter.add.f32 [tilespmem:s12], [sflag:$0x1], $0x80, s28, s13, $0xb8;
	[tilespmem:$0x1A800] =	vst v63  }
0x72: {  	s29 =	sadd.s32 $0x200, s16  }
0x73: {  	[spmem:s3] =	stream.indirect.scatter.add.f32 [tilespmem:s12], [sflag:$0x1], $0x80, s29, s13, $0xb8;
	[tilespmem:$0x1A800] =	vst v63  }
0x74: {  	s30 =	sadd.s32 $0x280, s16  }
0x75: {  	[spmem:s3] =	stream.indirect.scatter.add.f32 [tilespmem:s12], [sflag:$0x1], $0x80, s30, s13, $0xb8;
	[tilespmem:$0x1A800] =	vst v63  }
0x76: {  	s31 =	sadd.s32 $0x300, s16  }
0x77: {  	[spmem:s3] =	stream.indirect.scatter.add.f32 [tilespmem:s12], [sflag:$0x1], $0x80, s31, s13, $0xb8;
	[tilespmem:$0x1A800] =	vst v63  }
0x78: {  	s16 =	sadd.s32 $0x380, s16  }
0x79: {  	[spmem:s3] =	stream.indirect.scatter.add.f32 [tilespmem:s12], [sflag:$0x1], $0x80, s16, s13, $0xb8;
	[tilespmem:$0x1A800] =	vst v63  }
0x7a: {  	_ =	swait.ge [sflag:s14], $0x4000  }
0x7b: {  	[sflag:s14] =	ssyncset.done $0x0  }
0x7c: {  	[sflag:s14] =	ssyncadd.s32 $0xFFFFC000  }
0x7d: {  	_ =	swait.ge [sflag:s14], $0x4000  }
0x7e: {  	[sflag:s14] =	ssyncset.done $0x0  }
0x7f: {  	[sflag:s14] =	ssyncadd.s32 $0xFFFFC000  }
0x80: {  	_ =	swait.ge [sflag:s14], $0x4000  }
0x81: {  	[sflag:s14] =	ssyncset.done $0x0  }
0x82: {  	[sflag:s14] =	ssyncadd.s32 $0xFFFFC000  }
0x83: {  	_ =	swait.ge [sflag:s14], $0x4000  }
0x84: {  	[sflag:s14] =	ssyncset.done $0x0  }
0x85: {  	[sflag:s14] =	ssyncadd.s32 $0xFFFFC000  }
0x86: {  	_ =	swait.ge [sflag:s14], $0x4000  }
0x87: {  	[sflag:s14] =	ssyncset.done $0x0  }
0x88: {  	[sflag:s14] =	ssyncadd.s32 $0xFFFFC000  }
0x89: {  	_ =	swait.ge [sflag:s14], $0x4000  }
0x8a: {  	[sflag:s14] =	ssyncset.done $0x0  }
0x8b: {  	[sflag:s14] =	ssyncadd.s32 $0xFFFFC000  }
0x8c: {  	_ =	swait.ge [sflag:s14], $0x4000  }
0x8d: {  	[sflag:s14] =	ssyncset.done $0x0  }
0x8e: {  	[sflag:s14] =	ssyncadd.s32 $0xFFFFC000  }
0x8f: {  	_ =	swait.ge [sflag:s14], $0x4000  }
0x90: {  	s15 =	sadd.s32 $0x1, s15;
	[sflag:s14] =	ssyncset.done $0x0  }
0x91: {  	p0 =	sne.s32 s15, s9;
	[sflag:s14] =	ssyncadd.s32 $0xFFFFC000  }
.Ltmp1:
0x92: {  	[bflag:$0x0] =	sbarrier.arrive $0xFFFF;
	(pc) =	sbr.rel @p0 .LBB2_1-.Ltmp1, $4  }
0x93: {  	[hbm:s8], [sflag:s6] =	dma.local [spmem:s10], $0x2800  }
0x94: {  	_ =	swait.ge [sflag:s11], $0x2800  }
0x95: {  	[sflag:s11] =	ssyncset.done $0x0  }
0x96: {  	[sflag:s11] =	ssyncadd.s32 $0xFFFFD800  }
0x97: {  	_ =	sfence.sel $0x180000  }
0x98: {  	[bflag:$0x0] =	sbarrier.arrive $0xFFFF  }
0x99: {  	p0 =	sne.s32 s2, $0x0;
	_ =	strace $0x90000047  }
0x9a: {  	s0 =	sadd.s32 @!p0 $0x100000, s0;
	[bflag:$0x2] =	sbarrier.arrive $0xFFFF  }
0x9b: {  	[sflag:s0] =	ssyncadd.tile.s32 @!p0 $0x1;
	_ =	shalt  }
.Lfunc_end2:
_tile_overlayer_lowered:
.L_overlay_start_2:
0x9c: {  	(tag) =	ssettag $0x2  }
0x9d: {  	s0 =	rddreg [dreg:$0x0];
	s2 =	stileid.u32  }
0x9e: {  	s1 =	rddreg [dreg:$0x1];
	p0 =	sne.s32 s2, $0x0  }
0x9f: {  	s3 =	rddreg [dreg:$0x2];
	[bflag:$0x3] =	sbarrier.arrive $0xFFFF;
	s2 =	simm.s32 @!p0 $0x1C02  }
0xa0: {  	[timem:s3], [sflag:s2] =	dma.local @!p0 [hbm:s0], s1  }
0xa1: {  	s0 =	simm.s32 @!p0 $0x2  }
0xa2: {  	_ =	swait.ge @!p0 [sflag:s0], s1  }
0xa3: {  	s1 =	ssub.s32 @!p0 $0x0, s1;
	[sflag:s0] =	ssyncset.done @!p0 $0x0  }
0xa4: {  	[sflag:s0] =	ssyncadd.s32 @!p0 s1  }
0xa5: {  	[bflag:$0x3] =	sbarrier.arrive $0xFFFF  }
0xa6: {  	_ =	shalt  }

// kernel: kernel.14.cloned.1.call-start
scs
__scs_entry_jumppad:
0x0: {  	(pc) =	sbr.rel $0x88, $3  }
0x1: {  	(tag) =	ssettag $0x0;
	lr =	simm.s32 $0x1  }
0x2: {  	[smem:$0x3F8C] =	sst lr;
	_ =	strace $0xD0000000  }
0x3: {  	_ = 	snop  }
0x4: {  	_ = 	snop  }
0x5: {  	_ = 	snop  }
0x6: {  	_ = 	snop  }
0x7: {  	_ = 	snop  }
__scs_overlays_trampoline_lowered:
0x8: {  	[smem:$0x3F9B] =	sst s0  }
0x9: {  	[smem:$0x3F9C] =	sst s1  }
0xa: {  	[smem:$0x3F9D] =	sst s2  }
0xb: {  	[smem:$0x3F9E] =	sst s3  }
0xc: {  	[smem:$0x3F9F] =	sst s4  }
0xd: {  	[smem:$0x3FA0] =	sst s5  }
0xe: {  	[smem:$0x3FA1] =	sst s6  }
0xf: {  	[smem:$0x3FA2] =	sst s7  }
0x10: {  	[smem:$0x3FA3] =	sst s8  }
0x11: {  	[smem:$0x3FA4] =	sst s9;
	s0 =	simm.s32 @!p0 $0x0  }
0x12: {  	s1 =	sld [smem:$0x3F8A];
	s0 =	simm.s32 @p0 $0x1  }
0x13: {  	[smem:$0x3FA5] =	sst s0;
	s0 =	simm.s32 @!p1 $0x0  }
0x14: {  	s2 =	sld [smem:$0x3F89];
	s0 =	simm.s32 @p1 $0x1  }
0x15: {  	[smem:$0x3FA6] =	sst s0;
	s0 =	simm.s32 @!p2 $0x0  }
0x16: {  	s3 =	sld [smem:$0x3FDB];
	s0 =	simm.s32 @p2 $0x1  }
0x17: {  	s4 =	simm.s32 $0x1BF5;
	[smem:$0x3FA8] =	sst s0  }
0x18: {  	s0 =	sld [smem:$0x3F8B];
	_ =	swait.ge [sflag:s4], $0x0  }
0x19: {  	s7 =	sld [smem:$0x3F8C]  }
0x1a: {  	s8 =	sadd.s32 $0xFFFFE003, lr  }
0x1b: {  	s9 =	sadd.s32 $0xFFFFFEF7, lr;
	s5 =	simm.s32 $0xFFFFFFFF;
	p2 =	slt.u32 s8, $0xFFFFF086  }
0x1c: {  	p1 =	slt.u32 s9, $0xF7A;
	s5 =	simm.s32 @!p2 $0x0  }
0x1d: {  	s5 =	simm.s32 @p1 $0x1;
	p0 =	seq.s32 s7, s2  }
0x1e: {  	s7 =	smul.u32 @!p0 $0xF7A, s2;
	p2 =	seq.s32 @!p0 s5, $0x0  }
0x1f: {  	s9 =	smul.u32 $0xF7A, s1;
	s8 =	simm.s32 @!p0 $0x1BF5;
	p2 =	por !p2, p0  }
0x20: {  	[sflag:s8] =	ssyncset.s32 @!p0 $0xFFFFF086;
	s6 =	sadd.s32 @!p0 s3, s7;
	s7 =	simm.s32 @!p0 $0x108  }
0x21: {  	s3 =	sadd.s32 s3, s9;
	s6 =	sadd.s32 @!p0 $0x88, s6;
	s7 =	simm.s32 @p2 $0x1082  }
0x22: {  	[simem:s7], [sflag:s8] =	dma.local @!p0 [hbm:s6], $0xF7A  }
0x23: {  	s9 =	sor.u32 $0xD0000000, s2;
	s6 =	simm.s32 $0x108;
	_ =	swait.ge @!p0 [sflag:s8], $0x0  }
0x24: {  	s3 =	sadd.s32 $0x88, s3;
	s6 =	simm.s32 @!p1 $0x1082;
	[sflag:s4] =	ssyncset.s32 $0xFFFFF086  }
0x25: {  	[simem:s6], [sflag:s4] =	dma.local [hbm:s3], $0xF7A  }
0x26: {  	[smem:$0x3F8C] =	sst s1;
	(tag) =	ssettag s2;
	_ =	strace s9  }
0x27: {  	s1 =	sld [smem:$0x3F9C]  }
0x28: {  	s2 =	sld [smem:$0x3F9D]  }
0x29: {  	s4 =	sld [smem:$0x3F9F]  }
0x2a: {  	p0 =	seq.s32 s5, $0x0;
	s5 =	sld [smem:$0x3FA0]  }
0x2b: {  	s6 =	sld [smem:$0x3FA1]  }
0x2c: {  	s7 =	sld [smem:$0x3FA2]  }
0x2d: {  	s3 =	simm.s32 $0x108;
	s8 =	sld [smem:$0x3FA3]  }
0x2e: {  	s3 =	simm.s32 @!p0 $0x1082;
	s9 =	sld [smem:$0x3FA4]  }
0x2f: {  	lr =	sadd.s32 s0, s3;
	s0 =	sld [smem:$0x3F9B]  }
0x30: {  	s3 =	sld [smem:$0x3F9E]  }
0x31: {  	[smem:$0x3FA7] =	sst s10  }
0x32: {  	s10 =	sld [smem:$0x3FA5];
	_ =	sdelay $0x3  }
0x33: {  	p0 =	seq.s32 s10, $0x1;
	s10 =	sld [smem:$0x3FA7];
	_ =	sdelay $0x3  }
0x34: {  	[smem:$0x3FA7] =	sst s10  }
0x35: {  	s10 =	sld [smem:$0x3FA6];
	_ =	sdelay $0x3  }
0x36: {  	p1 =	seq.s32 s10, $0x1;
	s10 =	sld [smem:$0x3FA7];
	_ =	sdelay $0x3  }
0x37: {  	[smem:$0x3FA7] =	sst s10  }
0x38: {  	s10 =	sld [smem:$0x3FA8]  }
0x39: {  	_ = 	snop;
	(pc) =	sbr.ind lr, $3  }
0x3a: {  	_ = 	snop  }
0x3b: {  	_ = 	snop  }
0x3c: {  	p2 =	seq.s32 s10, $0x1;
	s10 =	sld [smem:$0x3FA7]  }
0x3d: {  	_ =	shalt  }
0x3e: {  	_ =	shalt  }
0x3f: {  	_ =	shalt  }
0x40: {  	_ =	shalt  }
0x41: {  	_ =	shalt  }
0x42: {  	_ =	shalt  }
0x43: {  	_ =	shalt  }
0x44: {  	_ =	shalt  }
0x45: {  	_ =	shalt  }
0x46: {  	_ =	shalt  }
0x47: {  	_ =	shalt  }
0x48: {  	_ =	shalt  }
0x49: {  	_ =	shalt  }
0x4a: {  	_ =	shalt  }
0x4b: {  	_ =	shalt  }
0x4c: {  	_ =	shalt  }
0x4d: {  	_ =	shalt  }
0x4e: {  	_ =	shalt  }
0x4f: {  	_ =	shalt  }
0x50: {  	_ =	shalt  }
0x51: {  	_ =	shalt  }
0x52: {  	_ =	shalt  }
0x53: {  	_ =	shalt  }
0x54: {  	_ =	shalt  }
0x55: {  	_ =	shalt  }
0x56: {  	_ =	shalt  }
0x57: {  	_ =	shalt  }
0x58: {  	_ =	shalt  }
0x59: {  	_ =	shalt  }
0x5a: {  	_ =	shalt  }
0x5b: {  	_ =	shalt  }
0x5c: {  	_ =	shalt  }
0x5d: {  	_ =	shalt  }
0x5e: {  	_ =	shalt  }
0x5f: {  	_ =	shalt  }
0x60: {  	_ =	shalt  }
0x61: {  	_ =	shalt  }
0x62: {  	_ =	shalt  }
0x63: {  	_ =	shalt  }
0x64: {  	_ =	shalt  }
0x65: {  	_ =	shalt  }
0x66: {  	_ =	shalt  }
0x67: {  	_ =	shalt  }
0x68: {  	_ =	shalt  }
0x69: {  	_ =	shalt  }
0x6a: {  	_ =	shalt  }
0x6b: {  	_ =	shalt  }
0x6c: {  	_ =	shalt  }
0x6d: {  	_ =	shalt  }
0x6e: {  	_ =	shalt  }
0x6f: {  	_ =	shalt  }
0x70: {  	_ =	shalt  }
0x71: {  	_ =	shalt  }
0x72: {  	_ =	shalt  }
0x73: {  	_ =	shalt  }
0x74: {  	_ =	shalt  }
0x75: {  	_ =	shalt  }
0x76: {  	_ =	shalt  }
0x77: {  	_ =	shalt  }
0x78: {  	_ =	shalt  }
0x79: {  	_ =	shalt  }
0x7a: {  	_ =	shalt  }
0x7b: {  	_ =	shalt  }
0x7c: {  	_ =	shalt  }
0x7d: {  	_ =	shalt  }
0x7e: {  	_ =	shalt  }
0x7f: {  	_ =	shalt  }
0x80: {  	_ =	shalt  }
0x81: {  	_ =	shalt  }
0x82: {  	_ =	shalt  }
0x83: {  	_ =	shalt  }
0x84: {  	_ =	shalt  }
0x85: {  	_ =	shalt  }
0x86: {  	_ =	shalt  }
0x87: {  	_ =	shalt  }
.Lfunc_end0:
.L_simem_size_0:
called_computation.1_lowered:
.L_overlay_start_0:
0x88: {  	s2 =	sld [smem:$0x3FD9]  }
0x89: {  	s3 =	sld [smem:$0x3FFE];
	_ =	sdelay $0x1  }
0x8a: {  	s1 =	srdreg.scid  }
0x8b: {  	s0 =	sand.u32 $0x1, s1  }
0x8c: {  	s14 =	sshll.u32 s0, $0xA;
	s2 =	sadd.s32 s3, s2  }
0x8d: {  	s2 =	sadd.s32 s2, s14  }
0x8e: {  	[smem:$0x3FB3] =	sst s2  }
0x8f: {  	_ = 	snop  }
0x90: {  	s2 =	sld [smem:$0x3FD0];
	_ =	sdelay $0x2  }
0x91: {  	s15 =	simm.s32 $0xA;
	s4 =	simm.s32 $0x10  }
0x92: {  	[smem:s4], [sflag:s15] =	dma.local [hbm:s2], $0x1  }
0x93: {  	_ =	swait.eq [sflag:s15], $0x1  }
0x94: {  	[sflag:s15] =	ssyncset.done $0x0  }
0x95: {  	s16 =	sld [smem:$0x10];
	[sflag:s15] =	ssyncadd.s32 $0xFFFFFFFF  }
0x96: {  	s17 =	sld [smem:$0x11];
	(tm) =	ssettm $0x1  }
0x97: {  	s18 =	sld [smem:$0x3FFB];
	_ =	sdelay $0x3  }
0x98: {  	_ =	strace s18  }
0x99: {  	s4 =	sld [smem:$0x3FFC];
	_ =	sdelay $0x3  }
0x9a: {  	_ =	strace s4  }
0x9b: {  	s4 =	sld [smem:$0x3FFD];
	_ =	sdelay $0x3  }
0x9c: {  	_ =	strace s4  }
0x9d: {  	_ =	strace $0x8FFFFFFF  }
0x9e: {  	s19 =	sld [smem:$0x3FDB];
	_ =	sdelay $0x1  }
0x9f: {  	s5 =	simm.s32 $_scs_section_size  }
0xa0: {  	s6 =	simm.s32 $_size__tile_overlayer_lowered;
	s7 =	simm.s32 $_tile_overlayer_lowered  }
0xa1: {  	s22 =	simm.s32 $0x1BFF;
	s21 =	sshll.u32 s7, $0x1;
	s4 =	sadd.s32 s5, s19  }
0xa2: {  	s8 =	simm.s32 $0x0;
	s20 =	sshll.u32 s6, $0x1;
	s6 =	sadd.s32 s21, s4  }
0xa3: {  	[timem:s8], [sflag:s22] =	dma.local [hbm:s6], s20  }
0xa4: {  	_ =	swait.ge [sflag:s22], s20  }
0xa5: {  	s5 =	ssub.s32 $0x0, s20;
	[sflag:s22] =	ssyncset.done $0x0  }
0xa6: {  	[sflag:s22] =	ssyncadd.s32 s5;
	_ =	sdelay $0x1  }
0xa7: {  	s23 =	simm.s32 $0x1B8B  }
0xa8: {  	_ =	swait.ge [sflag:s23], $0x1  }
0xa9: {  	[sflag:s23] =	ssyncset.done $0x0  }
0xaa: {  	s25 =	simm.s32 $0x1B8E;
	s24 =	sld [smem:$0x3FFE];
	[sflag:s23] =	ssyncadd.s32 $0xFFFFFFFF  }
0xab: {  	s26 =	simm.s32 $execute0_lowered;
	[smem:$0x3FD2] =	sst s25  }
0xac: {  	s6 =	sshll.u32 s26, $0x1;
	_ =	strace $0x80000049;
	[dreg:$0x1] =	wrdreg $0xFFFFFFFF  }
0xad: {  	s28 =	simm.s32 $_size_execute0_lowered;
	s4 =	sadd.s32 s4, s6;
	[dreg:$0x0] =	wrdreg $0x0  }
0xae: {  	s6 =	sshll.u32 s28, $0x1;
	[dreg:$0x2] =	wrdreg s4  }
0xaf: {  	[dreg:$0x3] =	wrdreg s6  }
0xb0: {  	[dreg:$0x4] =	wrdreg $0xC0  }
0xb1: {  	_ =	task [dreg:s8], $0x5FFFF  }
0xb2: {  	[dreg:$0x1] =	wrdreg $0xFFFFFFFF  }
0xb3: {  	[dreg:$0x0] =	wrdreg $0x60  }
0xb4: {  	[dreg:$0x2] =	wrdreg s24  }
0xb5: {  	[dreg:$0x3] =	wrdreg s16  }
0xb6: {  	[dreg:$0x4] =	wrdreg s17  }
0xb7: {  	[dreg:$0x5] =	wrdreg $0xA8000  }
0xb8: {  	[dreg:$0x6] =	wrdreg $0x9  }
0xb9: {  	_ =	task.clear_ibuf [dreg:s8], $0x7FFFF;
	_ =	strace $0x90000049  }
0xba: {  	s29 =	simm.s32 $0x9;
	_ =	strace $0x8000004B  }
0xbb: {  	_ =	swait.ge [sflag:s29], $0x1  }
0xbc: {  	[sflag:s29] =	ssyncadd.s32 $0xFFFFFFFF  }
0xbd: {  	_ =	strace $0x9000004B  }
0xbe: {  	_ =	sfence  }
0xbf: {  	s30 =	sld [smem:$0x0];
	_ =	sdelay $0x2  }
0xc0: {  	s31 =	sshll.u32 s1, $0xD;
	s1 =	sshrl.u32 s1, $0x2  }
0xc1: {  	s3 =	sand.u32 $0x4000, s31;
	s1 =	sadd.s32 s1, s30  }
0xc2: {  	s0 =	sor.u32 s3, s0;
	s1 =	sshll.u32 s1, $0x11  }
0xc3: {  	s0 =	sor.u32 s1, s0  }
0xc4: {  	s0 =	sadd.s32 $0x8F2B, s0  }
0xc5: {  	[sflag:s0] =	ssyncadd.remote.s32 $0x1  }
0xc6: {  	_ =	sfence.sel $0xFFFF  }
0xc7: {  	[dreg:$0x0] =	wrdreg $0xFFFFFFFF;
	(pc) =	sbr.abs _section_cstart, $3  }
0xc8: {  	[dreg:$0x1] =	wrdreg $0xFFFFFFFF  }
0xc9: {  	_ =	task.clear_ibuf [dreg:s8], $0x2FFFF;
	_ =	strace $0x9FFFFFFF  }
0xca: {  	(tm) =	ssettm $0x7FFFFFFF  }
0xcb: {  	_ =	shalt  }
tec
execute0_lowered:
.L_overlay_start_1:
0x0: {  	(tag) =	ssettag $0x1  }
0x1: {  	s6 =	rddreg [dreg:$0x0]  }
0x2: {  	s11 =	rddreg [dreg:$0x1]  }
0x3: {  	s1 =	rddreg [dreg:$0x2]  }
0x4: {  	s2 =	rddreg [dreg:$0x3]  }
0x5: {  	s3 =	srdreg.scid;
	s0 =	rddreg [dreg:$0x4]  }
0x6: {  	s4 =	simm.s32 $0x0;
	s15 =	simm.s32 $0x1400;
	s16 =	simm.s32 $0x80  }
0x7: {  	s17 =	simm.s32 $0x2800;
	s18 =	simm.s32 $0x6800;
	s19 =	simm.s32 $0x1  }
0x8: {  	s20 =	simm.s32 $0x2;
	s21 =	simm.s32 $0x2700;
	s7 =	sand.u32 $0x1, s3  }
0x9: {  	s22 =	simm.s32 $0x2780;
	s3 =	stileid.u32;
	s8 =	smul.u32 $0x140000, s7  }
0xa: {  	s23 =	simm.s32 $0x0;
	[smem:$0x7FF] =	sst s4;
	s9 =	smul.u32 $0x14000, s3  }
0xb: {  	s5 =	sadd.s32 $0xE600, s6;
	s12 =	sadd.s32 $0x4600, s6;
	s10 =	smul.u32 $0x50000, s3  }
0xc: {  	_ =	strace $0x8000004A;
	s28 =	ssub.s32 $0x2, s7;
	s14 =	smul.u32 $0x500, s3  }
0xd: {  	p0 =	seq.s32 s7, $0x0;
	s30 =	sshll.u32 s3, $0x6;
	s13 =	sshrl.u32 s28, $0x1  }
0xe: {  	s8 =	sadd.s32 s9, s8;
	s9 =	ssub.s32 s28, s13;
	s29 =	sshrl.u32 s10, $0x2  }
0xf: {  	s10 =	sadd.s32 $0x5000, s14;
	s8 =	sshrl.u32 s8, $0x3;
	s31 =	sadd.s32 s29, s2  }
0x10: {  	s10 =	smov.u32 @p0 s14;
	s8 =	sadd.s32 s8, s6;
	s6 =	sor.u32 $0x1C03, s30  }
0x11: {  	s14 =	sadd.s32 $0x280, s10;
	s13 =	sshrl.u32 s31, $0x3;
	s7 =	sadd.s32 $0x36600, s8  }
0x12: {  	s8 =	smax.u32 s9, $0x1;
	s9 =	sadd.s32 s11, s10;
	s10 =	sadd.s32 s12, s10  }
0x13: {  	s11 =	sadd.s32 s11, s14;
	s12 =	sadd.s32 s12, s14;
	s14 =	simm.s32 $0x3  }
.LBB2_1:
0x14: {  	[spmem:s13], [sflag:s6] =	dma.local [hbm:s1], $0x2800  }
0x15: {  	_ =	swait.ge [sflag:s14], $0x2800  }
0x16: {  	[sflag:s14] =	ssyncset.done $0x0  }
0x17: {  	[sflag:s14] =	ssyncadd.s32 $0xFFFFD800  }
0x18: {  	[bflag:$0x0] =	sbarrier.arrive $0xFFFF  }
0x19: {  	[tilespmem:s4], [sflag:$0x3] =	stream.linear.gather [hbm4b:s9+s4], $0x1400, $0x38;
	[tilespmem:$0x1E800] =	vst v63  }
0x1a: {  	_ =	swait.ge [sflag:s14], $0x1400  }
0x1b: {  	[sflag:s14] =	ssyncset.done $0x0  }
0x1c: {  	[sflag:s14] =	ssyncadd.s32 $0xFFFFEC00  }
0x1d: {  	[tilespmem:s15], [sflag:$0x3] =	stream.linear.gather [hbm4b:s10+s4], $0x1400, $0x38;
	[tilespmem:$0x1E800] =	vst v63  }
0x1e: {  	_ =	swait.ge [sflag:s14], $0x1400  }
0x1f: {  	[sflag:s14] =	ssyncset.done $0x0  }
0x20: {  	[sflag:s14] =	ssyncadd.s32 $0xFFFFEC00  }
0x21: {  	[tilespmem:s17], [sflag:$0x1] =	stream.indirect.gather [hbm4b:s5+s16], $0x80, s4, s16, $0xb8;
	[tilespmem:$0x1E800] =	vst v63  }
0x22: {  	_ = 	snop  }
0x23: {  	[tilespmem:s18], [sflag:$0x2] =	stream.indirect.gather [hbm4b:s5+s16], $0x80, s16, s16, $0xb8;
	[tilespmem:$0x1E800] =	vst v63  }
0x24: {  	_ =	swait.ge [sflag:s19], $0x4000  }
0x25: {  	[sflag:s19] =	ssyncset.done $0x0  }
0x26: {  	s24 =	simm.s32 $0x1400;
	[sflag:s19] =	ssyncadd.s32 $0xFFFFC000  }
0x27: {  	[spmem:s2] =	stream.indirect.scatter.add.f32 [tilespmem:s17], [sflag:$0x3], $0x80, s24, s16, $0xb8;
	[tilespmem:$0x1E800] =	vst v63  }
0x28: {  	_ =	swait.ge [sflag:s14], $0x4000  }
0x29: {  	[sflag:s14] =	ssyncset.done $0x0  }
0x2a: {  	s30 =	simm.s32 $0x100;
	[sflag:s14] =	ssyncadd.s32 $0xFFFFC000  }
0x2b: {  	[tilespmem:s17], [sflag:$0x1] =	stream.indirect.gather [hbm4b:s5+s16], $0x80, s30, s16, $0xb8;
	[tilespmem:$0x1E800] =	vst v63  }
0x2c: {  	_ =	swait.ge [sflag:s20], $0x4000  }
0x2d: {  	[sflag:s20] =	ssyncset.done $0x0  }
0x2e: {  	s31 =	simm.s32 $0x1480;
	[sflag:s20] =	ssyncadd.s32 $0xFFFFC000  }
0x2f: {  	[spmem:s2] =	stream.indirect.scatter.add.f32 [tilespmem:s18], [sflag:$0x3], $0x80, s31, s16, $0xb8;
	[tilespmem:$0x1E800] =	vst v63  }
0x30: {  	_ =	swait.ge [sflag:s14], $0x4000  }
0x31: {  	[sflag:s14] =	ssyncset.done $0x0  }
0x32: {  	s25 =	simm.s32 $0x180;
	s24 =	simm.s32 $0x400;
	[sflag:s14] =	ssyncadd.s32 $0xFFFFC000  }
.LBB2_2:
0x33: {  	[tilespmem:s18], [sflag:$0x2] =	stream.indirect.gather [hbm4b:s5+s16], $0x80, s25, s16, $0xb8;
	[tilespmem:$0x1E800] =	vst v63  }
0x34: {  	s25 =	smov.u32 s24  }
0x35: {  	p0 =	sne.s32 s24, $0x4800;
	s24 =	sadd.s32 $0x400, s24;
	_ =	swait.ge [sflag:s19], $0x4000  }
0x36: {  	s25 =	sshra.s32 s25, $0x2;
	[sflag:s19] =	ssyncset.done $0x0  }
0x37: {  	s26 =	sadd.s32 $0x1400, s25;
	[sflag:s19] =	ssyncadd.s32 $0xFFFFC000  }
0x38: {  	[spmem:s2] =	stream.indirect.scatter.add.f32 [tilespmem:s17], [sflag:$0x3], $0x80, s26, s16, $0xb8;
	[tilespmem:$0x1E800] =	vst v63  }
0x39: {  	_ =	swait.ge [sflag:s14], $0x4000  }
0x3a: {  	[sflag:s14] =	ssyncset.done $0x0  }
0x3b: {  	s26 =	sadd.s32 $0x100, s25;
	[sflag:s14] =	ssyncadd.s32 $0xFFFFC000  }
0x3c: {  	[tilespmem:s17], [sflag:$0x1] =	stream.indirect.gather [hbm4b:s5+s16], $0x80, s26, s16, $0xb8;
	[tilespmem:$0x1E800] =	vst v63  }
0x3d: {  	_ =	swait.ge [sflag:s20], $0x4000  }
0x3e: {  	[sflag:s20] =	ssyncset.done $0x0  }
.Ltmp0:
0x3f: {  	s26 =	sadd.s32 $0x1480, s25;
	[sflag:s20] =	ssyncadd.s32 $0xFFFFC000;
	(pc) =	sbr.rel @p0 .LBB2_2-.Ltmp0, $4  }
0x40: {  	[spmem:s2] =	stream.indirect.scatter.add.f32 [tilespmem:s18], [sflag:$0x3], $0x80, s26, s16, $0xb8;
	[tilespmem:$0x1E800] =	vst v63  }
0x41: {  	_ =	swait.ge [sflag:s14], $0x4000  }
0x42: {  	[sflag:s14] =	ssyncset.done $0x0  }
0x43: {  	s25 =	sadd.s32 $0x180, s25;
	[sflag:s14] =	ssyncadd.s32 $0xFFFFC000  }
0x44: {  	[tilespmem:s18], [sflag:$0x2] =	stream.indirect.gather [hbm4b:s5+s16], $0x80, s25, s16, $0xb8;
	[tilespmem:$0x1E800] =	vst v63  }
0x45: {  	_ =	swait.ge [sflag:s19], $0x4000  }
0x46: {  	[sflag:s19] =	ssyncset.done $0x0  }
0x47: {  	[sflag:s19] =	ssyncadd.s32 $0xFFFFC000  }
0x48: {  	[spmem:s2] =	stream.indirect.scatter.add.f32 [tilespmem:s17], [sflag:$0x3], $0x80, s21, s16, $0xb8;
	[tilespmem:$0x1E800] =	vst v63  }
0x49: {  	_ =	swait.ge [sflag:s14], $0x4000  }
0x4a: {  	[sflag:s14] =	ssyncset.done $0x0  }
0x4b: {  	[sflag:s14] =	ssyncadd.s32 $0xFFFFC000  }
0x4c: {  	_ =	swait.ge [sflag:s20], $0x4000  }
0x4d: {  	[sflag:s20] =	ssyncset.done $0x0  }
0x4e: {  	[sflag:s20] =	ssyncadd.s32 $0xFFFFC000  }
0x4f: {  	[spmem:s2] =	stream.indirect.scatter.add.f32 [tilespmem:s18], [sflag:$0x3], $0x80, s22, s16, $0xb8;
	[tilespmem:$0x1E800] =	vst v63  }
0x50: {  	_ =	swait.ge [sflag:s14], $0x4000  }
0x51: {  	[sflag:s14] =	ssyncset.done $0x0  }
0x52: {  	s24 =	simm.s32 $0x0;
	[sflag:s14] =	ssyncadd.s32 $0xFFFFC000  }
0x53: {  	[tilespmem:s24], [sflag:$0x3] =	stream.linear.gather [hbm4b:s11+s24], $0x1400, $0x38;
	[tilespmem:$0x1E800] =	vst v63  }
0x54: {  	_ =	swait.ge [sflag:s14], $0x1400  }
0x55: {  	[sflag:s14] =	ssyncset.done $0x0  }
0x56: {  	[sflag:s14] =	ssyncadd.s32 $0xFFFFEC00  }
0x57: {  	[tilespmem:s15], [sflag:$0x3] =	stream.linear.gather [hbm4b:s12+s24], $0x1400, $0x38;
	[tilespmem:$0x1E800] =	vst v63  }
0x58: {  	_ =	swait.ge [sflag:s14], $0x1400  }
0x59: {  	[sflag:s14] =	ssyncset.done $0x0  }
0x5a: {  	[sflag:s14] =	ssyncadd.s32 $0xFFFFEC00  }
0x5b: {  	[tilespmem:s17], [sflag:$0x1] =	stream.indirect.gather [hbm4b:s5+s16], $0x80, s24, s16, $0xb8;
	[tilespmem:$0x1E800] =	vst v63  }
0x5c: {  	_ = 	snop  }
0x5d: {  	[tilespmem:s18], [sflag:$0x2] =	stream.indirect.gather [hbm4b:s5+s16], $0x80, s16, s16, $0xb8;
	[tilespmem:$0x1E800] =	vst v63  }
0x5e: {  	_ =	swait.ge [sflag:s19], $0x4000  }
0x5f: {  	[sflag:s19] =	ssyncset.done $0x0  }
0x60: {  	s29 =	simm.s32 $0x1400;
	[sflag:s19] =	ssyncadd.s32 $0xFFFFC000  }
0x61: {  	[spmem:s2] =	stream.indirect.scatter.add.f32 [tilespmem:s17], [sflag:$0x3], $0x80, s29, s16, $0xb8;
	[tilespmem:$0x1E800] =	vst v63  }
0x62: {  	_ =	swait.ge [sflag:s14], $0x4000  }
0x63: {  	[sflag:s14] =	ssyncset.done $0x0  }
0x64: {  	s30 =	simm.s32 $0x100;
	[sflag:s14] =	ssyncadd.s32 $0xFFFFC000  }
0x65: {  	[tilespmem:s17], [sflag:$0x1] =	stream.indirect.gather [hbm4b:s5+s16], $0x80, s30, s16, $0xb8;
	[tilespmem:$0x1E800] =	vst v63  }
0x66: {  	_ =	swait.ge [sflag:s20], $0x4000  }
0x67: {  	[sflag:s20] =	ssyncset.done $0x0  }
0x68: {  	s31 =	simm.s32 $0x1480;
	[sflag:s20] =	ssyncadd.s32 $0xFFFFC000  }
0x69: {  	[spmem:s2] =	stream.indirect.scatter.add.f32 [tilespmem:s18], [sflag:$0x3], $0x80, s31, s16, $0xb8;
	[tilespmem:$0x1E800] =	vst v63  }
0x6a: {  	_ =	swait.ge [sflag:s14], $0x4000  }
0x6b: {  	[sflag:s14] =	ssyncset.done $0x0  }
0x6c: {  	s25 =	simm.s32 $0x180;
	s24 =	simm.s32 $0x400;
	[sflag:s14] =	ssyncadd.s32 $0xFFFFC000  }
.LBB2_4:
0x6d: {  	[tilespmem:s18], [sflag:$0x2] =	stream.indirect.gather [hbm4b:s5+s16], $0x80, s25, s16, $0xb8;
	[tilespmem:$0x1E800] =	vst v63  }
0x6e: {  	s25 =	smov.u32 s24  }
0x6f: {  	p0 =	sne.s32 s24, $0x4800;
	s24 =	sadd.s32 $0x400, s24;
	_ =	swait.ge [sflag:s19], $0x4000  }
0x70: {  	s25 =	sshra.s32 s25, $0x2;
	[sflag:s19] =	ssyncset.done $0x0  }
0x71: {  	s26 =	sadd.s32 $0x1400, s25;
	[sflag:s19] =	ssyncadd.s32 $0xFFFFC000  }
0x72: {  	[spmem:s2] =	stream.indirect.scatter.add.f32 [tilespmem:s17], [sflag:$0x3], $0x80, s26, s16, $0xb8;
	[tilespmem:$0x1E800] =	vst v63  }
0x73: {  	_ =	swait.ge [sflag:s14], $0x4000  }
0x74: {  	[sflag:s14] =	ssyncset.done $0x0  }
0x75: {  	s26 =	sadd.s32 $0x100, s25;
	[sflag:s14] =	ssyncadd.s32 $0xFFFFC000  }
0x76: {  	[tilespmem:s17], [sflag:$0x1] =	stream.indirect.gather [hbm4b:s5+s16], $0x80, s26, s16, $0xb8;
	[tilespmem:$0x1E800] =	vst v63  }
0x77: {  	_ =	swait.ge [sflag:s20], $0x4000  }
0x78: {  	[sflag:s20] =	ssyncset.done $0x0  }
.Ltmp1:
0x79: {  	s26 =	sadd.s32 $0x1480, s25;
	[sflag:s20] =	ssyncadd.s32 $0xFFFFC000;
	(pc) =	sbr.rel @p0 .LBB2_4-.Ltmp1, $4  }
0x7a: {  	[spmem:s2] =	stream.indirect.scatter.add.f32 [tilespmem:s18], [sflag:$0x3], $0x80, s26, s16, $0xb8;
	[tilespmem:$0x1E800] =	vst v63  }
0x7b: {  	_ =	swait.ge [sflag:s14], $0x4000  }
0x7c: {  	[sflag:s14] =	ssyncset.done $0x0  }
0x7d: {  	s25 =	sadd.s32 $0x180, s25;
	[sflag:s14] =	ssyncadd.s32 $0xFFFFC000  }
0x7e: {  	[tilespmem:s18], [sflag:$0x2] =	stream.indirect.gather [hbm4b:s5+s16], $0x80, s25, s16, $0xb8;
	[tilespmem:$0x1E800] =	vst v63  }
0x7f: {  	_ =	swait.ge [sflag:s19], $0x4000  }
0x80: {  	[sflag:s19] =	ssyncset.done $0x0  }
0x81: {  	[sflag:s19] =	ssyncadd.s32 $0xFFFFC000  }
0x82: {  	[spmem:s2] =	stream.indirect.scatter.add.f32 [tilespmem:s17], [sflag:$0x3], $0x80, s21, s16, $0xb8;
	[tilespmem:$0x1E800] =	vst v63  }
0x83: {  	_ =	swait.ge [sflag:s14], $0x4000  }
0x84: {  	[sflag:s14] =	ssyncset.done $0x0  }
0x85: {  	[sflag:s14] =	ssyncadd.s32 $0xFFFFC000  }
0x86: {  	_ =	swait.ge [sflag:s20], $0x4000  }
0x87: {  	[sflag:s20] =	ssyncset.done $0x0  }
0x88: {  	[sflag:s20] =	ssyncadd.s32 $0xFFFFC000  }
0x89: {  	[spmem:s2] =	stream.indirect.scatter.add.f32 [tilespmem:s18], [sflag:$0x3], $0x80, s22, s16, $0xb8;
	[tilespmem:$0x1E800] =	vst v63  }
0x8a: {  	_ =	swait.ge [sflag:s14], $0x4000  }
0x8b: {  	s23 =	sadd.s32 $0x1, s23;
	[sflag:s14] =	ssyncset.done $0x0  }
0x8c: {  	p0 =	sne.s32 s23, s8;
	[sflag:s14] =	ssyncadd.s32 $0xFFFFC000  }
.Ltmp2:
0x8d: {  	[bflag:$0x0] =	sbarrier.arrive $0xFFFF;
	(pc) =	sbr.rel @p0 .LBB2_1-.Ltmp2, $4  }
0x8e: {  	[hbm:s7], [sflag:s6] =	dma.local [spmem:s13], $0x2800  }
0x8f: {  	_ =	swait.ge [sflag:s14], $0x2800  }
0x90: {  	[sflag:s14] =	ssyncset.done $0x0  }
0x91: {  	[sflag:s14] =	ssyncadd.s32 $0xFFFFD800  }
0x92: {  	_ =	sfence.sel $0x180000  }
0x93: {  	[bflag:$0x0] =	sbarrier.arrive $0xFFFF  }
0x94: {  	p0 =	sne.s32 s3, $0x0;
	_ =	strace $0x9000004A  }
0x95: {  	s0 =	sadd.s32 @!p0 $0x100000, s0;
	[bflag:$0x2] =	sbarrier.arrive $0xFFFF  }
0x96: {  	[sflag:s0] =	ssyncadd.tile.s32 @!p0 $0x1;
	_ =	shalt  }
.Lfunc_end2:
_tile_overlayer_lowered:
.L_overlay_start_2:
0x97: {  	(tag) =	ssettag $0x2  }
0x98: {  	s0 =	rddreg [dreg:$0x0];
	s2 =	stileid.u32  }
0x99: {  	s1 =	rddreg [dreg:$0x1];
	p0 =	sne.s32 s2, $0x0  }
0x9a: {  	s3 =	rddreg [dreg:$0x2];
	[bflag:$0x3] =	sbarrier.arrive $0xFFFF;
	s2 =	simm.s32 @!p0 $0x1C03  }
0x9b: {  	[timem:s3], [sflag:s2] =	dma.local @!p0 [hbm:s0], s1  }
0x9c: {  	s0 =	simm.s32 @!p0 $0x3  }
0x9d: {  	_ =	swait.ge @!p0 [sflag:s0], s1  }
0x9e: {  	s1 =	ssub.s32 @!p0 $0x0, s1;
	[sflag:s0] =	ssyncset.done @!p0 $0x0  }
0x9f: {  	[sflag:s0] =	ssyncadd.s32 @!p0 s1  }
0xa0: {  	[bflag:$0x3] =	sbarrier.arrive $0xFFFF  }
0xa1: {  	_ =	shalt  }

// kernel: kernel.17.cloned.1.call-start
scs
__scs_entry_jumppad:
0x0: {  	(pc) =	sbr.rel $0x88, $3  }
0x1: {  	(tag) =	ssettag $0x0;
	lr =	simm.s32 $0x1  }
0x2: {  	[smem:$0x3F8C] =	sst lr;
	_ =	strace $0xD0000000  }
0x3: {  	_ = 	snop  }
0x4: {  	_ = 	snop  }
0x5: {  	_ = 	snop  }
0x6: {  	_ = 	snop  }
0x7: {  	_ = 	snop  }
__scs_overlays_trampoline_lowered:
0x8: {  	[smem:$0x3F9B] =	sst s0  }
0x9: {  	[smem:$0x3F9C] =	sst s1  }
0xa: {  	[smem:$0x3F9D] =	sst s2  }
0xb: {  	[smem:$0x3F9E] =	sst s3  }
0xc: {  	[smem:$0x3F9F] =	sst s4  }
0xd: {  	[smem:$0x3FA0] =	sst s5  }
0xe: {  	[smem:$0x3FA1] =	sst s6  }
0xf: {  	[smem:$0x3FA2] =	sst s7  }
0x10: {  	[smem:$0x3FA3] =	sst s8  }
0x11: {  	[smem:$0x3FA4] =	sst s9;
	s0 =	simm.s32 @!p0 $0x0  }
0x12: {  	s1 =	sld [smem:$0x3F8A];
	s0 =	simm.s32 @p0 $0x1  }
0x13: {  	[smem:$0x3FA5] =	sst s0;
	s0 =	simm.s32 @!p1 $0x0  }
0x14: {  	s2 =	sld [smem:$0x3F89];
	s0 =	simm.s32 @p1 $0x1  }
0x15: {  	[smem:$0x3FA6] =	sst s0;
	s0 =	simm.s32 @!p2 $0x0  }
0x16: {  	s3 =	sld [smem:$0x3FDB];
	s0 =	simm.s32 @p2 $0x1  }
0x17: {  	s4 =	simm.s32 $0x1BF5;
	[smem:$0x3FA8] =	sst s0  }
0x18: {  	s0 =	sld [smem:$0x3F8B];
	_ =	swait.ge [sflag:s4], $0x0  }
0x19: {  	s7 =	sld [smem:$0x3F8C]  }
0x1a: {  	s8 =	sadd.s32 $0xFFFFE003, lr  }
0x1b: {  	s9 =	sadd.s32 $0xFFFFFEF7, lr;
	s5 =	simm.s32 $0xFFFFFFFF;
	p2 =	slt.u32 s8, $0xFFFFF086  }
0x1c: {  	p1 =	slt.u32 s9, $0xF7A;
	s5 =	simm.s32 @!p2 $0x0  }
0x1d: {  	s5 =	simm.s32 @p1 $0x1;
	p0 =	seq.s32 s7, s2  }
0x1e: {  	s7 =	smul.u32 @!p0 $0xF7A, s2;
	p2 =	seq.s32 @!p0 s5, $0x0  }
0x1f: {  	s9 =	smul.u32 $0xF7A, s1;
	s8 =	simm.s32 @!p0 $0x1BF5;
	p2 =	por !p2, p0  }
0x20: {  	[sflag:s8] =	ssyncset.s32 @!p0 $0xFFFFF086;
	s6 =	sadd.s32 @!p0 s3, s7;
	s7 =	simm.s32 @!p0 $0x108  }
0x21: {  	s3 =	sadd.s32 s3, s9;
	s6 =	sadd.s32 @!p0 $0x88, s6;
	s7 =	simm.s32 @p2 $0x1082  }
0x22: {  	[simem:s7], [sflag:s8] =	dma.local @!p0 [hbm:s6], $0xF7A  }
0x23: {  	s9 =	sor.u32 $0xD0000000, s2;
	s6 =	simm.s32 $0x108;
	_ =	swait.ge @!p0 [sflag:s8], $0x0  }
0x24: {  	s3 =	sadd.s32 $0x88, s3;
	s6 =	simm.s32 @!p1 $0x1082;
	[sflag:s4] =	ssyncset.s32 $0xFFFFF086  }
0x25: {  	[simem:s6], [sflag:s4] =	dma.local [hbm:s3], $0xF7A  }
0x26: {  	[smem:$0x3F8C] =	sst s1;
	(tag) =	ssettag s2;
	_ =	strace s9  }
0x27: {  	s1 =	sld [smem:$0x3F9C]  }
0x28: {  	s2 =	sld [smem:$0x3F9D]  }
0x29: {  	s4 =	sld [smem:$0x3F9F]  }
0x2a: {  	p0 =	seq.s32 s5, $0x0;
	s5 =	sld [smem:$0x3FA0]  }
0x2b: {  	s6 =	sld [smem:$0x3FA1]  }
0x2c: {  	s7 =	sld [smem:$0x3FA2]  }
0x2d: {  	s3 =	simm.s32 $0x108;
	s8 =	sld [smem:$0x3FA3]  }
0x2e: {  	s3 =	simm.s32 @!p0 $0x1082;
	s9 =	sld [smem:$0x3FA4]  }
0x2f: {  	lr =	sadd.s32 s0, s3;
	s0 =	sld [smem:$0x3F9B]  }
0x30: {  	s3 =	sld [smem:$0x3F9E]  }
0x31: {  	[smem:$0x3FA7] =	sst s10  }
0x32: {  	s10 =	sld [smem:$0x3FA5];
	_ =	sdelay $0x3  }
0x33: {  	p0 =	seq.s32 s10, $0x1;
	s10 =	sld [smem:$0x3FA7];
	_ =	sdelay $0x3  }
0x34: {  	[smem:$0x3FA7] =	sst s10  }
0x35: {  	s10 =	sld [smem:$0x3FA6];
	_ =	sdelay $0x3  }
0x36: {  	p1 =	seq.s32 s10, $0x1;
	s10 =	sld [smem:$0x3FA7];
	_ =	sdelay $0x3  }
0x37: {  	[smem:$0x3FA7] =	sst s10  }
0x38: {  	s10 =	sld [smem:$0x3FA8]  }
0x39: {  	_ = 	snop;
	(pc) =	sbr.ind lr, $3  }
0x3a: {  	_ = 	snop  }
0x3b: {  	_ = 	snop  }
0x3c: {  	p2 =	seq.s32 s10, $0x1;
	s10 =	sld [smem:$0x3FA7]  }
0x3d: {  	_ =	shalt  }
0x3e: {  	_ =	shalt  }
0x3f: {  	_ =	shalt  }
0x40: {  	_ =	shalt  }
0x41: {  	_ =	shalt  }
0x42: {  	_ =	shalt  }
0x43: {  	_ =	shalt  }
0x44: {  	_ =	shalt  }
0x45: {  	_ =	shalt  }
0x46: {  	_ =	shalt  }
0x47: {  	_ =	shalt  }
0x48: {  	_ =	shalt  }
0x49: {  	_ =	shalt  }
0x4a: {  	_ =	shalt  }
0x4b: {  	_ =	shalt  }
0x4c: {  	_ =	shalt  }
0x4d: {  	_ =	shalt  }
0x4e: {  	_ =	shalt  }
0x4f: {  	_ =	shalt  }
0x50: {  	_ =	shalt  }
0x51: {  	_ =	shalt  }
0x52: {  	_ =	shalt  }
0x53: {  	_ =	shalt  }
0x54: {  	_ =	shalt  }
0x55: {  	_ =	shalt  }
0x56: {  	_ =	shalt  }
0x57: {  	_ =	shalt  }
0x58: {  	_ =	shalt  }
0x59: {  	_ =	shalt  }
0x5a: {  	_ =	shalt  }
0x5b: {  	_ =	shalt  }
0x5c: {  	_ =	shalt  }
0x5d: {  	_ =	shalt  }
0x5e: {  	_ =	shalt  }
0x5f: {  	_ =	shalt  }
0x60: {  	_ =	shalt  }
0x61: {  	_ =	shalt  }
0x62: {  	_ =	shalt  }
0x63: {  	_ =	shalt  }
0x64: {  	_ =	shalt  }
0x65: {  	_ =	shalt  }
0x66: {  	_ =	shalt  }
0x67: {  	_ =	shalt  }
0x68: {  	_ =	shalt  }
0x69: {  	_ =	shalt  }
0x6a: {  	_ =	shalt  }
0x6b: {  	_ =	shalt  }
0x6c: {  	_ =	shalt  }
0x6d: {  	_ =	shalt  }
0x6e: {  	_ =	shalt  }
0x6f: {  	_ =	shalt  }
0x70: {  	_ =	shalt  }
0x71: {  	_ =	shalt  }
0x72: {  	_ =	shalt  }
0x73: {  	_ =	shalt  }
0x74: {  	_ =	shalt  }
0x75: {  	_ =	shalt  }
0x76: {  	_ =	shalt  }
0x77: {  	_ =	shalt  }
0x78: {  	_ =	shalt  }
0x79: {  	_ =	shalt  }
0x7a: {  	_ =	shalt  }
0x7b: {  	_ =	shalt  }
0x7c: {  	_ =	shalt  }
0x7d: {  	_ =	shalt  }
0x7e: {  	_ =	shalt  }
0x7f: {  	_ =	shalt  }
0x80: {  	_ =	shalt  }
0x81: {  	_ =	shalt  }
0x82: {  	_ =	shalt  }
0x83: {  	_ =	shalt  }
0x84: {  	_ =	shalt  }
0x85: {  	_ =	shalt  }
0x86: {  	_ =	shalt  }
0x87: {  	_ =	shalt  }
.Lfunc_end0:
.L_simem_size_0:
called_computation.2_lowered:
.L_overlay_start_0:
0x88: {  	s2 =	sld [smem:$0x3FD9]  }
0x89: {  	s3 =	sld [smem:$0x3FFE];
	_ =	sdelay $0x1  }
0x8a: {  	s1 =	srdreg.scid  }
0x8b: {  	s0 =	sand.u32 $0x1, s1  }
0x8c: {  	s14 =	sshll.u32 s0, $0xA;
	s2 =	sadd.s32 s3, s2  }
0x8d: {  	s2 =	sadd.s32 s2, s14  }
0x8e: {  	[smem:$0x3FB3] =	sst s2  }
0x8f: {  	_ = 	snop  }
0x90: {  	s2 =	sld [smem:$0x3FD0];
	_ =	sdelay $0x2  }
0x91: {  	s15 =	simm.s32 $0xA;
	s4 =	simm.s32 $0x10  }
0x92: {  	[smem:s4], [sflag:s15] =	dma.local [hbm:s2], $0x1  }
0x93: {  	_ =	swait.eq [sflag:s15], $0x1  }
0x94: {  	[sflag:s15] =	ssyncset.done $0x0  }
0x95: {  	s16 =	sld [smem:$0x10];
	[sflag:s15] =	ssyncadd.s32 $0xFFFFFFFF  }
0x96: {  	s17 =	sld [smem:$0x11];
	(tm) =	ssettm $0x1  }
0x97: {  	s18 =	sld [smem:$0x3FFB];
	_ =	sdelay $0x3  }
0x98: {  	_ =	strace s18  }
0x99: {  	s4 =	sld [smem:$0x3FFC];
	_ =	sdelay $0x3  }
0x9a: {  	_ =	strace s4  }
0x9b: {  	s4 =	sld [smem:$0x3FFD];
	_ =	sdelay $0x3  }
0x9c: {  	_ =	strace s4  }
0x9d: {  	_ =	strace $0x8FFFFFFF  }
0x9e: {  	s19 =	sld [smem:$0x3FDB];
	_ =	sdelay $0x1  }
0x9f: {  	s5 =	simm.s32 $_scs_section_size  }
0xa0: {  	s6 =	simm.s32 $_size__tile_overlayer_lowered;
	s7 =	simm.s32 $_tile_overlayer_lowered  }
0xa1: {  	s22 =	simm.s32 $0x1BFF;
	s21 =	sshll.u32 s7, $0x1;
	s4 =	sadd.s32 s5, s19  }
0xa2: {  	s8 =	simm.s32 $0x0;
	s20 =	sshll.u32 s6, $0x1;
	s6 =	sadd.s32 s21, s4  }
0xa3: {  	[timem:s8], [sflag:s22] =	dma.local [hbm:s6], s20  }
0xa4: {  	_ =	swait.ge [sflag:s22], s20  }
0xa5: {  	s5 =	ssub.s32 $0x0, s20;
	[sflag:s22] =	ssyncset.done $0x0  }
0xa6: {  	[sflag:s22] =	ssyncadd.s32 s5;
	_ =	sdelay $0x1  }
0xa7: {  	s23 =	simm.s32 $0x1B8B  }
0xa8: {  	_ =	swait.ge [sflag:s23], $0x1  }
0xa9: {  	[sflag:s23] =	ssyncset.done $0x0  }
0xaa: {  	s25 =	simm.s32 $0x1B8E;
	s24 =	sld [smem:$0x3FFE];
	[sflag:s23] =	ssyncadd.s32 $0xFFFFFFFF  }
0xab: {  	s26 =	simm.s32 $execute0_lowered;
	[smem:$0x3FD2] =	sst s25  }
0xac: {  	s6 =	sshll.u32 s26, $0x1;
	_ =	strace $0x8000004C;
	[dreg:$0x1] =	wrdreg $0xFFFFFFFF  }
0xad: {  	s28 =	simm.s32 $_size_execute0_lowered;
	s4 =	sadd.s32 s4, s6;
	[dreg:$0x0] =	wrdreg $0x0  }
0xae: {  	s6 =	sshll.u32 s28, $0x1;
	[dreg:$0x2] =	wrdreg s4  }
0xaf: {  	[dreg:$0x3] =	wrdreg s6  }
0xb0: {  	[dreg:$0x4] =	wrdreg $0xC0  }
0xb1: {  	_ =	task [dreg:s8], $0x5FFFF  }
0xb2: {  	[dreg:$0x1] =	wrdreg $0xFFFFFFFF  }
0xb3: {  	[dreg:$0x0] =	wrdreg $0x60  }
0xb4: {  	[dreg:$0x2] =	wrdreg s24  }
0xb5: {  	[dreg:$0x3] =	wrdreg s16  }
0xb6: {  	[dreg:$0x4] =	wrdreg s17  }
0xb7: {  	[dreg:$0x5] =	wrdreg $0xA8000  }
0xb8: {  	[dreg:$0x6] =	wrdreg $0x9  }
0xb9: {  	_ =	task.clear_ibuf [dreg:s8], $0x7FFFF;
	_ =	strace $0x9000004C  }
0xba: {  	s29 =	simm.s32 $0x9;
	_ =	strace $0x8000004E  }
0xbb: {  	_ =	swait.ge [sflag:s29], $0x1  }
0xbc: {  	[sflag:s29] =	ssyncadd.s32 $0xFFFFFFFF  }
0xbd: {  	_ =	strace $0x9000004E  }
0xbe: {  	_ =	sfence  }
0xbf: {  	s30 =	sld [smem:$0x0];
	_ =	sdelay $0x2  }
0xc0: {  	s31 =	sshll.u32 s1, $0xD;
	s1 =	sshrl.u32 s1, $0x2  }
0xc1: {  	s3 =	sand.u32 $0x4000, s31;
	s1 =	sadd.s32 s1, s30  }
0xc2: {  	s0 =	sor.u32 s3, s0;
	s1 =	sshll.u32 s1, $0x11  }
0xc3: {  	s0 =	sor.u32 s1, s0  }
0xc4: {  	s0 =	sadd.s32 $0x8F2B, s0  }
0xc5: {  	[sflag:s0] =	ssyncadd.remote.s32 $0x1  }
0xc6: {  	_ =	sfence.sel $0xFFFF  }
0xc7: {  	[dreg:$0x0] =	wrdreg $0xFFFFFFFF;
	(pc) =	sbr.abs _section_cstart, $3  }
0xc8: {  	[dreg:$0x1] =	wrdreg $0xFFFFFFFF  }
0xc9: {  	_ =	task.clear_ibuf [dreg:s8], $0x2FFFF;
	_ =	strace $0x9FFFFFFF  }
0xca: {  	(tm) =	ssettm $0x7FFFFFFF  }
0xcb: {  	_ =	shalt  }
tec
execute0_lowered:
.L_overlay_start_1:
0x0: {  	(tag) =	ssettag $0x1  }
0x1: {  	s6 =	rddreg [dreg:$0x0]  }
0x2: {  	s11 =	rddreg [dreg:$0x1]  }
0x3: {  	s1 =	rddreg [dreg:$0x2]  }
0x4: {  	s2 =	rddreg [dreg:$0x3]  }
0x5: {  	s3 =	srdreg.scid;
	s0 =	rddreg [dreg:$0x4]  }
0x6: {  	s4 =	simm.s32 $0x0;
	s15 =	simm.s32 $0x1400;
	s16 =	simm.s32 $0x80  }
0x7: {  	s17 =	simm.s32 $0x2800;
	s18 =	simm.s32 $0x6800;
	s19 =	simm.s32 $0x1  }
0x8: {  	s20 =	simm.s32 $0x2;
	s21 =	simm.s32 $0x2700;
	s7 =	sand.u32 $0x1, s3  }
0x9: {  	s22 =	simm.s32 $0x2780;
	s3 =	stileid.u32;
	s8 =	smul.u32 $0x140000, s7  }
0xa: {  	s23 =	simm.s32 $0x0;
	[smem:$0x7FF] =	sst s4;
	s9 =	smul.u32 $0x14000, s3  }
0xb: {  	s5 =	sadd.s32 $0xE600, s6;
	s12 =	sadd.s32 $0x4600, s6;
	s10 =	smul.u32 $0x50000, s3  }
0xc: {  	_ =	strace $0x8000004D;
	s28 =	ssub.s32 $0x2, s7;
	s14 =	smul.u32 $0x500, s3  }
0xd: {  	p0 =	seq.s32 s7, $0x0;
	s30 =	sshll.u32 s3, $0x6;
	s13 =	sshrl.u32 s28, $0x1  }
0xe: {  	s8 =	sadd.s32 s9, s8;
	s9 =	ssub.s32 s28, s13;
	s29 =	sshrl.u32 s10, $0x2  }
0xf: {  	s10 =	sadd.s32 $0x5000, s14;
	s8 =	sshrl.u32 s8, $0x3;
	s31 =	sadd.s32 s29, s2  }
0x10: {  	s10 =	smov.u32 @p0 s14;
	s8 =	sadd.s32 s8, s6;
	s6 =	sor.u32 $0x1C03, s30  }
0x11: {  	s14 =	sadd.s32 $0x280, s10;
	s13 =	sshrl.u32 s31, $0x3;
	s7 =	sadd.s32 $0x36600, s8  }
0x12: {  	s8 =	smax.u32 s9, $0x1;
	s9 =	sadd.s32 s11, s10;
	s10 =	sadd.s32 s12, s10  }
0x13: {  	s11 =	sadd.s32 s11, s14;
	s12 =	sadd.s32 s12, s14;
	s14 =	simm.s32 $0x3  }
.LBB2_1:
0x14: {  	[spmem:s13], [sflag:s6] =	dma.local [hbm:s1], $0x2800  }
0x15: {  	_ =	swait.ge [sflag:s14], $0x2800  }
0x16: {  	[sflag:s14] =	ssyncset.done $0x0  }
0x17: {  	[sflag:s14] =	ssyncadd.s32 $0xFFFFD800  }
0x18: {  	[bflag:$0x0] =	sbarrier.arrive $0xFFFF  }
0x19: {  	[tilespmem:s4], [sflag:$0x3] =	stream.linear.gather [hbm4b:s9+s4], $0x1400, $0x38;
	[tilespmem:$0x1E800] =	vst v63  }
0x1a: {  	_ =	swait.ge [sflag:s14], $0x1400  }
0x1b: {  	[sflag:s14] =	ssyncset.done $0x0  }
0x1c: {  	[sflag:s14] =	ssyncadd.s32 $0xFFFFEC00  }
0x1d: {  	[tilespmem:s15], [sflag:$0x3] =	stream.linear.gather [hbm4b:s10+s4], $0x1400, $0x38;
	[tilespmem:$0x1E800] =	vst v63  }
0x1e: {  	_ =	swait.ge [sflag:s14], $0x1400  }
0x1f: {  	[sflag:s14] =	ssyncset.done $0x0  }
0x20: {  	[sflag:s14] =	ssyncadd.s32 $0xFFFFEC00  }
0x21: {  	[tilespmem:s17], [sflag:$0x1] =	stream.indirect.gather [hbm4b:s5+s16], $0x80, s4, s16, $0xb8;
	[tilespmem:$0x1E800] =	vst v63  }
0x22: {  	_ = 	snop  }
0x23: {  	[tilespmem:s18], [sflag:$0x2] =	stream.indirect.gather [hbm4b:s5+s16], $0x80, s16, s16, $0xb8;
	[tilespmem:$0x1E800] =	vst v63  }
0x24: {  	_ =	swait.ge [sflag:s19], $0x4000  }
0x25: {  	[sflag:s19] =	ssyncset.done $0x0  }
0x26: {  	s24 =	simm.s32 $0x1400;
	[sflag:s19] =	ssyncadd.s32 $0xFFFFC000  }
0x27: {  	[spmem:s2] =	stream.indirect.scatter.add.f32 [tilespmem:s17], [sflag:$0x3], $0x80, s24, s16, $0xb8;
	[tilespmem:$0x1E800] =	vst v63  }
0x28: {  	_ =	swait.ge [sflag:s14], $0x4000  }
0x29: {  	[sflag:s14] =	ssyncset.done $0x0  }
0x2a: {  	s30 =	simm.s32 $0x100;
	[sflag:s14] =	ssyncadd.s32 $0xFFFFC000  }
0x2b: {  	[tilespmem:s17], [sflag:$0x1] =	stream.indirect.gather [hbm4b:s5+s16], $0x80, s30, s16, $0xb8;
	[tilespmem:$0x1E800] =	vst v63  }
0x2c: {  	_ =	swait.ge [sflag:s20], $0x4000  }
0x2d: {  	[sflag:s20] =	ssyncset.done $0x0  }
0x2e: {  	s31 =	simm.s32 $0x1480;
	[sflag:s20] =	ssyncadd.s32 $0xFFFFC000  }
0x2f: {  	[spmem:s2] =	stream.indirect.scatter.add.f32 [tilespmem:s18], [sflag:$0x3], $0x80, s31, s16, $0xb8;
	[tilespmem:$0x1E800] =	vst v63  }
0x30: {  	_ =	swait.ge [sflag:s14], $0x4000  }
0x31: {  	[sflag:s14] =	ssyncset.done $0x0  }
0x32: {  	s25 =	simm.s32 $0x180;
	s24 =	simm.s32 $0x400;
	[sflag:s14] =	ssyncadd.s32 $0xFFFFC000  }
.LBB2_2:
0x33: {  	[tilespmem:s18], [sflag:$0x2] =	stream.indirect.gather [hbm4b:s5+s16], $0x80, s25, s16, $0xb8;
	[tilespmem:$0x1E800] =	vst v63  }
0x34: {  	s25 =	smov.u32 s24  }
0x35: {  	p0 =	sne.s32 s24, $0x4800;
	s24 =	sadd.s32 $0x400, s24;
	_ =	swait.ge [sflag:s19], $0x4000  }
0x36: {  	s25 =	sshra.s32 s25, $0x2;
	[sflag:s19] =	ssyncset.done $0x0  }
0x37: {  	s26 =	sadd.s32 $0x1400, s25;
	[sflag:s19] =	ssyncadd.s32 $0xFFFFC000  }
0x38: {  	[spmem:s2] =	stream.indirect.scatter.add.f32 [tilespmem:s17], [sflag:$0x3], $0x80, s26, s16, $0xb8;
	[tilespmem:$0x1E800] =	vst v63  }
0x39: {  	_ =	swait.ge [sflag:s14], $0x4000  }
0x3a: {  	[sflag:s14] =	ssyncset.done $0x0  }
0x3b: {  	s26 =	sadd.s32 $0x100, s25;
	[sflag:s14] =	ssyncadd.s32 $0xFFFFC000  }
0x3c: {  	[tilespmem:s17], [sflag:$0x1] =	stream.indirect.gather [hbm4b:s5+s16], $0x80, s26, s16, $0xb8;
	[tilespmem:$0x1E800] =	vst v63  }
0x3d: {  	_ =	swait.ge [sflag:s20], $0x4000  }
0x3e: {  	[sflag:s20] =	ssyncset.done $0x0  }
.Ltmp0:
0x3f: {  	s26 =	sadd.s32 $0x1480, s25;
	[sflag:s20] =	ssyncadd.s32 $0xFFFFC000;
	(pc) =	sbr.rel @p0 .LBB2_2-.Ltmp0, $4  }
0x40: {  	[spmem:s2] =	stream.indirect.scatter.add.f32 [tilespmem:s18], [sflag:$0x3], $0x80, s26, s16, $0xb8;
	[tilespmem:$0x1E800] =	vst v63  }
0x41: {  	_ =	swait.ge [sflag:s14], $0x4000  }
0x42: {  	[sflag:s14] =	ssyncset.done $0x0  }
0x43: {  	s25 =	sadd.s32 $0x180, s25;
	[sflag:s14] =	ssyncadd.s32 $0xFFFFC000  }
0x44: {  	[tilespmem:s18], [sflag:$0x2] =	stream.indirect.gather [hbm4b:s5+s16], $0x80, s25, s16, $0xb8;
	[tilespmem:$0x1E800] =	vst v63  }
0x45: {  	_ =	swait.ge [sflag:s19], $0x4000  }
0x46: {  	[sflag:s19] =	ssyncset.done $0x0  }
0x47: {  	[sflag:s19] =	ssyncadd.s32 $0xFFFFC000  }
0x48: {  	[spmem:s2] =	stream.indirect.scatter.add.f32 [tilespmem:s17], [sflag:$0x3], $0x80, s21, s16, $0xb8;
	[tilespmem:$0x1E800] =	vst v63  }
0x49: {  	_ =	swait.ge [sflag:s14], $0x4000  }
0x4a: {  	[sflag:s14] =	ssyncset.done $0x0  }
0x4b: {  	[sflag:s14] =	ssyncadd.s32 $0xFFFFC000  }
0x4c: {  	_ =	swait.ge [sflag:s20], $0x4000  }
0x4d: {  	[sflag:s20] =	ssyncset.done $0x0  }
0x4e: {  	[sflag:s20] =	ssyncadd.s32 $0xFFFFC000  }
0x4f: {  	[spmem:s2] =	stream.indirect.scatter.add.f32 [tilespmem:s18], [sflag:$0x3], $0x80, s22, s16, $0xb8;
	[tilespmem:$0x1E800] =	vst v63  }
0x50: {  	_ =	swait.ge [sflag:s14], $0x4000  }
0x51: {  	[sflag:s14] =	ssyncset.done $0x0  }
0x52: {  	s24 =	simm.s32 $0x0;
	[sflag:s14] =	ssyncadd.s32 $0xFFFFC000  }
0x53: {  	[tilespmem:s24], [sflag:$0x3] =	stream.linear.gather [hbm4b:s11+s24], $0x1400, $0x38;
	[tilespmem:$0x1E800] =	vst v63  }
0x54: {  	_ =	swait.ge [sflag:s14], $0x1400  }
0x55: {  	[sflag:s14] =	ssyncset.done $0x0  }
0x56: {  	[sflag:s14] =	ssyncadd.s32 $0xFFFFEC00  }
0x57: {  	[tilespmem:s15], [sflag:$0x3] =	stream.linear.gather [hbm4b:s12+s24], $0x1400, $0x38;
	[tilespmem:$0x1E800] =	vst v63  }
0x58: {  	_ =	swait.ge [sflag:s14], $0x1400  }
0x59: {  	[sflag:s14] =	ssyncset.done $0x0  }
0x5a: {  	[sflag:s14] =	ssyncadd.s32 $0xFFFFEC00  }
0x5b: {  	[tilespmem:s17], [sflag:$0x1] =	stream.indirect.gather [hbm4b:s5+s16], $0x80, s24, s16, $0xb8;
	[tilespmem:$0x1E800] =	vst v63  }
0x5c: {  	_ = 	snop  }
0x5d: {  	[tilespmem:s18], [sflag:$0x2] =	stream.indirect.gather [hbm4b:s5+s16], $0x80, s16, s16, $0xb8;
	[tilespmem:$0x1E800] =	vst v63  }
0x5e: {  	_ =	swait.ge [sflag:s19], $0x4000  }
0x5f: {  	[sflag:s19] =	ssyncset.done $0x0  }
0x60: {  	s29 =	simm.s32 $0x1400;
	[sflag:s19] =	ssyncadd.s32 $0xFFFFC000  }
0x61: {  	[spmem:s2] =	stream.indirect.scatter.add.f32 [tilespmem:s17], [sflag:$0x3], $0x80, s29, s16, $0xb8;
	[tilespmem:$0x1E800] =	vst v63  }
0x62: {  	_ =	swait.ge [sflag:s14], $0x4000  }
0x63: {  	[sflag:s14] =	ssyncset.done $0x0  }
0x64: {  	s30 =	simm.s32 $0x100;
	[sflag:s14] =	ssyncadd.s32 $0xFFFFC000  }
0x65: {  	[tilespmem:s17], [sflag:$0x1] =	stream.indirect.gather [hbm4b:s5+s16], $0x80, s30, s16, $0xb8;
	[tilespmem:$0x1E800] =	vst v63  }
0x66: {  	_ =	swait.ge [sflag:s20], $0x4000  }
0x67: {  	[sflag:s20] =	ssyncset.done $0x0  }
0x68: {  	s31 =	simm.s32 $0x1480;
	[sflag:s20] =	ssyncadd.s32 $0xFFFFC000  }
0x69: {  	[spmem:s2] =	stream.indirect.scatter.add.f32 [tilespmem:s18], [sflag:$0x3], $0x80, s31, s16, $0xb8;
	[tilespmem:$0x1E800] =	vst v63  }
0x6a: {  	_ =	swait.ge [sflag:s14], $0x4000  }
0x6b: {  	[sflag:s14] =	ssyncset.done $0x0  }
0x6c: {  	s25 =	simm.s32 $0x180;
	s24 =	simm.s32 $0x400;
	[sflag:s14] =	ssyncadd.s32 $0xFFFFC000  }
.LBB2_4:
0x6d: {  	[tilespmem:s18], [sflag:$0x2] =	stream.indirect.gather [hbm4b:s5+s16], $0x80, s25, s16, $0xb8;
	[tilespmem:$0x1E800] =	vst v63  }
0x6e: {  	s25 =	smov.u32 s24  }
0x6f: {  	p0 =	sne.s32 s24, $0x4800;
	s24 =	sadd.s32 $0x400, s24;
	_ =	swait.ge [sflag:s19], $0x4000  }
0x70: {  	s25 =	sshra.s32 s25, $0x2;
	[sflag:s19] =	ssyncset.done $0x0  }
0x71: {  	s26 =	sadd.s32 $0x1400, s25;
	[sflag:s19] =	ssyncadd.s32 $0xFFFFC000  }
0x72: {  	[spmem:s2] =	stream.indirect.scatter.add.f32 [tilespmem:s17], [sflag:$0x3], $0x80, s26, s16, $0xb8;
	[tilespmem:$0x1E800] =	vst v63  }
0x73: {  	_ =	swait.ge [sflag:s14], $0x4000  }
0x74: {  	[sflag:s14] =	ssyncset.done $0x0  }
0x75: {  	s26 =	sadd.s32 $0x100, s25;
	[sflag:s14] =	ssyncadd.s32 $0xFFFFC000  }
0x76: {  	[tilespmem:s17], [sflag:$0x1] =	stream.indirect.gather [hbm4b:s5+s16], $0x80, s26, s16, $0xb8;
	[tilespmem:$0x1E800] =	vst v63  }
0x77: {  	_ =	swait.ge [sflag:s20], $0x4000  }
0x78: {  	[sflag:s20] =	ssyncset.done $0x0  }
.Ltmp1:
0x79: {  	s26 =	sadd.s32 $0x1480, s25;
	[sflag:s20] =	ssyncadd.s32 $0xFFFFC000;
	(pc) =	sbr.rel @p0 .LBB2_4-.Ltmp1, $4  }
0x7a: {  	[spmem:s2] =	stream.indirect.scatter.add.f32 [tilespmem:s18], [sflag:$0x3], $0x80, s26, s16, $0xb8;
	[tilespmem:$0x1E800] =	vst v63  }
0x7b: {  	_ =	swait.ge [sflag:s14], $0x4000  }
0x7c: {  	[sflag:s14] =	ssyncset.done $0x0  }
0x7d: {  	s25 =	sadd.s32 $0x180, s25;
	[sflag:s14] =	ssyncadd.s32 $0xFFFFC000  }
0x7e: {  	[tilespmem:s18], [sflag:$0x2] =	stream.indirect.gather [hbm4b:s5+s16], $0x80, s25, s16, $0xb8;
	[tilespmem:$0x1E800] =	vst v63  }
0x7f: {  	_ =	swait.ge [sflag:s19], $0x4000  }
0x80: {  	[sflag:s19] =	ssyncset.done $0x0  }
0x81: {  	[sflag:s19] =	ssyncadd.s32 $0xFFFFC000  }
0x82: {  	[spmem:s2] =	stream.indirect.scatter.add.f32 [tilespmem:s17], [sflag:$0x3], $0x80, s21, s16, $0xb8;
	[tilespmem:$0x1E800] =	vst v63  }
0x83: {  	_ =	swait.ge [sflag:s14], $0x4000  }
0x84: {  	[sflag:s14] =	ssyncset.done $0x0  }
0x85: {  	[sflag:s14] =	ssyncadd.s32 $0xFFFFC000  }
0x86: {  	_ =	swait.ge [sflag:s20], $0x4000  }
0x87: {  	[sflag:s20] =	ssyncset.done $0x0  }
0x88: {  	[sflag:s20] =	ssyncadd.s32 $0xFFFFC000  }
0x89: {  	[spmem:s2] =	stream.indirect.scatter.add.f32 [tilespmem:s18], [sflag:$0x3], $0x80, s22, s16, $0xb8;
	[tilespmem:$0x1E800] =	vst v63  }
0x8a: {  	_ =	swait.ge [sflag:s14], $0x4000  }
0x8b: {  	s23 =	sadd.s32 $0x1, s23;
	[sflag:s14] =	ssyncset.done $0x0  }
0x8c: {  	p0 =	sne.s32 s23, s8;
	[sflag:s14] =	ssyncadd.s32 $0xFFFFC000  }
.Ltmp2:
0x8d: {  	[bflag:$0x0] =	sbarrier.arrive $0xFFFF;
	(pc) =	sbr.rel @p0 .LBB2_1-.Ltmp2, $4  }
0x8e: {  	[hbm:s7], [sflag:s6] =	dma.local [spmem:s13], $0x2800  }
0x8f: {  	_ =	swait.ge [sflag:s14], $0x2800  }
0x90: {  	[sflag:s14] =	ssyncset.done $0x0  }
0x91: {  	[sflag:s14] =	ssyncadd.s32 $0xFFFFD800  }
0x92: {  	_ =	sfence.sel $0x180000  }
0x93: {  	[bflag:$0x0] =	sbarrier.arrive $0xFFFF  }
0x94: {  	p0 =	sne.s32 s3, $0x0;
	_ =	strace $0x9000004D  }
0x95: {  	s0 =	sadd.s32 @!p0 $0x100000, s0;
	[bflag:$0x2] =	sbarrier.arrive $0xFFFF  }
0x96: {  	[sflag:s0] =	ssyncadd.tile.s32 @!p0 $0x1;
	_ =	shalt  }
.Lfunc_end2:
_tile_overlayer_lowered:
.L_overlay_start_2:
0x97: {  	(tag) =	ssettag $0x2  }
0x98: {  	s0 =	rddreg [dreg:$0x0];
	s2 =	stileid.u32  }
0x99: {  	s1 =	rddreg [dreg:$0x1];
	p0 =	sne.s32 s2, $0x0  }
0x9a: {  	s3 =	rddreg [dreg:$0x2];
	[bflag:$0x3] =	sbarrier.arrive $0xFFFF;
	s2 =	simm.s32 @!p0 $0x1C03  }
0x9b: {  	[timem:s3], [sflag:s2] =	dma.local @!p0 [hbm:s0], s1  }
0x9c: {  	s0 =	simm.s32 @!p0 $0x3  }
0x9d: {  	_ =	swait.ge @!p0 [sflag:s0], s1  }
0x9e: {  	s1 =	ssub.s32 @!p0 $0x0, s1;
	[sflag:s0] =	ssyncset.done @!p0 $0x0  }
0x9f: {  	[sflag:s0] =	ssyncadd.s32 @!p0 s1  }
0xa0: {  	[bflag:$0x3] =	sbarrier.arrive $0xFFFF  }
0xa1: {  	_ =	shalt  }

// kernel: kernel.20.cloned.1.call-start
scs
__scs_entry_jumppad:
0x0: {  	(pc) =	sbr.rel $0x88, $3  }
0x1: {  	(tag) =	ssettag $0x0;
	lr =	simm.s32 $0x1  }
0x2: {  	[smem:$0x3F8C] =	sst lr;
	_ =	strace $0xD0000000  }
0x3: {  	_ = 	snop  }
0x4: {  	_ = 	snop  }
0x5: {  	_ = 	snop  }
0x6: {  	_ = 	snop  }
0x7: {  	_ = 	snop  }
__scs_overlays_trampoline_lowered:
0x8: {  	[smem:$0x3F9B] =	sst s0  }
0x9: {  	[smem:$0x3F9C] =	sst s1  }
0xa: {  	[smem:$0x3F9D] =	sst s2  }
0xb: {  	[smem:$0x3F9E] =	sst s3  }
0xc: {  	[smem:$0x3F9F] =	sst s4  }
0xd: {  	[smem:$0x3FA0] =	sst s5  }
0xe: {  	[smem:$0x3FA1] =	sst s6  }
0xf: {  	[smem:$0x3FA2] =	sst s7  }
0x10: {  	[smem:$0x3FA3] =	sst s8  }
0x11: {  	[smem:$0x3FA4] =	sst s9;
	s0 =	simm.s32 @!p0 $0x0  }
0x12: {  	s1 =	sld [smem:$0x3F8A];
	s0 =	simm.s32 @p0 $0x1  }
0x13: {  	[smem:$0x3FA5] =	sst s0;
	s0 =	simm.s32 @!p1 $0x0  }
0x14: {  	s2 =	sld [smem:$0x3F89];
	s0 =	simm.s32 @p1 $0x1  }
0x15: {  	[smem:$0x3FA6] =	sst s0;
	s0 =	simm.s32 @!p2 $0x0  }
0x16: {  	s3 =	sld [smem:$0x3FDB];
	s0 =	simm.s32 @p2 $0x1  }
0x17: {  	s4 =	simm.s32 $0x1BF5;
	[smem:$0x3FA8] =	sst s0  }
0x18: {  	s0 =	sld [smem:$0x3F8B];
	_ =	swait.ge [sflag:s4], $0x0  }
0x19: {  	s7 =	sld [smem:$0x3F8C]  }
0x1a: {  	s8 =	sadd.s32 $0xFFFFE003, lr  }
0x1b: {  	s9 =	sadd.s32 $0xFFFFFEF7, lr;
	s5 =	simm.s32 $0xFFFFFFFF;
	p2 =	slt.u32 s8, $0xFFFFF086  }
0x1c: {  	p1 =	slt.u32 s9, $0xF7A;
	s5 =	simm.s32 @!p2 $0x0  }
0x1d: {  	s5 =	simm.s32 @p1 $0x1;
	p0 =	seq.s32 s7, s2  }
0x1e: {  	s7 =	smul.u32 @!p0 $0xF7A, s2;
	p2 =	seq.s32 @!p0 s5, $0x0  }
0x1f: {  	s9 =	smul.u32 $0xF7A, s1;
	s8 =	simm.s32 @!p0 $0x1BF5;
	p2 =	por !p2, p0  }
0x20: {  	[sflag:s8] =	ssyncset.s32 @!p0 $0xFFFFF086;
	s6 =	sadd.s32 @!p0 s3, s7;
	s7 =	simm.s32 @!p0 $0x108  }
0x21: {  	s3 =	sadd.s32 s3, s9;
	s6 =	sadd.s32 @!p0 $0x88, s6;
	s7 =	simm.s32 @p2 $0x1082  }
0x22: {  	[simem:s7], [sflag:s8] =	dma.local @!p0 [hbm:s6], $0xF7A  }
0x23: {  	s9 =	sor.u32 $0xD0000000, s2;
	s6 =	simm.s32 $0x108;
	_ =	swait.ge @!p0 [sflag:s8], $0x0  }
0x24: {  	s3 =	sadd.s32 $0x88, s3;
	s6 =	simm.s32 @!p1 $0x1082;
	[sflag:s4] =	ssyncset.s32 $0xFFFFF086  }
0x25: {  	[simem:s6], [sflag:s4] =	dma.local [hbm:s3], $0xF7A  }
0x26: {  	[smem:$0x3F8C] =	sst s1;
	(tag) =	ssettag s2;
	_ =	strace s9  }
0x27: {  	s1 =	sld [smem:$0x3F9C]  }
0x28: {  	s2 =	sld [smem:$0x3F9D]  }
0x29: {  	s4 =	sld [smem:$0x3F9F]  }
0x2a: {  	p0 =	seq.s32 s5, $0x0;
	s5 =	sld [smem:$0x3FA0]  }
0x2b: {  	s6 =	sld [smem:$0x3FA1]  }
0x2c: {  	s7 =	sld [smem:$0x3FA2]  }
0x2d: {  	s3 =	simm.s32 $0x108;
	s8 =	sld [smem:$0x3FA3]  }
0x2e: {  	s3 =	simm.s32 @!p0 $0x1082;
	s9 =	sld [smem:$0x3FA4]  }
0x2f: {  	lr =	sadd.s32 s0, s3;
	s0 =	sld [smem:$0x3F9B]  }
0x30: {  	s3 =	sld [smem:$0x3F9E]  }
0x31: {  	[smem:$0x3FA7] =	sst s10  }
0x32: {  	s10 =	sld [smem:$0x3FA5];
	_ =	sdelay $0x3  }
0x33: {  	p0 =	seq.s32 s10, $0x1;
	s10 =	sld [smem:$0x3FA7];
	_ =	sdelay $0x3  }
0x34: {  	[smem:$0x3FA7] =	sst s10  }
0x35: {  	s10 =	sld [smem:$0x3FA6];
	_ =	sdelay $0x3  }
0x36: {  	p1 =	seq.s32 s10, $0x1;
	s10 =	sld [smem:$0x3FA7];
	_ =	sdelay $0x3  }
0x37: {  	[smem:$0x3FA7] =	sst s10  }
0x38: {  	s10 =	sld [smem:$0x3FA8]  }
0x39: {  	_ = 	snop;
	(pc) =	sbr.ind lr, $3  }
0x3a: {  	_ = 	snop  }
0x3b: {  	_ = 	snop  }
0x3c: {  	p2 =	seq.s32 s10, $0x1;
	s10 =	sld [smem:$0x3FA7]  }
0x3d: {  	_ =	shalt  }
0x3e: {  	_ =	shalt  }
0x3f: {  	_ =	shalt  }
0x40: {  	_ =	shalt  }
0x41: {  	_ =	shalt  }
0x42: {  	_ =	shalt  }
0x43: {  	_ =	shalt  }
0x44: {  	_ =	shalt  }
0x45: {  	_ =	shalt  }
0x46: {  	_ =	shalt  }
0x47: {  	_ =	shalt  }
0x48: {  	_ =	shalt  }
0x49: {  	_ =	shalt  }
0x4a: {  	_ =	shalt  }
0x4b: {  	_ =	shalt  }
0x4c: {  	_ =	shalt  }
0x4d: {  	_ =	shalt  }
0x4e: {  	_ =	shalt  }
0x4f: {  	_ =	shalt  }
0x50: {  	_ =	shalt  }
0x51: {  	_ =	shalt  }
0x52: {  	_ =	shalt  }
0x53: {  	_ =	shalt  }
0x54: {  	_ =	shalt  }
0x55: {  	_ =	shalt  }
0x56: {  	_ =	shalt  }
0x57: {  	_ =	shalt  }
0x58: {  	_ =	shalt  }
0x59: {  	_ =	shalt  }
0x5a: {  	_ =	shalt  }
0x5b: {  	_ =	shalt  }
0x5c: {  	_ =	shalt  }
0x5d: {  	_ =	shalt  }
0x5e: {  	_ =	shalt  }
0x5f: {  	_ =	shalt  }
0x60: {  	_ =	shalt  }
0x61: {  	_ =	shalt  }
0x62: {  	_ =	shalt  }
0x63: {  	_ =	shalt  }
0x64: {  	_ =	shalt  }
0x65: {  	_ =	shalt  }
0x66: {  	_ =	shalt  }
0x67: {  	_ =	shalt  }
0x68: {  	_ =	shalt  }
0x69: {  	_ =	shalt  }
0x6a: {  	_ =	shalt  }
0x6b: {  	_ =	shalt  }
0x6c: {  	_ =	shalt  }
0x6d: {  	_ =	shalt  }
0x6e: {  	_ =	shalt  }
0x6f: {  	_ =	shalt  }
0x70: {  	_ =	shalt  }
0x71: {  	_ =	shalt  }
0x72: {  	_ =	shalt  }
0x73: {  	_ =	shalt  }
0x74: {  	_ =	shalt  }
0x75: {  	_ =	shalt  }
0x76: {  	_ =	shalt  }
0x77: {  	_ =	shalt  }
0x78: {  	_ =	shalt  }
0x79: {  	_ =	shalt  }
0x7a: {  	_ =	shalt  }
0x7b: {  	_ =	shalt  }
0x7c: {  	_ =	shalt  }
0x7d: {  	_ =	shalt  }
0x7e: {  	_ =	shalt  }
0x7f: {  	_ =	shalt  }
0x80: {  	_ =	shalt  }
0x81: {  	_ =	shalt  }
0x82: {  	_ =	shalt  }
0x83: {  	_ =	shalt  }
0x84: {  	_ =	shalt  }
0x85: {  	_ =	shalt  }
0x86: {  	_ =	shalt  }
0x87: {  	_ =	shalt  }
.Lfunc_end0:
.L_simem_size_0:
called_computation.3_lowered:
.L_overlay_start_0:
0x88: {  	s2 =	sld [smem:$0x3FD9]  }
0x89: {  	s3 =	sld [smem:$0x3FFE];
	_ =	sdelay $0x1  }
0x8a: {  	s1 =	srdreg.scid  }
0x8b: {  	s0 =	sand.u32 $0x1, s1  }
0x8c: {  	s14 =	sshll.u32 s0, $0xA;
	s2 =	sadd.s32 s3, s2  }
0x8d: {  	s2 =	sadd.s32 s2, s14  }
0x8e: {  	[smem:$0x3FB3] =	sst s2  }
0x8f: {  	_ = 	snop  }
0x90: {  	s2 =	sld [smem:$0x3FD0];
	_ =	sdelay $0x2  }
0x91: {  	s15 =	simm.s32 $0xA;
	s4 =	simm.s32 $0x10  }
0x92: {  	[smem:s4], [sflag:s15] =	dma.local [hbm:s2], $0x1  }
0x93: {  	_ =	swait.eq [sflag:s15], $0x1  }
0x94: {  	[sflag:s15] =	ssyncset.done $0x0  }
0x95: {  	s16 =	sld [smem:$0x10];
	[sflag:s15] =	ssyncadd.s32 $0xFFFFFFFF  }
0x96: {  	s17 =	sld [smem:$0x11];
	(tm) =	ssettm $0x1  }
0x97: {  	s18 =	sld [smem:$0x3FFB];
	_ =	sdelay $0x3  }
0x98: {  	_ =	strace s18  }
0x99: {  	s4 =	sld [smem:$0x3FFC];
	_ =	sdelay $0x3  }
0x9a: {  	_ =	strace s4  }
0x9b: {  	s4 =	sld [smem:$0x3FFD];
	_ =	sdelay $0x3  }
0x9c: {  	_ =	strace s4  }
0x9d: {  	_ =	strace $0x8FFFFFFF  }
0x9e: {  	s19 =	sld [smem:$0x3FDB];
	_ =	sdelay $0x1  }
0x9f: {  	s5 =	simm.s32 $_scs_section_size  }
0xa0: {  	s6 =	simm.s32 $_size__tile_overlayer_lowered;
	s7 =	simm.s32 $_tile_overlayer_lowered  }
0xa1: {  	s22 =	simm.s32 $0x1BFF;
	s21 =	sshll.u32 s7, $0x1;
	s4 =	sadd.s32 s5, s19  }
0xa2: {  	s8 =	simm.s32 $0x0;
	s20 =	sshll.u32 s6, $0x1;
	s6 =	sadd.s32 s21, s4  }
0xa3: {  	[timem:s8], [sflag:s22] =	dma.local [hbm:s6], s20  }
0xa4: {  	_ =	swait.ge [sflag:s22], s20  }
0xa5: {  	s5 =	ssub.s32 $0x0, s20;
	[sflag:s22] =	ssyncset.done $0x0  }
0xa6: {  	[sflag:s22] =	ssyncadd.s32 s5;
	_ =	sdelay $0x1  }
0xa7: {  	s23 =	simm.s32 $0x1B8B  }
0xa8: {  	_ =	swait.ge [sflag:s23], $0x1  }
0xa9: {  	[sflag:s23] =	ssyncset.done $0x0  }
0xaa: {  	s25 =	simm.s32 $0x1B8E;
	s24 =	sld [smem:$0x3FFE];
	[sflag:s23] =	ssyncadd.s32 $0xFFFFFFFF  }
0xab: {  	s26 =	simm.s32 $execute0_lowered;
	[smem:$0x3FD2] =	sst s25  }
0xac: {  	s6 =	sshll.u32 s26, $0x1;
	_ =	strace $0x8000004F;
	[dreg:$0x1] =	wrdreg $0xFFFFFFFF  }
0xad: {  	s28 =	simm.s32 $_size_execute0_lowered;
	s4 =	sadd.s32 s4, s6;
	[dreg:$0x0] =	wrdreg $0x0  }
0xae: {  	s6 =	sshll.u32 s28, $0x1;
	[dreg:$0x2] =	wrdreg s4  }
0xaf: {  	[dreg:$0x3] =	wrdreg s6  }
0xb0: {  	[dreg:$0x4] =	wrdreg $0xC0  }
0xb1: {  	_ =	task [dreg:s8], $0x5FFFF  }
0xb2: {  	[dreg:$0x1] =	wrdreg $0xFFFFFFFF  }
0xb3: {  	[dreg:$0x0] =	wrdreg $0x60  }
0xb4: {  	[dreg:$0x2] =	wrdreg s24  }
0xb5: {  	[dreg:$0x3] =	wrdreg s16  }
0xb6: {  	[dreg:$0x4] =	wrdreg s17  }
0xb7: {  	[dreg:$0x5] =	wrdreg $0xA8000  }
0xb8: {  	[dreg:$0x6] =	wrdreg $0x9  }
0xb9: {  	_ =	task.clear_ibuf [dreg:s8], $0x7FFFF;
	_ =	strace $0x9000004F  }
0xba: {  	s29 =	simm.s32 $0x9;
	_ =	strace $0x80000051  }
0xbb: {  	_ =	swait.ge [sflag:s29], $0x1  }
0xbc: {  	[sflag:s29] =	ssyncadd.s32 $0xFFFFFFFF  }
0xbd: {  	_ =	strace $0x90000051  }
0xbe: {  	_ =	sfence  }
0xbf: {  	s30 =	sld [smem:$0x0];
	_ =	sdelay $0x2  }
0xc0: {  	s31 =	sshll.u32 s1, $0xD;
	s1 =	sshrl.u32 s1, $0x2  }
0xc1: {  	s3 =	sand.u32 $0x4000, s31;
	s1 =	sadd.s32 s1, s30  }
0xc2: {  	s0 =	sor.u32 s3, s0;
	s1 =	sshll.u32 s1, $0x11  }
0xc3: {  	s0 =	sor.u32 s1, s0  }
0xc4: {  	s0 =	sadd.s32 $0x8F2B, s0  }
0xc5: {  	[sflag:s0] =	ssyncadd.remote.s32 $0x1  }
0xc6: {  	_ =	sfence.sel $0xFFFF  }
0xc7: {  	[dreg:$0x0] =	wrdreg $0xFFFFFFFF;
	(pc) =	sbr.abs _section_cstart, $3  }
0xc8: {  	[dreg:$0x1] =	wrdreg $0xFFFFFFFF  }
0xc9: {  	_ =	task.clear_ibuf [dreg:s8], $0x2FFFF;
	_ =	strace $0x9FFFFFFF  }
0xca: {  	(tm) =	ssettm $0x7FFFFFFF  }
0xcb: {  	_ =	shalt  }
tec
execute0_lowered:
.L_overlay_start_1:
0x0: {  	(tag) =	ssettag $0x1  }
0x1: {  	s6 =	rddreg [dreg:$0x0]  }
0x2: {  	s11 =	rddreg [dreg:$0x1]  }
0x3: {  	s1 =	rddreg [dreg:$0x2]  }
0x4: {  	s2 =	rddreg [dreg:$0x3]  }
0x5: {  	s3 =	srdreg.scid;
	s0 =	rddreg [dreg:$0x4]  }
0x6: {  	s4 =	simm.s32 $0x0;
	s15 =	simm.s32 $0x1400;
	s16 =	simm.s32 $0x80  }
0x7: {  	s17 =	simm.s32 $0x2800;
	s18 =	simm.s32 $0x6800;
	s19 =	simm.s32 $0x1  }
0x8: {  	s20 =	simm.s32 $0x2;
	s21 =	simm.s32 $0x2700;
	s7 =	sand.u32 $0x1, s3  }
0x9: {  	s22 =	simm.s32 $0x2780;
	s3 =	stileid.u32;
	s8 =	smul.u32 $0x140000, s7  }
0xa: {  	s23 =	simm.s32 $0x0;
	[smem:$0x7FF] =	sst s4;
	s9 =	smul.u32 $0x14000, s3  }
0xb: {  	s5 =	sadd.s32 $0xE600, s6;
	s12 =	sadd.s32 $0x4600, s6;
	s10 =	smul.u32 $0x50000, s3  }
0xc: {  	_ =	strace $0x80000050;
	s28 =	ssub.s32 $0x2, s7;
	s14 =	smul.u32 $0x500, s3  }
0xd: {  	p0 =	seq.s32 s7, $0x0;
	s30 =	sshll.u32 s3, $0x6;
	s13 =	sshrl.u32 s28, $0x1  }
0xe: {  	s8 =	sadd.s32 s9, s8;
	s9 =	ssub.s32 s28, s13;
	s29 =	sshrl.u32 s10, $0x2  }
0xf: {  	s10 =	sadd.s32 $0x5000, s14;
	s8 =	sshrl.u32 s8, $0x3;
	s31 =	sadd.s32 s29, s2  }
0x10: {  	s10 =	smov.u32 @p0 s14;
	s8 =	sadd.s32 s8, s6;
	s6 =	sor.u32 $0x1C03, s30  }
0x11: {  	s14 =	sadd.s32 $0x280, s10;
	s13 =	sshrl.u32 s31, $0x3;
	s7 =	sadd.s32 $0x36600, s8  }
0x12: {  	s8 =	smax.u32 s9, $0x1;
	s9 =	sadd.s32 s11, s10;
	s10 =	sadd.s32 s12, s10  }
0x13: {  	s11 =	sadd.s32 s11, s14;
	s12 =	sadd.s32 s12, s14;
	s14 =	simm.s32 $0x3  }
.LBB2_1:
0x14: {  	[spmem:s13], [sflag:s6] =	dma.local [hbm:s1], $0x2800  }
0x15: {  	_ =	swait.ge [sflag:s14], $0x2800  }
0x16: {  	[sflag:s14] =	ssyncset.done $0x0  }
0x17: {  	[sflag:s14] =	ssyncadd.s32 $0xFFFFD800  }
0x18: {  	[bflag:$0x0] =	sbarrier.arrive $0xFFFF  }
0x19: {  	[tilespmem:s4], [sflag:$0x3] =	stream.linear.gather [hbm4b:s9+s4], $0x1400, $0x38;
	[tilespmem:$0x1E800] =	vst v63  }
0x1a: {  	_ =	swait.ge [sflag:s14], $0x1400  }
0x1b: {  	[sflag:s14] =	ssyncset.done $0x0  }
0x1c: {  	[sflag:s14] =	ssyncadd.s32 $0xFFFFEC00  }
0x1d: {  	[tilespmem:s15], [sflag:$0x3] =	stream.linear.gather [hbm4b:s10+s4], $0x1400, $0x38;
	[tilespmem:$0x1E800] =	vst v63  }
0x1e: {  	_ =	swait.ge [sflag:s14], $0x1400  }
0x1f: {  	[sflag:s14] =	ssyncset.done $0x0  }
0x20: {  	[sflag:s14] =	ssyncadd.s32 $0xFFFFEC00  }
0x21: {  	[tilespmem:s17], [sflag:$0x1] =	stream.indirect.gather [hbm4b:s5+s16], $0x80, s4, s16, $0xb8;
	[tilespmem:$0x1E800] =	vst v63  }
0x22: {  	_ = 	snop  }
0x23: {  	[tilespmem:s18], [sflag:$0x2] =	stream.indirect.gather [hbm4b:s5+s16], $0x80, s16, s16, $0xb8;
	[tilespmem:$0x1E800] =	vst v63  }
0x24: {  	_ =	swait.ge [sflag:s19], $0x4000  }
0x25: {  	[sflag:s19] =	ssyncset.done $0x0  }
0x26: {  	s24 =	simm.s32 $0x1400;
	[sflag:s19] =	ssyncadd.s32 $0xFFFFC000  }
0x27: {  	[spmem:s2] =	stream.indirect.scatter.add.f32 [tilespmem:s17], [sflag:$0x3], $0x80, s24, s16, $0xb8;
	[tilespmem:$0x1E800] =	vst v63  }
0x28: {  	_ =	swait.ge [sflag:s14], $0x4000  }
0x29: {  	[sflag:s14] =	ssyncset.done $0x0  }
0x2a: {  	s30 =	simm.s32 $0x100;
	[sflag:s14] =	ssyncadd.s32 $0xFFFFC000  }
0x2b: {  	[tilespmem:s17], [sflag:$0x1] =	stream.indirect.gather [hbm4b:s5+s16], $0x80, s30, s16, $0xb8;
	[tilespmem:$0x1E800] =	vst v63  }
0x2c: {  	_ =	swait.ge [sflag:s20], $0x4000  }
0x2d: {  	[sflag:s20] =	ssyncset.done $0x0  }
0x2e: {  	s31 =	simm.s32 $0x1480;
	[sflag:s20] =	ssyncadd.s32 $0xFFFFC000  }
0x2f: {  	[spmem:s2] =	stream.indirect.scatter.add.f32 [tilespmem:s18], [sflag:$0x3], $0x80, s31, s16, $0xb8;
	[tilespmem:$0x1E800] =	vst v63  }
0x30: {  	_ =	swait.ge [sflag:s14], $0x4000  }
0x31: {  	[sflag:s14] =	ssyncset.done $0x0  }
0x32: {  	s25 =	simm.s32 $0x180;
	s24 =	simm.s32 $0x400;
	[sflag:s14] =	ssyncadd.s32 $0xFFFFC000  }
.LBB2_2:
0x33: {  	[tilespmem:s18], [sflag:$0x2] =	stream.indirect.gather [hbm4b:s5+s16], $0x80, s25, s16, $0xb8;
	[tilespmem:$0x1E800] =	vst v63  }
0x34: {  	s25 =	smov.u32 s24  }
0x35: {  	p0 =	sne.s32 s24, $0x4800;
	s24 =	sadd.s32 $0x400, s24;
	_ =	swait.ge [sflag:s19], $0x4000  }
0x36: {  	s25 =	sshra.s32 s25, $0x2;
	[sflag:s19] =	ssyncset.done $0x0  }
0x37: {  	s26 =	sadd.s32 $0x1400, s25;
	[sflag:s19] =	ssyncadd.s32 $0xFFFFC000  }
0x38: {  	[spmem:s2] =	stream.indirect.scatter.add.f32 [tilespmem:s17], [sflag:$0x3], $0x80, s26, s16, $0xb8;
	[tilespmem:$0x1E800] =	vst v63  }
0x39: {  	_ =	swait.ge [sflag:s14], $0x4000  }
0x3a: {  	[sflag:s14] =	ssyncset.done $0x0  }
0x3b: {  	s26 =	sadd.s32 $0x100, s25;
	[sflag:s14] =	ssyncadd.s32 $0xFFFFC000  }
0x3c: {  	[tilespmem:s17], [sflag:$0x1] =	stream.indirect.gather [hbm4b:s5+s16], $0x80, s26, s16, $0xb8;
	[tilespmem:$0x1E800] =	vst v63  }
0x3d: {  	_ =	swait.ge [sflag:s20], $0x4000  }
0x3e: {  	[sflag:s20] =	ssyncset.done $0x0  }
.Ltmp0:
0x3f: {  	s26 =	sadd.s32 $0x1480, s25;
	[sflag:s20] =	ssyncadd.s32 $0xFFFFC000;
	(pc) =	sbr.rel @p0 .LBB2_2-.Ltmp0, $4  }
0x40: {  	[spmem:s2] =	stream.indirect.scatter.add.f32 [tilespmem:s18], [sflag:$0x3], $0x80, s26, s16, $0xb8;
	[tilespmem:$0x1E800] =	vst v63  }
0x41: {  	_ =	swait.ge [sflag:s14], $0x4000  }
0x42: {  	[sflag:s14] =	ssyncset.done $0x0  }
0x43: {  	s25 =	sadd.s32 $0x180, s25;
	[sflag:s14] =	ssyncadd.s32 $0xFFFFC000  }
0x44: {  	[tilespmem:s18], [sflag:$0x2] =	stream.indirect.gather [hbm4b:s5+s16], $0x80, s25, s16, $0xb8;
	[tilespmem:$0x1E800] =	vst v63  }
0x45: {  	_ =	swait.ge [sflag:s19], $0x4000  }
0x46: {  	[sflag:s19] =	ssyncset.done $0x0  }
0x47: {  	[sflag:s19] =	ssyncadd.s32 $0xFFFFC000  }
0x48: {  	[spmem:s2] =	stream.indirect.scatter.add.f32 [tilespmem:s17], [sflag:$0x3], $0x80, s21, s16, $0xb8;
	[tilespmem:$0x1E800] =	vst v63  }
0x49: {  	_ =	swait.ge [sflag:s14], $0x4000  }
0x4a: {  	[sflag:s14] =	ssyncset.done $0x0  }
0x4b: {  	[sflag:s14] =	ssyncadd.s32 $0xFFFFC000  }
0x4c: {  	_ =	swait.ge [sflag:s20], $0x4000  }
0x4d: {  	[sflag:s20] =	ssyncset.done $0x0  }
0x4e: {  	[sflag:s20] =	ssyncadd.s32 $0xFFFFC000  }
0x4f: {  	[spmem:s2] =	stream.indirect.scatter.add.f32 [tilespmem:s18], [sflag:$0x3], $0x80, s22, s16, $0xb8;
	[tilespmem:$0x1E800] =	vst v63  }
0x50: {  	_ =	swait.ge [sflag:s14], $0x4000  }
0x51: {  	[sflag:s14] =	ssyncset.done $0x0  }
0x52: {  	s24 =	simm.s32 $0x0;
	[sflag:s14] =	ssyncadd.s32 $0xFFFFC000  }
0x53: {  	[tilespmem:s24], [sflag:$0x3] =	stream.linear.gather [hbm4b:s11+s24], $0x1400, $0x38;
	[tilespmem:$0x1E800] =	vst v63  }
0x54: {  	_ =	swait.ge [sflag:s14], $0x1400  }
0x55: {  	[sflag:s14] =	ssyncset.done $0x0  }
0x56: {  	[sflag:s14] =	ssyncadd.s32 $0xFFFFEC00  }
0x57: {  	[tilespmem:s15], [sflag:$0x3] =	stream.linear.gather [hbm4b:s12+s24], $0x1400, $0x38;
	[tilespmem:$0x1E800] =	vst v63  }
0x58: {  	_ =	swait.ge [sflag:s14], $0x1400  }
0x59: {  	[sflag:s14] =	ssyncset.done $0x0  }
0x5a: {  	[sflag:s14] =	ssyncadd.s32 $0xFFFFEC00  }
0x5b: {  	[tilespmem:s17], [sflag:$0x1] =	stream.indirect.gather [hbm4b:s5+s16], $0x80, s24, s16, $0xb8;
	[tilespmem:$0x1E800] =	vst v63  }
0x5c: {  	_ = 	snop  }
0x5d: {  	[tilespmem:s18], [sflag:$0x2] =	stream.indirect.gather [hbm4b:s5+s16], $0x80, s16, s16, $0xb8;
	[tilespmem:$0x1E800] =	vst v63  }
0x5e: {  	_ =	swait.ge [sflag:s19], $0x4000  }
0x5f: {  	[sflag:s19] =	ssyncset.done $0x0  }
0x60: {  	s29 =	simm.s32 $0x1400;
	[sflag:s19] =	ssyncadd.s32 $0xFFFFC000  }
0x61: {  	[spmem:s2] =	stream.indirect.scatter.add.f32 [tilespmem:s17], [sflag:$0x3], $0x80, s29, s16, $0xb8;
	[tilespmem:$0x1E800] =	vst v63  }
0x62: {  	_ =	swait.ge [sflag:s14], $0x4000  }
0x63: {  	[sflag:s14] =	ssyncset.done $0x0  }
0x64: {  	s30 =	simm.s32 $0x100;
	[sflag:s14] =	ssyncadd.s32 $0xFFFFC000  }
0x65: {  	[tilespmem:s17], [sflag:$0x1] =	stream.indirect.gather [hbm4b:s5+s16], $0x80, s30, s16, $0xb8;
	[tilespmem:$0x1E800] =	vst v63  }
0x66: {  	_ =	swait.ge [sflag:s20], $0x4000  }
0x67: {  	[sflag:s20] =	ssyncset.done $0x0  }
0x68: {  	s31 =	simm.s32 $0x1480;
	[sflag:s20] =	ssyncadd.s32 $0xFFFFC000  }
0x69: {  	[spmem:s2] =	stream.indirect.scatter.add.f32 [tilespmem:s18], [sflag:$0x3], $0x80, s31, s16, $0xb8;
	[tilespmem:$0x1E800] =	vst v63  }
0x6a: {  	_ =	swait.ge [sflag:s14], $0x4000  }
0x6b: {  	[sflag:s14] =	ssyncset.done $0x0  }
0x6c: {  	s25 =	simm.s32 $0x180;
	s24 =	simm.s32 $0x400;
	[sflag:s14] =	ssyncadd.s32 $0xFFFFC000  }
.LBB2_4:
0x6d: {  	[tilespmem:s18], [sflag:$0x2] =	stream.indirect.gather [hbm4b:s5+s16], $0x80, s25, s16, $0xb8;
	[tilespmem:$0x1E800] =	vst v63  }
0x6e: {  	s25 =	smov.u32 s24  }
0x6f: {  	p0 =	sne.s32 s24, $0x4800;
	s24 =	sadd.s32 $0x400, s24;
	_ =	swait.ge [sflag:s19], $0x4000  }
0x70: {  	s25 =	sshra.s32 s25, $0x2;
	[sflag:s19] =	ssyncset.done $0x0  }
0x71: {  	s26 =	sadd.s32 $0x1400, s25;
	[sflag:s19] =	ssyncadd.s32 $0xFFFFC000  }
0x72: {  	[spmem:s2] =	stream.indirect.scatter.add.f32 [tilespmem:s17], [sflag:$0x3], $0x80, s26, s16, $0xb8;
	[tilespmem:$0x1E800] =	vst v63  }
0x73: {  	_ =	swait.ge [sflag:s14], $0x4000  }
0x74: {  	[sflag:s14] =	ssyncset.done $0x0  }
0x75: {  	s26 =	sadd.s32 $0x100, s25;
	[sflag:s14] =	ssyncadd.s32 $0xFFFFC000  }
0x76: {  	[tilespmem:s17], [sflag:$0x1] =	stream.indirect.gather [hbm4b:s5+s16], $0x80, s26, s16, $0xb8;
	[tilespmem:$0x1E800] =	vst v63  }
0x77: {  	_ =	swait.ge [sflag:s20], $0x4000  }
0x78: {  	[sflag:s20] =	ssyncset.done $0x0  }
.Ltmp1:
0x79: {  	s26 =	sadd.s32 $0x1480, s25;
	[sflag:s20] =	ssyncadd.s32 $0xFFFFC000;
	(pc) =	sbr.rel @p0 .LBB2_4-.Ltmp1, $4  }
0x7a: {  	[spmem:s2] =	stream.indirect.scatter.add.f32 [tilespmem:s18], [sflag:$0x3], $0x80, s26, s16, $0xb8;
	[tilespmem:$0x1E800] =	vst v63  }
0x7b: {  	_ =	swait.ge [sflag:s14], $0x4000  }
0x7c: {  	[sflag:s14] =	ssyncset.done $0x0  }
0x7d: {  	s25 =	sadd.s32 $0x180, s25;
	[sflag:s14] =	ssyncadd.s32 $0xFFFFC000  }
0x7e: {  	[tilespmem:s18], [sflag:$0x2] =	stream.indirect.gather [hbm4b:s5+s16], $0x80, s25, s16, $0xb8;
	[tilespmem:$0x1E800] =	vst v63  }
0x7f: {  	_ =	swait.ge [sflag:s19], $0x4000  }
0x80: {  	[sflag:s19] =	ssyncset.done $0x0  }
0x81: {  	[sflag:s19] =	ssyncadd.s32 $0xFFFFC000  }
0x82: {  	[spmem:s2] =	stream.indirect.scatter.add.f32 [tilespmem:s17], [sflag:$0x3], $0x80, s21, s16, $0xb8;
	[tilespmem:$0x1E800] =	vst v63  }
0x83: {  	_ =	swait.ge [sflag:s14], $0x4000  }
0x84: {  	[sflag:s14] =	ssyncset.done $0x0  }
0x85: {  	[sflag:s14] =	ssyncadd.s32 $0xFFFFC000  }
0x86: {  	_ =	swait.ge [sflag:s20], $0x4000  }
0x87: {  	[sflag:s20] =	ssyncset.done $0x0  }
0x88: {  	[sflag:s20] =	ssyncadd.s32 $0xFFFFC000  }
0x89: {  	[spmem:s2] =	stream.indirect.scatter.add.f32 [tilespmem:s18], [sflag:$0x3], $0x80, s22, s16, $0xb8;
	[tilespmem:$0x1E800] =	vst v63  }
0x8a: {  	_ =	swait.ge [sflag:s14], $0x4000  }
0x8b: {  	s23 =	sadd.s32 $0x1, s23;
	[sflag:s14] =	ssyncset.done $0x0  }
0x8c: {  	p0 =	sne.s32 s23, s8;
	[sflag:s14] =	ssyncadd.s32 $0xFFFFC000  }
.Ltmp2:
0x8d: {  	[bflag:$0x0] =	sbarrier.arrive $0xFFFF;
	(pc) =	sbr.rel @p0 .LBB2_1-.Ltmp2, $4  }
0x8e: {  	[hbm:s7], [sflag:s6] =	dma.local [spmem:s13], $0x2800  }
0x8f: {  	_ =	swait.ge [sflag:s14], $0x2800  }
0x90: {  	[sflag:s14] =	ssyncset.done $0x0  }
0x91: {  	[sflag:s14] =	ssyncadd.s32 $0xFFFFD800  }
0x92: {  	_ =	sfence.sel $0x180000  }
0x93: {  	[bflag:$0x0] =	sbarrier.arrive $0xFFFF  }
0x94: {  	p0 =	sne.s32 s3, $0x0;
	_ =	strace $0x90000050  }
0x95: {  	s0 =	sadd.s32 @!p0 $0x100000, s0;
	[bflag:$0x2] =	sbarrier.arrive $0xFFFF  }
0x96: {  	[sflag:s0] =	ssyncadd.tile.s32 @!p0 $0x1;
	_ =	shalt  }
.Lfunc_end2:
_tile_overlayer_lowered:
.L_overlay_start_2:
0x97: {  	(tag) =	ssettag $0x2  }
0x98: {  	s0 =	rddreg [dreg:$0x0];
	s2 =	stileid.u32  }
0x99: {  	s1 =	rddreg [dreg:$0x1];
	p0 =	sne.s32 s2, $0x0  }
0x9a: {  	s3 =	rddreg [dreg:$0x2];
	[bflag:$0x3] =	sbarrier.arrive $0xFFFF;
	s2 =	simm.s32 @!p0 $0x1C03  }
0x9b: {  	[timem:s3], [sflag:s2] =	dma.local @!p0 [hbm:s0], s1  }
0x9c: {  	s0 =	simm.s32 @!p0 $0x3  }
0x9d: {  	_ =	swait.ge @!p0 [sflag:s0], s1  }
0x9e: {  	s1 =	ssub.s32 @!p0 $0x0, s1;
	[sflag:s0] =	ssyncset.done @!p0 $0x0  }
0x9f: {  	[sflag:s0] =	ssyncadd.s32 @!p0 s1  }
0xa0: {  	[bflag:$0x3] =	sbarrier.arrive $0xFFFF  }
0xa1: {  	_ =	shalt  }

</sc_bundles>
